<compile_context>
chip_gen: v7x
topology: tpu7x:2x2x1
jax: 0.10.2.dev20260603
libtpu: 0.0.44.dev20260713+nightly
codegen_flags: <defaults>
</compile_context>

<pallas_src>
import functools

import jax
import jax.numpy as jnp
from jax import lax
from jax.experimental import pallas as pl
from jax.experimental.pallas import tpu as pltpu
from jax.experimental.pallas import tpu_sc as plsc

HIDDEN = 64
OUT = 64
NW = 32
CHUNK = 128
K = 4


def _transform_tc(embT, W, b8):
    M = embT.shape[1]
    BLK = 16384

    def body(e_ref, w_ref, b_ref, o_ref):
        x = jnp.maximum(e_ref[...], 0.0)
        y = lax.dot_general(x, w_ref[...], (((0,), (1,)), ((), ())),
                            preferred_element_type=jnp.float32)
        y = y + b_ref[0:1, :]
        o_ref[...] = jnp.concatenate([y, y], axis=1)

    return pl.pallas_call(
        body,
        grid=(pl.cdiv(M, BLK),),
        in_specs=[
            pl.BlockSpec((HIDDEN, BLK), lambda i: (0, i)),
            pl.BlockSpec((OUT, HIDDEN), lambda i: (0, 0)),
            pl.BlockSpec((8, OUT), lambda i: (0, 0)),
        ],
        out_specs=pl.BlockSpec((BLK, 2 * OUT), lambda i: (i, 0)),
        out_shape=jax.ShapeDtypeStruct((M, 2 * OUT), jnp.float32),
    )(embT, W, b8)


def _gather_sc(idx2d, table, nrows, row0):
    B = nrows
    rows_per_w = B // NW
    rnd_rows = K * CHUNK
    rounds = rows_per_w // rnd_rows
    mesh = plsc.VectorSubcoreMesh(core_axis_name="c", subcore_axis_name="s")

    @functools.partial(
        pl.kernel,
        out_type=jax.ShapeDtypeStruct((B, 2 * OUT), jnp.float32),
        mesh=mesh,
        scratch_types=[
            pltpu.VMEM((2, K, CHUNK), jnp.int32),
            pltpu.VMEM((rnd_rows, 2 * OUT), jnp.float32),
            pltpu.SemaphoreType.DMA((2,)),
            pltpu.SemaphoreType.DMA,
            pltpu.SemaphoreType.DMA,
        ],
        compiler_params=pltpu.CompilerParams(use_tc_tiling_on_sc=True),
    )
    def gather_kernel(idx_hbm, tab_hbm, out_hbm, idx_v, rows_v, idx_sem,
                      g_sem, o_sem):
        wid = lax.axis_index("s") * 2 + lax.axis_index("c")
        base = wid * rows_per_w
        ibase = row0 // CHUNK + wid * (rows_per_w // CHUNK)

        def idx_src(r):
            return idx_hbm.at[pl.ds(ibase + r * K, K)]

        def out_copy(r):
            return pltpu.make_async_copy(
                rows_v,
                out_hbm.at[pl.ds(base + r * rnd_rows, rnd_rows)],
                o_sem)

        pltpu.async_copy(idx_src(0), idx_v.at[0], idx_sem.at[0])

        def round_body(r, carry):
            s = lax.rem(r, 2)

            @pl.when(r + 1 < rounds)
            def _():
                pltpu.async_copy(idx_src(r + 1), idx_v.at[1 - s],
                                 idx_sem.at[1 - s])

            pltpu.make_async_copy(idx_src(r), idx_v.at[s],
                                  idx_sem.at[s]).wait()

            @pl.when(r > 0)
            def _():
                out_copy(r - 1).wait()

            for j in range(K):
                pltpu.async_copy(tab_hbm.at[idx_v.at[s].at[j]],
                                 rows_v.at[pl.ds(j * CHUNK, CHUNK)], g_sem)
            for j in range(K):
                pltpu.make_async_copy(tab_hbm.at[idx_v.at[s].at[j]],
                                      rows_v.at[pl.ds(j * CHUNK, CHUNK)],
                                      g_sem).wait()

            out_copy(r).start()
            return carry

        lax.fori_loop(0, rounds, round_body, 0)
        out_copy(rounds - 1).wait()

    return gather_kernel(idx2d, table)


def _out_transpose_tc(rows, batch, hist, h0, prev):
    BLKB = 8192
    nb = batch // BLKB
    nh = rows.shape[0] // batch
    out_shape = jax.ShapeDtypeStruct((hist, OUT, batch), jnp.float32)
    in_specs = [
        pl.BlockSpec((BLKB, 2 * OUT), lambda h, j: (h * nb + j, 0)),
    ]
    out_spec = pl.BlockSpec((1, OUT, BLKB), lambda h, j: (h + h0, 0, j))

    if prev is None:
        def body0(r_ref, o_ref):
            o_ref[0] = r_ref[:, :OUT].T

        return pl.pallas_call(
            body0, grid=(nh, nb), in_specs=in_specs, out_specs=out_spec,
            out_shape=out_shape,
        )(rows)

    def body(r_ref, p_ref, o_ref):
        o_ref[0] = r_ref[:, :OUT].T

    return pl.pallas_call(
        body,
        grid=(nh, nb),
        in_specs=in_specs + [pl.BlockSpec((1, 8, 128), lambda h, j: (0, 0, 0))],
        out_specs=out_spec,
        out_shape=out_shape,
        input_output_aliases={1: 0},
    )(rows, prev)


def kernel(X, emb, W, b):
    batch, hist = X.shape
    NCH = 5
    hc = hist // NCH
    idx2d = X.T.reshape(-1, CHUNK).astype(jnp.int32)
    b8 = jnp.broadcast_to(b[None, :], (8, OUT))
    table = _transform_tc(emb.T, W, b8)
    nrows = hc * batch
    p = None
    for i in range(NCH):
        rows = _gather_sc(idx2d, table, nrows, i * nrows)
        p = _out_transpose_tc(rows, batch, hist, i * hc, p)
    return p.transpose(2, 0, 1)

# --- scband reference (transcript-rebuilt; emitter-appended) ---
"""Pipeline reference for scband-test-nn-23227183137015 (READ-ONLY COPY).

The authoritative reference and input builder live on the scoring server;
editing this copy changes nothing except your own understanding.
"""

import jax, jax.numpy as jnp
import numpy as np

ONEHOT_SIZE = 1000000
HIDDEN_SIZE = 64
OUT_SIZE = 64
BATCH = 16384
HIST = 50


def setup_inputs(seed: int = 0) -> dict:
    key = jax.random.key(seed)
    k_idx, k_emb, k_w, k_b = jax.random.split(key, 4)
    X = jax.random.randint(k_idx, (BATCH, HIST), 0, ONEHOT_SIZE, dtype=jnp.int64 if jax.config.jax_enable_x64 else jnp.int32)
    # nn.Embedding default init: N(0, 1)
    emb = jax.random.normal(k_emb, (ONEHOT_SIZE, HIDDEN_SIZE), dtype=jnp.float32)
    # nn.Linear default init: U(-1/sqrt(fan_in), 1/sqrt(fan_in))
    bound = 1.0 / np.sqrt(HIDDEN_SIZE)
    W = jax.random.uniform(k_w, (OUT_SIZE, HIDDEN_SIZE), minval=-bound, maxval=bound, dtype=jnp.float32)
    b = jax.random.uniform(k_b, (OUT_SIZE,), minval=-bound, maxval=bound, dtype=jnp.float32)
    return {"X": X, "emb": emb, "W": W, "b": b}


def reference(X, emb, W, b):
    # embedding lookup (gather)
    X_embd = jnp.take(emb, X, axis=0)  # [B, L, H]
    # relu then linear: y = relu(x) @ W^T + b
    Y = jnp.dot(jax.nn.relu(X_embd), W.T) + b
    return Y

if __name__ == "__main__":
    import jax
    _d = setup_inputs()
    print(jax.jit(kernel)(*tuple(_d.values())))

</pallas_src>

<mosaic_0001>
#map = affine_map<(d0, d1) -> (0, 0)>
module attributes {stable_mosaic.version = 14 : i64} {
  func.func @gather_kernel(%arg0: i32, %arg1: i32, %arg2: memref<6400x128xi32, #tpu.memory_space<hbm>>, %arg3: memref<1000000x128xf32, #tpu.memory_space<hbm>>, %arg4: memref<163840x128xf32, #tpu.memory_space<hbm>>, %arg5: memref<2x4x128xi32, #tpu.memory_space<vmem>>, %arg6: memref<512x128xf32, #tpu.memory_space<vmem>>, %arg7: memref<2x!tpu.dma_semaphore, #tpu.memory_space<semaphore_mem>>, %arg8: memref<!tpu.dma_semaphore, #tpu.memory_space<semaphore_mem>>, %arg9: memref<!tpu.dma_semaphore, #tpu.memory_space<semaphore_mem>>) attributes {dimension_semantics = [#tpu.dimension_semantics<core_parallel>, #tpu.dimension_semantics<subcore_parallel>], iteration_bounds = array<i64: 2, 16>, scalar_prefetch = 0 : i64, scratch_operands = 5 : i64, tpu.core_type = #tpu.core_type<sc_vector_subcore>, window_params = [{transform_indices = #map}, {transform_indices = #map}, {transform_indices = #map}]} {
    %mul3A = arith.constant 2 : i32
    %mul3A_0 = arith.muli %arg1, %mul3A : i32
    %add3A = arith.addi %mul3A_0, %arg0 : i32
    %mul3A_1 = arith.constant 5120 : i32
    %mul3A_2 = arith.muli %add3A, %mul3A_1 : i32
    %mul3A_3 = arith.constant 40 : i32
    %mul3A_4 = arith.muli %add3A, %mul3A_3 : i32
    %add3A_5 = arith.constant 1280 : i32
    %add3A_6 = arith.addi %add3A_5, %mul3A_4 : i32
    %add3A_7 = arith.constant 0 : i32
    %add3A_8 = arith.addi %add3A_6, %add3A_7 : i32
    %dma_start3A = arith.constant 0 : i32
    %dma_start3A_9 = arith.constant 0 : i32
    %dma_start3A_10 = arith.constant 0 : i32
    %dma_start3A_11 = arith.constant 0 : i32
    %dma_start3A_12 = tpu.memref_slice %arg5[%dma_start3A, %dma_start3A_10, %dma_start3A_11] : memref<2x4x128xi32, #tpu.memory_space<vmem>> -> memref<1x4x128xi32, #tpu.memory_space<vmem>>
    %dma_start3A_13 = tpu.memref_squeeze %dma_start3A_12 : memref<1x4x128xi32, #tpu.memory_space<vmem>> -> memref<4x128xi32, #tpu.memory_space<vmem>>
    %dma_start3A_14 = arith.constant 0 : i32
    %dma_start3A_15 = tpu.memref_slice %arg2[%add3A_8, %dma_start3A_14] : memref<6400x128xi32, #tpu.memory_space<hbm>> -> memref<4x128xi32, #tpu.memory_space<hbm>>
    %dma_start3A_16 = tpu.memref_slice %arg7[%dma_start3A_9] : memref<2x!tpu.dma_semaphore, #tpu.memory_space<semaphore_mem>> -> memref<1x!tpu.dma_semaphore, #tpu.memory_space<semaphore_mem>>
    %dma_start3A_17 = tpu.memref_squeeze %dma_start3A_16 : memref<1x!tpu.dma_semaphore, #tpu.memory_space<semaphore_mem>> -> memref<!tpu.dma_semaphore, #tpu.memory_space<semaphore_mem>>
    %dma_start3A_18 = arith.constant 0 : i32
    %dma_start3A_19 = arith.constant 0 : i32
    %dma_start3A_20 = tpu.memref_slice %arg5[%dma_start3A, %dma_start3A_18, %dma_start3A_19] : memref<2x4x128xi32, #tpu.memory_space<vmem>> -> memref<1x4x128xi32, #tpu.memory_space<vmem>>
    %dma_start3A_21 = tpu.memref_squeeze %dma_start3A_20 : memref<1x4x128xi32, #tpu.memory_space<vmem>> -> memref<4x128xi32, #tpu.memory_space<vmem>>
    %dma_start3A_22 = arith.constant 0 : i32
    %dma_start3A_23 = tpu.memref_slice %arg2[%add3A_8, %dma_start3A_22] : memref<6400x128xi32, #tpu.memory_space<hbm>> -> memref<4x128xi32, #tpu.memory_space<hbm>>
    tpu.enqueue_dma source(%dma_start3A_23 : memref<4x128xi32, #tpu.memory_space<hbm>>) target(%dma_start3A_21 : memref<4x128xi32, #tpu.memory_space<vmem>>) target_semaphore(%dma_start3A_17 : memref<!tpu.dma_semaphore, #tpu.memory_space<semaphore_mem>>)
    %scan3A = arith.constant 0 : i32
    %scan3A_24 = arith.constant 0 : i32
    %scan3A_25 = arith.constant 10 : i32
    %scan3A_26 = arith.addi %scan3A_24, %scan3A_25 : i32
    %scan3A_27 = arith.constant 1 : i32
    scf.for %scan3A_34 = %scan3A_24 to %scan3A_26 step %scan3A_27  : i32 {
      %rem3A = arith.constant 2 : i32
      %rem3A_35 = arith.remsi %scan3A_34, %rem3A : i32
      %add3A_36 = arith.constant 1 : i32
      %add3A_37 = arith.addi %scan3A_34, %add3A_36 : i32
      %lt3A = arith.constant 10 : i32
      %lt3A_38 = arith.cmpi slt, %add3A_37, %lt3A : i32
      %convert_element_type3A = arith.extui %lt3A_38 : i1 to i32
      %cond3A = arith.constant 0 : i32
      %cond3A_39 = arith.cmpi ne, %convert_element_type3A, %cond3A : i32
      scf.if %cond3A_39 {
        %add3A_180 = arith.constant 1 : i32
        %add3A_181 = arith.addi %scan3A_34, %add3A_180 : i32
        %mul3A_182 = arith.constant 4 : i32
        %mul3A_183 = arith.muli %add3A_181, %mul3A_182 : i32
        %add3A_184 = arith.addi %add3A_6, %mul3A_183 : i32
        %sub3A = arith.constant 1 : i32
        %sub3A_185 = arith.subi %sub3A, %rem3A_35 : i32
        %sub3A_186 = arith.constant 1 : i32
        %sub3A_187 = arith.subi %sub3A_186, %rem3A_35 : i32
        %dma_start3A_188 = arith.constant 0 : i32
        %dma_start3A_189 = arith.constant 0 : i32
        %dma_start3A_190 = tpu.memref_slice %arg5[%sub3A_185, %dma_start3A_188, %dma_start3A_189] : memref<2x4x128xi32, #tpu.memory_space<vmem>> -> memref<1x4x128xi32, #tpu.memory_space<vmem>>
        %dma_start3A_191 = tpu.memref_squeeze %dma_start3A_190 : memref<1x4x128xi32, #tpu.memory_space<vmem>> -> memref<4x128xi32, #tpu.memory_space<vmem>>
        %dma_start3A_192 = arith.constant 0 : i32
        %dma_start3A_193 = tpu.memref_slice %arg2[%add3A_184, %dma_start3A_192] : memref<6400x128xi32, #tpu.memory_space<hbm>> -> memref<4x128xi32, #tpu.memory_space<hbm>>
        %dma_start3A_194 = tpu.memref_slice %arg7[%sub3A_187] : memref<2x!tpu.dma_semaphore, #tpu.memory_space<semaphore_mem>> -> memref<1x!tpu.dma_semaphore, #tpu.memory_space<semaphore_mem>>
        %dma_start3A_195 = tpu.memref_squeeze %dma_start3A_194 : memref<1x!tpu.dma_semaphore, #tpu.memory_space<semaphore_mem>> -> memref<!tpu.dma_semaphore, #tpu.memory_space<semaphore_mem>>
        %dma_start3A_196 = arith.constant 0 : i32
        %dma_start3A_197 = arith.constant 0 : i32
        %dma_start3A_198 = tpu.memref_slice %arg5[%sub3A_185, %dma_start3A_196, %dma_start3A_197] : memref<2x4x128xi32, #tpu.memory_space<vmem>> -> memref<1x4x128xi32, #tpu.memory_space<vmem>>
        %dma_start3A_199 = tpu.memref_squeeze %dma_start3A_198 : memref<1x4x128xi32, #tpu.memory_space<vmem>> -> memref<4x128xi32, #tpu.memory_space<vmem>>
        %dma_start3A_200 = arith.constant 0 : i32
        %dma_start3A_201 = tpu.memref_slice %arg2[%add3A_184, %dma_start3A_200] : memref<6400x128xi32, #tpu.memory_space<hbm>> -> memref<4x128xi32, #tpu.memory_space<hbm>>
        tpu.enqueue_dma source(%dma_start3A_201 : memref<4x128xi32, #tpu.memory_space<hbm>>) target(%dma_start3A_199 : memref<4x128xi32, #tpu.memory_space<vmem>>) target_semaphore(%dma_start3A_195 : memref<!tpu.dma_semaphore, #tpu.memory_space<semaphore_mem>>)
      } else {
      }
      %mul3A_40 = arith.constant 4 : i32
      %mul3A_41 = arith.muli %scan3A_34, %mul3A_40 : i32
      %add3A_42 = arith.addi %add3A_6, %mul3A_41 : i32
      %dma_wait3A_43 = arith.constant 0 : i32
      %dma_wait3A_44 = arith.constant 0 : i32
      %dma_wait3A_45 = tpu.memref_slice %arg5[%rem3A_35, %dma_wait3A_43, %dma_wait3A_44] : memref<2x4x128xi32, #tpu.memory_space<vmem>> -> memref<1x4x128xi32, #tpu.memory_space<vmem>>
      %dma_wait3A_46 = tpu.memref_squeeze %dma_wait3A_45 : memref<1x4x128xi32, #tpu.memory_space<vmem>> -> memref<4x128xi32, #tpu.memory_space<vmem>>
      %dma_wait3A_47 = arith.constant 0 : i32
      %dma_wait3A_48 = tpu.memref_slice %arg2[%add3A_42, %dma_wait3A_47] : memref<6400x128xi32, #tpu.memory_space<hbm>> -> memref<4x128xi32, #tpu.memory_space<hbm>>
      %dma_wait3A_49 = tpu.memref_slice %arg7[%rem3A_35] : memref<2x!tpu.dma_semaphore, #tpu.memory_space<semaphore_mem>> -> memref<1x!tpu.dma_semaphore, #tpu.memory_space<semaphore_mem>>
      %dma_wait3A_50 = tpu.memref_squeeze %dma_wait3A_49 : memref<1x!tpu.dma_semaphore, #tpu.memory_space<semaphore_mem>> -> memref<!tpu.dma_semaphore, #tpu.memory_space<semaphore_mem>>
      %dma_wait3A_51 = arith.constant 0 : i32
      %dma_wait3A_52 = arith.constant 0 : i32
      %dma_wait3A_53 = tpu.memref_slice %arg5[%rem3A_35, %dma_wait3A_51, %dma_wait3A_52] : memref<2x4x128xi32, #tpu.memory_space<vmem>> -> memref<1x4x128xi32, #tpu.memory_space<vmem>>
      %dma_wait3A_54 = tpu.memref_squeeze %dma_wait3A_53 : memref<1x4x128xi32, #tpu.memory_space<vmem>> -> memref<4x128xi32, #tpu.memory_space<vmem>>
      %dma_wait3A_55 = arith.constant 0 : i32
      %dma_wait3A_56 = tpu.memref_slice %arg2[%add3A_42, %dma_wait3A_55] : memref<6400x128xi32, #tpu.memory_space<hbm>> -> memref<4x128xi32, #tpu.memory_space<hbm>>
      tpu.wait_dma2 semaphore(%dma_wait3A_50 : memref<!tpu.dma_semaphore, #tpu.memory_space<semaphore_mem>>) src(%dma_wait3A_56 : memref<4x128xi32, #tpu.memory_space<hbm>>) dst(%dma_wait3A_54 : memref<4x128xi32, #tpu.memory_space<vmem>>)
      %gt3A = arith.constant 0 : i32
      %gt3A_57 = arith.cmpi sgt, %scan3A_34, %gt3A : i32
      %convert_element_type3A_58 = arith.extui %gt3A_57 : i1 to i32
      %cond3A_59 = arith.constant 0 : i32
      %cond3A_60 = arith.cmpi ne, %convert_element_type3A_58, %cond3A_59 : i32
      scf.if %cond3A_60 {
        %sub3A = arith.constant 1 : i32
        %sub3A_180 = arith.subi %scan3A_34, %sub3A : i32
        %mul3A_181 = arith.constant 512 : i32
        %mul3A_182 = arith.muli %sub3A_180, %mul3A_181 : i32
        %add3A_183 = arith.addi %mul3A_2, %mul3A_182 : i32
        %dma_wait3A_184 = arith.constant 0 : i32
        %dma_wait3A_185 = tpu.memref_slice %arg4[%add3A_183, %dma_wait3A_184] : memref<163840x128xf32, #tpu.memory_space<hbm>> -> memref<512x128xf32, #tpu.memory_space<hbm>>
        %dma_wait3A_186 = arith.constant 0 : i32
        %dma_wait3A_187 = tpu.memref_slice %arg4[%add3A_183, %dma_wait3A_186] : memref<163840x128xf32, #tpu.memory_space<hbm>> -> memref<512x128xf32, #tpu.memory_space<hbm>>
        tpu.wait_dma2 semaphore(%arg9 : memref<!tpu.dma_semaphore, #tpu.memory_space<semaphore_mem>>) src(%arg6 : memref<512x128xf32, #tpu.memory_space<vmem>>) dst(%dma_wait3A_187 : memref<512x128xf32, #tpu.memory_space<hbm>>)
      } else {
      }
      %dma_start3A_61 = arith.constant 0 : i32
      %dma_start3A_62 = arith.constant 0 : i32
      %dma_start3A_63 = arith.constant 0 : i32
      %dma_start3A_64 = tpu.memref_slice %arg6[%dma_start3A_62, %dma_start3A_63] : memref<512x128xf32, #tpu.memory_space<vmem>> -> memref<128x128xf32, #tpu.memory_space<vmem>>
      %dma_start3A_65 = arith.constant 0 : i32
      %dma_start3A_66 = arith.constant 0 : i32
      %dma_start3A_67 = tpu.memref_slice %arg5[%rem3A_35, %dma_start3A_65, %dma_start3A_66] : memref<2x4x128xi32, #tpu.memory_space<vmem>> -> memref<1x4x128xi32, #tpu.memory_space<vmem>>
      %dma_start3A_68 = tpu.memref_squeeze %dma_start3A_67 : memref<1x4x128xi32, #tpu.memory_space<vmem>> -> memref<4x128xi32, #tpu.memory_space<vmem>>
      %dma_start3A_69 = arith.constant 0 : i32
      %dma_start3A_70 = tpu.memref_slice %dma_start3A_68[%dma_start3A_61, %dma_start3A_69] : memref<4x128xi32, #tpu.memory_space<vmem>> -> memref<1x128xi32, #tpu.memory_space<vmem>>
      %dma_start3A_71 = tpu.memref_squeeze %dma_start3A_70 : memref<1x128xi32, #tpu.memory_space<vmem>> -> memref<128xi32, #tpu.memory_space<vmem>>
      %dma_start3A_72 = arith.constant 0 : i32
      %dma_start3A_73 = arith.constant 0 : i32
      %dma_start3A_74 = tpu.memref_slice %arg3[%dma_start3A_72, %dma_start3A_73] : memref<1000000x128xf32, #tpu.memory_space<hbm>> -> memref<1000000x128xf32, #tpu.memory_space<hbm>>
      tpu.enqueue_indirect_dma source(%dma_start3A_74 : memref<1000000x128xf32, #tpu.memory_space<hbm>>) target(%dma_start3A_64 : memref<128x128xf32, #tpu.memory_space<vmem>>) offsets(%dma_start3A_71 : memref<128xi32, #tpu.memory_space<vmem>>) semaphore(%arg8 : memref<!tpu.dma_semaphore, #tpu.memory_space<semaphore_mem>>)
      %dma_start3A_75 = arith.constant 1 : i32
      %dma_start3A_76 = arith.constant 128 : i32
      %dma_start3A_77 = arith.constant 0 : i32
      %dma_start3A_78 = tpu.memref_slice %arg6[%dma_start3A_76, %dma_start3A_77] : memref<512x128xf32, #tpu.memory_space<vmem>> -> memref<128x128xf32, #tpu.memory_space<vmem>>
      %dma_start3A_79 = arith.constant 0 : i32
      %dma_start3A_80 = arith.constant 0 : i32
      %dma_start3A_81 = tpu.memref_slice %arg5[%rem3A_35, %dma_start3A_79, %dma_start3A_80] : memref<2x4x128xi32, #tpu.memory_space<vmem>> -> memref<1x4x128xi32, #tpu.memory_space<vmem>>
      %dma_start3A_82 = tpu.memref_squeeze %dma_start3A_81 : memref<1x4x128xi32, #tpu.memory_space<vmem>> -> memref<4x128xi32, #tpu.memory_space<vmem>>
      %dma_start3A_83 = arith.constant 0 : i32
      %dma_start3A_84 = tpu.memref_slice %dma_start3A_82[%dma_start3A_75, %dma_start3A_83] : memref<4x128xi32, #tpu.memory_space<vmem>> -> memref<1x128xi32, #tpu.memory_space<vmem>>
      %dma_start3A_85 = tpu.memref_squeeze %dma_start3A_84 : memref<1x128xi32, #tpu.memory_space<vmem>> -> memref<128xi32, #tpu.memory_space<vmem>>
      %dma_start3A_86 = arith.constant 0 : i32
      %dma_start3A_87 = arith.constant 0 : i32
      %dma_start3A_88 = tpu.memref_slice %arg3[%dma_start3A_86, %dma_start3A_87] : memref<1000000x128xf32, #tpu.memory_space<hbm>> -> memref<1000000x128xf32, #tpu.memory_space<hbm>>
      tpu.enqueue_indirect_dma source(%dma_start3A_88 : memref<1000000x128xf32, #tpu.memory_space<hbm>>) target(%dma_start3A_78 : memref<128x128xf32, #tpu.memory_space<vmem>>) offsets(%dma_start3A_85 : memref<128xi32, #tpu.memory_space<vmem>>) semaphore(%arg8 : memref<!tpu.dma_semaphore, #tpu.memory_space<semaphore_mem>>)
      %dma_start3A_89 = arith.constant 2 : i32
      %dma_start3A_90 = arith.constant 256 : i32
      %dma_start3A_91 = arith.constant 0 : i32
      %dma_start3A_92 = tpu.memref_slice %arg6[%dma_start3A_90, %dma_start3A_91] : memref<512x128xf32, #tpu.memory_space<vmem>> -> memref<128x128xf32, #tpu.memory_space<vmem>>
      %dma_start3A_93 = arith.constant 0 : i32
      %dma_start3A_94 = arith.constant 0 : i32
      %dma_start3A_95 = tpu.memref_slice %arg5[%rem3A_35, %dma_start3A_93, %dma_start3A_94] : memref<2x4x128xi32, #tpu.memory_space<vmem>> -> memref<1x4x128xi32, #tpu.memory_space<vmem>>
      %dma_start3A_96 = tpu.memref_squeeze %dma_start3A_95 : memref<1x4x128xi32, #tpu.memory_space<vmem>> -> memref<4x128xi32, #tpu.memory_space<vmem>>
      %dma_start3A_97 = arith.constant 0 : i32
      %dma_start3A_98 = tpu.memref_slice %dma_start3A_96[%dma_start3A_89, %dma_start3A_97] : memref<4x128xi32, #tpu.memory_space<vmem>> -> memref<1x128xi32, #tpu.memory_space<vmem>>
      %dma_start3A_99 = tpu.memref_squeeze %dma_start3A_98 : memref<1x128xi32, #tpu.memory_space<vmem>> -> memref<128xi32, #tpu.memory_space<vmem>>
      %dma_start3A_100 = arith.constant 0 : i32
      %dma_start3A_101 = arith.constant 0 : i32
      %dma_start3A_102 = tpu.memref_slice %arg3[%dma_start3A_100, %dma_start3A_101] : memref<1000000x128xf32, #tpu.memory_space<hbm>> -> memref<1000000x128xf32, #tpu.memory_space<hbm>>
      tpu.enqueue_indirect_dma source(%dma_start3A_102 : memref<1000000x128xf32, #tpu.memory_space<hbm>>) target(%dma_start3A_92 : memref<128x128xf32, #tpu.memory_space<vmem>>) offsets(%dma_start3A_99 : memref<128xi32, #tpu.memory_space<vmem>>) semaphore(%arg8 : memref<!tpu.dma_semaphore, #tpu.memory_space<semaphore_mem>>)
      %dma_start3A_103 = arith.constant 3 : i32
      %dma_start3A_104 = arith.constant 384 : i32
      %dma_start3A_105 = arith.constant 0 : i32
      %dma_start3A_106 = tpu.memref_slice %arg6[%dma_start3A_104, %dma_start3A_105] : memref<512x128xf32, #tpu.memory_space<vmem>> -> memref<128x128xf32, #tpu.memory_space<vmem>>
      %dma_start3A_107 = arith.constant 0 : i32
      %dma_start3A_108 = arith.constant 0 : i32
      %dma_start3A_109 = tpu.memref_slice %arg5[%rem3A_35, %dma_start3A_107, %dma_start3A_108] : memref<2x4x128xi32, #tpu.memory_space<vmem>> -> memref<1x4x128xi32, #tpu.memory_space<vmem>>
      %dma_start3A_110 = tpu.memref_squeeze %dma_start3A_109 : memref<1x4x128xi32, #tpu.memory_space<vmem>> -> memref<4x128xi32, #tpu.memory_space<vmem>>
      %dma_start3A_111 = arith.constant 0 : i32
      %dma_start3A_112 = tpu.memref_slice %dma_start3A_110[%dma_start3A_103, %dma_start3A_111] : memref<4x128xi32, #tpu.memory_space<vmem>> -> memref<1x128xi32, #tpu.memory_space<vmem>>
      %dma_start3A_113 = tpu.memref_squeeze %dma_start3A_112 : memref<1x128xi32, #tpu.memory_space<vmem>> -> memref<128xi32, #tpu.memory_space<vmem>>
      %dma_start3A_114 = arith.constant 0 : i32
      %dma_start3A_115 = arith.constant 0 : i32
      %dma_start3A_116 = tpu.memref_slice %arg3[%dma_start3A_114, %dma_start3A_115] : memref<1000000x128xf32, #tpu.memory_space<hbm>> -> memref<1000000x128xf32, #tpu.memory_space<hbm>>
      tpu.enqueue_indirect_dma source(%dma_start3A_116 : memref<1000000x128xf32, #tpu.memory_space<hbm>>) target(%dma_start3A_106 : memref<128x128xf32, #tpu.memory_space<vmem>>) offsets(%dma_start3A_113 : memref<128xi32, #tpu.memory_space<vmem>>) semaphore(%arg8 : memref<!tpu.dma_semaphore, #tpu.memory_space<semaphore_mem>>)
      %dma_wait3A_117 = arith.constant 0 : i32
      %dma_wait3A_118 = arith.constant 0 : i32
      %dma_wait3A_119 = arith.constant 0 : i32
      %dma_wait3A_120 = tpu.memref_slice %arg6[%dma_wait3A_118, %dma_wait3A_119] : memref<512x128xf32, #tpu.memory_space<vmem>> -> memref<128x128xf32, #tpu.memory_space<vmem>>
      %dma_wait3A_121 = arith.constant 0 : i32
      %dma_wait3A_122 = arith.constant 0 : i32
      %dma_wait3A_123 = tpu.memref_slice %arg5[%rem3A_35, %dma_wait3A_121, %dma_wait3A_122] : memref<2x4x128xi32, #tpu.memory_space<vmem>> -> memref<1x4x128xi32, #tpu.memory_space<vmem>>
      %dma_wait3A_124 = tpu.memref_squeeze %dma_wait3A_123 : memref<1x4x128xi32, #tpu.memory_space<vmem>> -> memref<4x128xi32, #tpu.memory_space<vmem>>
      %dma_wait3A_125 = arith.constant 0 : i32
      %dma_wait3A_126 = tpu.memref_slice %dma_wait3A_124[%dma_wait3A_117, %dma_wait3A_125] : memref<4x128xi32, #tpu.memory_space<vmem>> -> memref<1x128xi32, #tpu.memory_space<vmem>>
      %dma_wait3A_127 = tpu.memref_squeeze %dma_wait3A_126 : memref<1x128xi32, #tpu.memory_space<vmem>> -> memref<128xi32, #tpu.memory_space<vmem>>
      %dma_wait3A_128 = arith.constant 0 : i32
      %dma_wait3A_129 = arith.constant 0 : i32
      %dma_wait3A_130 = tpu.memref_slice %arg3[%dma_wait3A_128, %dma_wait3A_129] : memref<1000000x128xf32, #tpu.memory_space<hbm>> -> memref<1000000x128xf32, #tpu.memory_space<hbm>>
      tpu.wait_indirect_dma semaphore(%arg8 : memref<!tpu.dma_semaphore, #tpu.memory_space<semaphore_mem>>) src(%dma_wait3A_130 : memref<1000000x128xf32, #tpu.memory_space<hbm>>) dst(%dma_wait3A_120 : memref<128x128xf32, #tpu.memory_space<vmem>>)
      %dma_wait3A_131 = arith.constant 1 : i32
      %dma_wait3A_132 = arith.constant 128 : i32
      %dma_wait3A_133 = arith.constant 0 : i32
      %dma_wait3A_134 = tpu.memref_slice %arg6[%dma_wait3A_132, %dma_wait3A_133] : memref<512x128xf32, #tpu.memory_space<vmem>> -> memref<128x128xf32, #tpu.memory_space<vmem>>
      %dma_wait3A_135 = arith.constant 0 : i32
      %dma_wait3A_136 = arith.constant 0 : i32
      %dma_wait3A_137 = tpu.memref_slice %arg5[%rem3A_35, %dma_wait3A_135, %dma_wait3A_136] : memref<2x4x128xi32, #tpu.memory_space<vmem>> -> memref<1x4x128xi32, #tpu.memory_space<vmem>>
      %dma_wait3A_138 = tpu.memref_squeeze %dma_wait3A_137 : memref<1x4x128xi32, #tpu.memory_space<vmem>> -> memref<4x128xi32, #tpu.memory_space<vmem>>
      %dma_wait3A_139 = arith.constant 0 : i32
      %dma_wait3A_140 = tpu.memref_slice %dma_wait3A_138[%dma_wait3A_131, %dma_wait3A_139] : memref<4x128xi32, #tpu.memory_space<vmem>> -> memref<1x128xi32, #tpu.memory_space<vmem>>
      %dma_wait3A_141 = tpu.memref_squeeze %dma_wait3A_140 : memref<1x128xi32, #tpu.memory_space<vmem>> -> memref<128xi32, #tpu.memory_space<vmem>>
      %dma_wait3A_142 = arith.constant 0 : i32
      %dma_wait3A_143 = arith.constant 0 : i32
      %dma_wait3A_144 = tpu.memref_slice %arg3[%dma_wait3A_142, %dma_wait3A_143] : memref<1000000x128xf32, #tpu.memory_space<hbm>> -> memref<1000000x128xf32, #tpu.memory_space<hbm>>
      tpu.wait_indirect_dma semaphore(%arg8 : memref<!tpu.dma_semaphore, #tpu.memory_space<semaphore_mem>>) src(%dma_wait3A_144 : memref<1000000x128xf32, #tpu.memory_space<hbm>>) dst(%dma_wait3A_134 : memref<128x128xf32, #tpu.memory_space<vmem>>)
      %dma_wait3A_145 = arith.constant 2 : i32
      %dma_wait3A_146 = arith.constant 256 : i32
      %dma_wait3A_147 = arith.constant 0 : i32
      %dma_wait3A_148 = tpu.memref_slice %arg6[%dma_wait3A_146, %dma_wait3A_147] : memref<512x128xf32, #tpu.memory_space<vmem>> -> memref<128x128xf32, #tpu.memory_space<vmem>>
      %dma_wait3A_149 = arith.constant 0 : i32
      %dma_wait3A_150 = arith.constant 0 : i32
      %dma_wait3A_151 = tpu.memref_slice %arg5[%rem3A_35, %dma_wait3A_149, %dma_wait3A_150] : memref<2x4x128xi32, #tpu.memory_space<vmem>> -> memref<1x4x128xi32, #tpu.memory_space<vmem>>
      %dma_wait3A_152 = tpu.memref_squeeze %dma_wait3A_151 : memref<1x4x128xi32, #tpu.memory_space<vmem>> -> memref<4x128xi32, #tpu.memory_space<vmem>>
      %dma_wait3A_153 = arith.constant 0 : i32
      %dma_wait3A_154 = tpu.memref_slice %dma_wait3A_152[%dma_wait3A_145, %dma_wait3A_153] : memref<4x128xi32, #tpu.memory_space<vmem>> -> memref<1x128xi32, #tpu.memory_space<vmem>>
      %dma_wait3A_155 = tpu.memref_squeeze %dma_wait3A_154 : memref<1x128xi32, #tpu.memory_space<vmem>> -> memref<128xi32, #tpu.memory_space<vmem>>
      %dma_wait3A_156 = arith.constant 0 : i32
      %dma_wait3A_157 = arith.constant 0 : i32
      %dma_wait3A_158 = tpu.memref_slice %arg3[%dma_wait3A_156, %dma_wait3A_157] : memref<1000000x128xf32, #tpu.memory_space<hbm>> -> memref<1000000x128xf32, #tpu.memory_space<hbm>>
      tpu.wait_indirect_dma semaphore(%arg8 : memref<!tpu.dma_semaphore, #tpu.memory_space<semaphore_mem>>) src(%dma_wait3A_158 : memref<1000000x128xf32, #tpu.memory_space<hbm>>) dst(%dma_wait3A_148 : memref<128x128xf32, #tpu.memory_space<vmem>>)
      %dma_wait3A_159 = arith.constant 3 : i32
      %dma_wait3A_160 = arith.constant 384 : i32
      %dma_wait3A_161 = arith.constant 0 : i32
      %dma_wait3A_162 = tpu.memref_slice %arg6[%dma_wait3A_160, %dma_wait3A_161] : memref<512x128xf32, #tpu.memory_space<vmem>> -> memref<128x128xf32, #tpu.memory_space<vmem>>
      %dma_wait3A_163 = arith.constant 0 : i32
      %dma_wait3A_164 = arith.constant 0 : i32
      %dma_wait3A_165 = tpu.memref_slice %arg5[%rem3A_35, %dma_wait3A_163, %dma_wait3A_164] : memref<2x4x128xi32, #tpu.memory_space<vmem>> -> memref<1x4x128xi32, #tpu.memory_space<vmem>>
      %dma_wait3A_166 = tpu.memref_squeeze %dma_wait3A_165 : memref<1x4x128xi32, #tpu.memory_space<vmem>> -> memref<4x128xi32, #tpu.memory_space<vmem>>
      %dma_wait3A_167 = arith.constant 0 : i32
      %dma_wait3A_168 = tpu.memref_slice %dma_wait3A_166[%dma_wait3A_159, %dma_wait3A_167] : memref<4x128xi32, #tpu.memory_space<vmem>> -> memref<1x128xi32, #tpu.memory_space<vmem>>
      %dma_wait3A_169 = tpu.memref_squeeze %dma_wait3A_168 : memref<1x128xi32, #tpu.memory_space<vmem>> -> memref<128xi32, #tpu.memory_space<vmem>>
      %dma_wait3A_170 = arith.constant 0 : i32
      %dma_wait3A_171 = arith.constant 0 : i32
      %dma_wait3A_172 = tpu.memref_slice %arg3[%dma_wait3A_170, %dma_wait3A_171] : memref<1000000x128xf32, #tpu.memory_space<hbm>> -> memref<1000000x128xf32, #tpu.memory_space<hbm>>
      tpu.wait_indirect_dma semaphore(%arg8 : memref<!tpu.dma_semaphore, #tpu.memory_space<semaphore_mem>>) src(%dma_wait3A_172 : memref<1000000x128xf32, #tpu.memory_space<hbm>>) dst(%dma_wait3A_162 : memref<128x128xf32, #tpu.memory_space<vmem>>)
      %mul3A_173 = arith.constant 512 : i32
      %mul3A_174 = arith.muli %scan3A_34, %mul3A_173 : i32
      %add3A_175 = arith.addi %mul3A_2, %mul3A_174 : i32
      %dma_start3A_176 = arith.constant 0 : i32
      %dma_start3A_177 = tpu.memref_slice %arg4[%add3A_175, %dma_start3A_176] : memref<163840x128xf32, #tpu.memory_space<hbm>> -> memref<512x128xf32, #tpu.memory_space<hbm>>
      %dma_start3A_178 = arith.constant 0 : i32
      %dma_start3A_179 = tpu.memref_slice %arg4[%add3A_175, %dma_start3A_178] : memref<163840x128xf32, #tpu.memory_space<hbm>> -> memref<512x128xf32, #tpu.memory_space<hbm>>
      tpu.enqueue_dma source(%arg6 : memref<512x128xf32, #tpu.memory_space<vmem>>) target(%dma_start3A_179 : memref<512x128xf32, #tpu.memory_space<hbm>>) target_semaphore(%arg9 : memref<!tpu.dma_semaphore, #tpu.memory_space<semaphore_mem>>)
    }
    %scan3A_28 = arith.constant 10 : i32
    %add3A_29 = arith.constant 4608 : i32
    %add3A_30 = arith.addi %mul3A_2, %add3A_29 : i32
    %dma_wait3A = arith.constant 0 : i32
    %dma_wait3A_31 = tpu.memref_slice %arg4[%add3A_30, %dma_wait3A] : memref<163840x128xf32, #tpu.memory_space<hbm>> -> memref<512x128xf32, #tpu.memory_space<hbm>>
    %dma_wait3A_32 = arith.constant 0 : i32
    %dma_wait3A_33 = tpu.memref_slice %arg4[%add3A_30, %dma_wait3A_32] : memref<163840x128xf32, #tpu.memory_space<hbm>> -> memref<512x128xf32, #tpu.memory_space<hbm>>
    tpu.wait_dma2 semaphore(%arg9 : memref<!tpu.dma_semaphore, #tpu.memory_space<semaphore_mem>>) src(%arg6 : memref<512x128xf32, #tpu.memory_space<vmem>>) dst(%dma_wait3A_33 : memref<512x128xf32, #tpu.memory_space<hbm>>)
    return
  }
}

#map = affine_map<(d0, d1) -> (0, 0)>
module attributes {stable_mosaic.version = 14 : i64} {
  func.func @gather_kernel(%arg0: i32, %arg1: i32, %arg2: memref<6400x128xi32, #tpu.memory_space<hbm>>, %arg3: memref<1000000x128xf32, #tpu.memory_space<hbm>>, %arg4: memref<163840x128xf32, #tpu.memory_space<hbm>>, %arg5: memref<2x4x128xi32, #tpu.memory_space<vmem>>, %arg6: memref<512x128xf32, #tpu.memory_space<vmem>>, %arg7: memref<2x!tpu.dma_semaphore, #tpu.memory_space<semaphore_mem>>, %arg8: memref<!tpu.dma_semaphore, #tpu.memory_space<semaphore_mem>>, %arg9: memref<!tpu.dma_semaphore, #tpu.memory_space<semaphore_mem>>) attributes {dimension_semantics = [#tpu.dimension_semantics<core_parallel>, #tpu.dimension_semantics<subcore_parallel>], iteration_bounds = array<i64: 2, 16>, scalar_prefetch = 0 : i64, scratch_operands = 5 : i64, tpu.core_type = #tpu.core_type<sc_vector_subcore>, window_params = [{transform_indices = #map}, {transform_indices = #map}, {transform_indices = #map}]} {
    %mul3A = arith.constant 2 : i32
    %mul3A_0 = arith.muli %arg1, %mul3A : i32
    %add3A = arith.addi %mul3A_0, %arg0 : i32
    %mul3A_1 = arith.constant 5120 : i32
    %mul3A_2 = arith.muli %add3A, %mul3A_1 : i32
    %mul3A_3 = arith.constant 40 : i32
    %mul3A_4 = arith.muli %add3A, %mul3A_3 : i32
    %add3A_5 = arith.constant 0 : i32
    %add3A_6 = arith.addi %add3A_5, %mul3A_4 : i32
    %add3A_7 = arith.constant 0 : i32
    %add3A_8 = arith.addi %add3A_6, %add3A_7 : i32
    %dma_start3A = arith.constant 0 : i32
    %dma_start3A_9 = arith.constant 0 : i32
    %dma_start3A_10 = arith.constant 0 : i32
    %dma_start3A_11 = arith.constant 0 : i32
    %dma_start3A_12 = tpu.memref_slice %arg5[%dma_start3A, %dma_start3A_10, %dma_start3A_11] : memref<2x4x128xi32, #tpu.memory_space<vmem>> -> memref<1x4x128xi32, #tpu.memory_space<vmem>>
    %dma_start3A_13 = tpu.memref_squeeze %dma_start3A_12 : memref<1x4x128xi32, #tpu.memory_space<vmem>> -> memref<4x128xi32, #tpu.memory_space<vmem>>
    %dma_start3A_14 = arith.constant 0 : i32
    %dma_start3A_15 = tpu.memref_slice %arg2[%add3A_8, %dma_start3A_14] : memref<6400x128xi32, #tpu.memory_space<hbm>> -> memref<4x128xi32, #tpu.memory_space<hbm>>
    %dma_start3A_16 = tpu.memref_slice %arg7[%dma_start3A_9] : memref<2x!tpu.dma_semaphore, #tpu.memory_space<semaphore_mem>> -> memref<1x!tpu.dma_semaphore, #tpu.memory_space<semaphore_mem>>
    %dma_start3A_17 = tpu.memref_squeeze %dma_start3A_16 : memref<1x!tpu.dma_semaphore, #tpu.memory_space<semaphore_mem>> -> memref<!tpu.dma_semaphore, #tpu.memory_space<semaphore_mem>>
    %dma_start3A_18 = arith.constant 0 : i32
    %dma_start3A_19 = arith.constant 0 : i32
    %dma_start3A_20 = tpu.memref_slice %arg5[%dma_start3A, %dma_start3A_18, %dma_start3A_19] : memref<2x4x128xi32, #tpu.memory_space<vmem>> -> memref<1x4x128xi32, #tpu.memory_space<vmem>>
    %dma_start3A_21 = tpu.memref_squeeze %dma_start3A_20 : memref<1x4x128xi32, #tpu.memory_space<vmem>> -> memref<4x128xi32, #tpu.memory_space<vmem>>
    %dma_start3A_22 = arith.constant 0 : i32
    %dma_start3A_23 = tpu.memref_slice %arg2[%add3A_8, %dma_start3A_22] : memref<6400x128xi32, #tpu.memory_space<hbm>> -> memref<4x128xi32, #tpu.memory_space<hbm>>
    tpu.enqueue_dma source(%dma_start3A_23 : memref<4x128xi32, #tpu.memory_space<hbm>>) target(%dma_start3A_21 : memref<4x128xi32, #tpu.memory_space<vmem>>) target_semaphore(%dma_start3A_17 : memref<!tpu.dma_semaphore, #tpu.memory_space<semaphore_mem>>)
    %scan3A = arith.constant 0 : i32
    %scan3A_24 = arith.constant 0 : i32
    %scan3A_25 = arith.constant 10 : i32
    %scan3A_26 = arith.addi %scan3A_24, %scan3A_25 : i32
    %scan3A_27 = arith.constant 1 : i32
    scf.for %scan3A_34 = %scan3A_24 to %scan3A_26 step %scan3A_27  : i32 {
      %rem3A = arith.constant 2 : i32
      %rem3A_35 = arith.remsi %scan3A_34, %rem3A : i32
      %add3A_36 = arith.constant 1 : i32
      %add3A_37 = arith.addi %scan3A_34, %add3A_36 : i32
      %lt3A = arith.constant 10 : i32
      %lt3A_38 = arith.cmpi slt, %add3A_37, %lt3A : i32
      %convert_element_type3A = arith.extui %lt3A_38 : i1 to i32
      %cond3A = arith.constant 0 : i32
      %cond3A_39 = arith.cmpi ne, %convert_element_type3A, %cond3A : i32
      scf.if %cond3A_39 {
        %add3A_180 = arith.constant 1 : i32
        %add3A_181 = arith.addi %scan3A_34, %add3A_180 : i32
        %mul3A_182 = arith.constant 4 : i32
        %mul3A_183 = arith.muli %add3A_181, %mul3A_182 : i32
        %add3A_184 = arith.addi %add3A_6, %mul3A_183 : i32
        %sub3A = arith.constant 1 : i32
        %sub3A_185 = arith.subi %sub3A, %rem3A_35 : i32
        %sub3A_186 = arith.constant 1 : i32
        %sub3A_187 = arith.subi %sub3A_186, %rem3A_35 : i32
        %dma_start3A_188 = arith.constant 0 : i32
        %dma_start3A_189 = arith.constant 0 : i32
        %dma_start3A_190 = tpu.memref_slice %arg5[%sub3A_185, %dma_start3A_188, %dma_start3A_189] : memref<2x4x128xi32, #tpu.memory_space<vmem>> -> memref<1x4x128xi32, #tpu.memory_space<vmem>>
        %dma_start3A_191 = tpu.memref_squeeze %dma_start3A_190 : memref<1x4x128xi32, #tpu.memory_space<vmem>> -> memref<4x128xi32, #tpu.memory_space<vmem>>
        %dma_start3A_192 = arith.constant 0 : i32
        %dma_start3A_193 = tpu.memref_slice %arg2[%add3A_184, %dma_start3A_192] : memref<6400x128xi32, #tpu.memory_space<hbm>> -> memref<4x128xi32, #tpu.memory_space<hbm>>
        %dma_start3A_194 = tpu.memref_slice %arg7[%sub3A_187] : memref<2x!tpu.dma_semaphore, #tpu.memory_space<semaphore_mem>> -> memref<1x!tpu.dma_semaphore, #tpu.memory_space<semaphore_mem>>
        %dma_start3A_195 = tpu.memref_squeeze %dma_start3A_194 : memref<1x!tpu.dma_semaphore, #tpu.memory_space<semaphore_mem>> -> memref<!tpu.dma_semaphore, #tpu.memory_space<semaphore_mem>>
        %dma_start3A_196 = arith.constant 0 : i32
        %dma_start3A_197 = arith.constant 0 : i32
        %dma_start3A_198 = tpu.memref_slice %arg5[%sub3A_185, %dma_start3A_196, %dma_start3A_197] : memref<2x4x128xi32, #tpu.memory_space<vmem>> -> memref<1x4x128xi32, #tpu.memory_space<vmem>>
        %dma_start3A_199 = tpu.memref_squeeze %dma_start3A_198 : memref<1x4x128xi32, #tpu.memory_space<vmem>> -> memref<4x128xi32, #tpu.memory_space<vmem>>
        %dma_start3A_200 = arith.constant 0 : i32
        %dma_start3A_201 = tpu.memref_slice %arg2[%add3A_184, %dma_start3A_200] : memref<6400x128xi32, #tpu.memory_space<hbm>> -> memref<4x128xi32, #tpu.memory_space<hbm>>
        tpu.enqueue_dma source(%dma_start3A_201 : memref<4x128xi32, #tpu.memory_space<hbm>>) target(%dma_start3A_199 : memref<4x128xi32, #tpu.memory_space<vmem>>) target_semaphore(%dma_start3A_195 : memref<!tpu.dma_semaphore, #tpu.memory_space<semaphore_mem>>)
      } else {
      }
      %mul3A_40 = arith.constant 4 : i32
      %mul3A_41 = arith.muli %scan3A_34, %mul3A_40 : i32
      %add3A_42 = arith.addi %add3A_6, %mul3A_41 : i32
      %dma_wait3A_43 = arith.constant 0 : i32
      %dma_wait3A_44 = arith.constant 0 : i32
      %dma_wait3A_45 = tpu.memref_slice %arg5[%rem3A_35, %dma_wait3A_43, %dma_wait3A_44] : memref<2x4x128xi32, #tpu.memory_space<vmem>> -> memref<1x4x128xi32, #tpu.memory_space<vmem>>
      %dma_wait3A_46 = tpu.memref_squeeze %dma_wait3A_45 : memref<1x4x128xi32, #tpu.memory_space<vmem>> -> memref<4x128xi32, #tpu.memory_space<vmem>>
      %dma_wait3A_47 = arith.constant 0 : i32
      %dma_wait3A_48 = tpu.memref_slice %arg2[%add3A_42, %dma_wait3A_47] : memref<6400x128xi32, #tpu.memory_space<hbm>> -> memref<4x128xi32, #tpu.memory_space<hbm>>
      %dma_wait3A_49 = tpu.memref_slice %arg7[%rem3A_35] : memref<2x!tpu.dma_semaphore, #tpu.memory_space<semaphore_mem>> -> memref<1x!tpu.dma_semaphore, #tpu.memory_space<semaphore_mem>>
      %dma_wait3A_50 = tpu.memref_squeeze %dma_wait3A_49 : memref<1x!tpu.dma_semaphore, #tpu.memory_space<semaphore_mem>> -> memref<!tpu.dma_semaphore, #tpu.memory_space<semaphore_mem>>
      %dma_wait3A_51 = arith.constant 0 : i32
      %dma_wait3A_52 = arith.constant 0 : i32
      %dma_wait3A_53 = tpu.memref_slice %arg5[%rem3A_35, %dma_wait3A_51, %dma_wait3A_52] : memref<2x4x128xi32, #tpu.memory_space<vmem>> -> memref<1x4x128xi32, #tpu.memory_space<vmem>>
      %dma_wait3A_54 = tpu.memref_squeeze %dma_wait3A_53 : memref<1x4x128xi32, #tpu.memory_space<vmem>> -> memref<4x128xi32, #tpu.memory_space<vmem>>
      %dma_wait3A_55 = arith.constant 0 : i32
      %dma_wait3A_56 = tpu.memref_slice %arg2[%add3A_42, %dma_wait3A_55] : memref<6400x128xi32, #tpu.memory_space<hbm>> -> memref<4x128xi32, #tpu.memory_space<hbm>>
      tpu.wait_dma2 semaphore(%dma_wait3A_50 : memref<!tpu.dma_semaphore, #tpu.memory_space<semaphore_mem>>) src(%dma_wait3A_56 : memref<4x128xi32, #tpu.memory_space<hbm>>) dst(%dma_wait3A_54 : memref<4x128xi32, #tpu.memory_space<vmem>>)
      %gt3A = arith.constant 0 : i32
      %gt3A_57 = arith.cmpi sgt, %scan3A_34, %gt3A : i32
      %convert_element_type3A_58 = arith.extui %gt3A_57 : i1 to i32
      %cond3A_59 = arith.constant 0 : i32
      %cond3A_60 = arith.cmpi ne, %convert_element_type3A_58, %cond3A_59 : i32
      scf.if %cond3A_60 {
        %sub3A = arith.constant 1 : i32
        %sub3A_180 = arith.subi %scan3A_34, %sub3A : i32
        %mul3A_181 = arith.constant 512 : i32
        %mul3A_182 = arith.muli %sub3A_180, %mul3A_181 : i32
        %add3A_183 = arith.addi %mul3A_2, %mul3A_182 : i32
        %dma_wait3A_184 = arith.constant 0 : i32
        %dma_wait3A_185 = tpu.memref_slice %arg4[%add3A_183, %dma_wait3A_184] : memref<163840x128xf32, #tpu.memory_space<hbm>> -> memref<512x128xf32, #tpu.memory_space<hbm>>
        %dma_wait3A_186 = arith.constant 0 : i32
        %dma_wait3A_187 = tpu.memref_slice %arg4[%add3A_183, %dma_wait3A_186] : memref<163840x128xf32, #tpu.memory_space<hbm>> -> memref<512x128xf32, #tpu.memory_space<hbm>>
        tpu.wait_dma2 semaphore(%arg9 : memref<!tpu.dma_semaphore, #tpu.memory_space<semaphore_mem>>) src(%arg6 : memref<512x128xf32, #tpu.memory_space<vmem>>) dst(%dma_wait3A_187 : memref<512x128xf32, #tpu.memory_space<hbm>>)
      } else {
      }
      %dma_start3A_61 = arith.constant 0 : i32
      %dma_start3A_62 = arith.constant 0 : i32
      %dma_start3A_63 = arith.constant 0 : i32
      %dma_start3A_64 = tpu.memref_slice %arg6[%dma_start3A_62, %dma_start3A_63] : memref<512x128xf32, #tpu.memory_space<vmem>> -> memref<128x128xf32, #tpu.memory_space<vmem>>
      %dma_start3A_65 = arith.constant 0 : i32
      %dma_start3A_66 = arith.constant 0 : i32
      %dma_start3A_67 = tpu.memref_slice %arg5[%rem3A_35, %dma_start3A_65, %dma_start3A_66] : memref<2x4x128xi32, #tpu.memory_space<vmem>> -> memref<1x4x128xi32, #tpu.memory_space<vmem>>
      %dma_start3A_68 = tpu.memref_squeeze %dma_start3A_67 : memref<1x4x128xi32, #tpu.memory_space<vmem>> -> memref<4x128xi32, #tpu.memory_space<vmem>>
      %dma_start3A_69 = arith.constant 0 : i32
      %dma_start3A_70 = tpu.memref_slice %dma_start3A_68[%dma_start3A_61, %dma_start3A_69] : memref<4x128xi32, #tpu.memory_space<vmem>> -> memref<1x128xi32, #tpu.memory_space<vmem>>
      %dma_start3A_71 = tpu.memref_squeeze %dma_start3A_70 : memref<1x128xi32, #tpu.memory_space<vmem>> -> memref<128xi32, #tpu.memory_space<vmem>>
      %dma_start3A_72 = arith.constant 0 : i32
      %dma_start3A_73 = arith.constant 0 : i32
      %dma_start3A_74 = tpu.memref_slice %arg3[%dma_start3A_72, %dma_start3A_73] : memref<1000000x128xf32, #tpu.memory_space<hbm>> -> memref<1000000x128xf32, #tpu.memory_space<hbm>>
      tpu.enqueue_indirect_dma source(%dma_start3A_74 : memref<1000000x128xf32, #tpu.memory_space<hbm>>) target(%dma_start3A_64 : memref<128x128xf32, #tpu.memory_space<vmem>>) offsets(%dma_start3A_71 : memref<128xi32, #tpu.memory_space<vmem>>) semaphore(%arg8 : memref<!tpu.dma_semaphore, #tpu.memory_space<semaphore_mem>>)
      %dma_start3A_75 = arith.constant 1 : i32
      %dma_start3A_76 = arith.constant 128 : i32
      %dma_start3A_77 = arith.constant 0 : i32
      %dma_start3A_78 = tpu.memref_slice %arg6[%dma_start3A_76, %dma_start3A_77] : memref<512x128xf32, #tpu.memory_space<vmem>> -> memref<128x128xf32, #tpu.memory_space<vmem>>
      %dma_start3A_79 = arith.constant 0 : i32
      %dma_start3A_80 = arith.constant 0 : i32
      %dma_start3A_81 = tpu.memref_slice %arg5[%rem3A_35, %dma_start3A_79, %dma_start3A_80] : memref<2x4x128xi32, #tpu.memory_space<vmem>> -> memref<1x4x128xi32, #tpu.memory_space<vmem>>
      %dma_start3A_82 = tpu.memref_squeeze %dma_start3A_81 : memref<1x4x128xi32, #tpu.memory_space<vmem>> -> memref<4x128xi32, #tpu.memory_space<vmem>>
      %dma_start3A_83 = arith.constant 0 : i32
      %dma_start3A_84 = tpu.memref_slice %dma_start3A_82[%dma_start3A_75, %dma_start3A_83] : memref<4x128xi32, #tpu.memory_space<vmem>> -> memref<1x128xi32, #tpu.memory_space<vmem>>
      %dma_start3A_85 = tpu.memref_squeeze %dma_start3A_84 : memref<1x128xi32, #tpu.memory_space<vmem>> -> memref<128xi32, #tpu.memory_space<vmem>>
      %dma_start3A_86 = arith.constant 0 : i32
      %dma_start3A_87 = arith.constant 0 : i32
      %dma_start3A_88 = tpu.memref_slice %arg3[%dma_start3A_86, %dma_start3A_87] : memref<1000000x128xf32, #tpu.memory_space<hbm>> -> memref<1000000x128xf32, #tpu.memory_space<hbm>>
      tpu.enqueue_indirect_dma source(%dma_start3A_88 : memref<1000000x128xf32, #tpu.memory_space<hbm>>) target(%dma_start3A_78 : memref<128x128xf32, #tpu.memory_space<vmem>>) offsets(%dma_start3A_85 : memref<128xi32, #tpu.memory_space<vmem>>) semaphore(%arg8 : memref<!tpu.dma_semaphore, #tpu.memory_space<semaphore_mem>>)
      %dma_start3A_89 = arith.constant 2 : i32
      %dma_start3A_90 = arith.constant 256 : i32
      %dma_start3A_91 = arith.constant 0 : i32
      %dma_start3A_92 = tpu.memref_slice %arg6[%dma_start3A_90, %dma_start3A_91] : memref<512x128xf32, #tpu.memory_space<vmem>> -> memref<128x128xf32, #tpu.memory_space<vmem>>
      %dma_start3A_93 = arith.constant 0 : i32
      %dma_start3A_94 = arith.constant 0 : i32
      %dma_start3A_95 = tpu.memref_slice %arg5[%rem3A_35, %dma_start3A_93, %dma_start3A_94] : memref<2x4x128xi32, #tpu.memory_space<vmem>> -> memref<1x4x128xi32, #tpu.memory_space<vmem>>
      %dma_start3A_96 = tpu.memref_squeeze %dma_start3A_95 : memref<1x4x128xi32, #tpu.memory_space<vmem>> -> memref<4x128xi32, #tpu.memory_space<vmem>>
      %dma_start3A_97 = arith.constant 0 : i32
      %dma_start3A_98 = tpu.memref_slice %dma_start3A_96[%dma_start3A_89, %dma_start3A_97] : memref<4x128xi32, #tpu.memory_space<vmem>> -> memref<1x128xi32, #tpu.memory_space<vmem>>
      %dma_start3A_99 = tpu.memref_squeeze %dma_start3A_98 : memref<1x128xi32, #tpu.memory_space<vmem>> -> memref<128xi32, #tpu.memory_space<vmem>>
      %dma_start3A_100 = arith.constant 0 : i32
      %dma_start3A_101 = arith.constant 0 : i32
      %dma_start3A_102 = tpu.memref_slice %arg3[%dma_start3A_100, %dma_start3A_101] : memref<1000000x128xf32, #tpu.memory_space<hbm>> -> memref<1000000x128xf32, #tpu.memory_space<hbm>>
      tpu.enqueue_indirect_dma source(%dma_start3A_102 : memref<1000000x128xf32, #tpu.memory_space<hbm>>) target(%dma_start3A_92 : memref<128x128xf32, #tpu.memory_space<vmem>>) offsets(%dma_start3A_99 : memref<128xi32, #tpu.memory_space<vmem>>) semaphore(%arg8 : memref<!tpu.dma_semaphore, #tpu.memory_space<semaphore_mem>>)
      %dma_start3A_103 = arith.constant 3 : i32
      %dma_start3A_104 = arith.constant 384 : i32
      %dma_start3A_105 = arith.constant 0 : i32
      %dma_start3A_106 = tpu.memref_slice %arg6[%dma_start3A_104, %dma_start3A_105] : memref<512x128xf32, #tpu.memory_space<vmem>> -> memref<128x128xf32, #tpu.memory_space<vmem>>
      %dma_start3A_107 = arith.constant 0 : i32
      %dma_start3A_108 = arith.constant 0 : i32
      %dma_start3A_109 = tpu.memref_slice %arg5[%rem3A_35, %dma_start3A_107, %dma_start3A_108] : memref<2x4x128xi32, #tpu.memory_space<vmem>> -> memref<1x4x128xi32, #tpu.memory_space<vmem>>
      %dma_start3A_110 = tpu.memref_squeeze %dma_start3A_109 : memref<1x4x128xi32, #tpu.memory_space<vmem>> -> memref<4x128xi32, #tpu.memory_space<vmem>>
      %dma_start3A_111 = arith.constant 0 : i32
      %dma_start3A_112 = tpu.memref_slice %dma_start3A_110[%dma_start3A_103, %dma_start3A_111] : memref<4x128xi32, #tpu.memory_space<vmem>> -> memref<1x128xi32, #tpu.memory_space<vmem>>
      %dma_start3A_113 = tpu.memref_squeeze %dma_start3A_112 : memref<1x128xi32, #tpu.memory_space<vmem>> -> memref<128xi32, #tpu.memory_space<vmem>>
      %dma_start3A_114 = arith.constant 0 : i32
      %dma_start3A_115 = arith.constant 0 : i32
      %dma_start3A_116 = tpu.memref_slice %arg3[%dma_start3A_114, %dma_start3A_115] : memref<1000000x128xf32, #tpu.memory_space<hbm>> -> memref<1000000x128xf32, #tpu.memory_space<hbm>>
      tpu.enqueue_indirect_dma source(%dma_start3A_116 : memref<1000000x128xf32, #tpu.memory_space<hbm>>) target(%dma_start3A_106 : memref<128x128xf32, #tpu.memory_space<vmem>>) offsets(%dma_start3A_113 : memref<128xi32, #tpu.memory_space<vmem>>) semaphore(%arg8 : memref<!tpu.dma_semaphore, #tpu.memory_space<semaphore_mem>>)
      %dma_wait3A_117 = arith.constant 0 : i32
      %dma_wait3A_118 = arith.constant 0 : i32
      %dma_wait3A_119 = arith.constant 0 : i32
      %dma_wait3A_120 = tpu.memref_slice %arg6[%dma_wait3A_118, %dma_wait3A_119] : memref<512x128xf32, #tpu.memory_space<vmem>> -> memref<128x128xf32, #tpu.memory_space<vmem>>
      %dma_wait3A_121 = arith.constant 0 : i32
      %dma_wait3A_122 = arith.constant 0 : i32
      %dma_wait3A_123 = tpu.memref_slice %arg5[%rem3A_35, %dma_wait3A_121, %dma_wait3A_122] : memref<2x4x128xi32, #tpu.memory_space<vmem>> -> memref<1x4x128xi32, #tpu.memory_space<vmem>>
      %dma_wait3A_124 = tpu.memref_squeeze %dma_wait3A_123 : memref<1x4x128xi32, #tpu.memory_space<vmem>> -> memref<4x128xi32, #tpu.memory_space<vmem>>
      %dma_wait3A_125 = arith.constant 0 : i32
      %dma_wait3A_126 = tpu.memref_slice %dma_wait3A_124[%dma_wait3A_117, %dma_wait3A_125] : memref<4x128xi32, #tpu.memory_space<vmem>> -> memref<1x128xi32, #tpu.memory_space<vmem>>
      %dma_wait3A_127 = tpu.memref_squeeze %dma_wait3A_126 : memref<1x128xi32, #tpu.memory_space<vmem>> -> memref<128xi32, #tpu.memory_space<vmem>>
      %dma_wait3A_128 = arith.constant 0 : i32
      %dma_wait3A_129 = arith.constant 0 : i32
      %dma_wait3A_130 = tpu.memref_slice %arg3[%dma_wait3A_128, %dma_wait3A_129] : memref<1000000x128xf32, #tpu.memory_space<hbm>> -> memref<1000000x128xf32, #tpu.memory_space<hbm>>
      tpu.wait_indirect_dma semaphore(%arg8 : memref<!tpu.dma_semaphore, #tpu.memory_space<semaphore_mem>>) src(%dma_wait3A_130 : memref<1000000x128xf32, #tpu.memory_space<hbm>>) dst(%dma_wait3A_120 : memref<128x128xf32, #tpu.memory_space<vmem>>)
      %dma_wait3A_131 = arith.constant 1 : i32
      %dma_wait3A_132 = arith.constant 128 : i32
      %dma_wait3A_133 = arith.constant 0 : i32
      %dma_wait3A_134 = tpu.memref_slice %arg6[%dma_wait3A_132, %dma_wait3A_133] : memref<512x128xf32, #tpu.memory_space<vmem>> -> memref<128x128xf32, #tpu.memory_space<vmem>>
      %dma_wait3A_135 = arith.constant 0 : i32
      %dma_wait3A_136 = arith.constant 0 : i32
      %dma_wait3A_137 = tpu.memref_slice %arg5[%rem3A_35, %dma_wait3A_135, %dma_wait3A_136] : memref<2x4x128xi32, #tpu.memory_space<vmem>> -> memref<1x4x128xi32, #tpu.memory_space<vmem>>
      %dma_wait3A_138 = tpu.memref_squeeze %dma_wait3A_137 : memref<1x4x128xi32, #tpu.memory_space<vmem>> -> memref<4x128xi32, #tpu.memory_space<vmem>>
      %dma_wait3A_139 = arith.constant 0 : i32
      %dma_wait3A_140 = tpu.memref_slice %dma_wait3A_138[%dma_wait3A_131, %dma_wait3A_139] : memref<4x128xi32, #tpu.memory_space<vmem>> -> memref<1x128xi32, #tpu.memory_space<vmem>>
      %dma_wait3A_141 = tpu.memref_squeeze %dma_wait3A_140 : memref<1x128xi32, #tpu.memory_space<vmem>> -> memref<128xi32, #tpu.memory_space<vmem>>
      %dma_wait3A_142 = arith.constant 0 : i32
      %dma_wait3A_143 = arith.constant 0 : i32
      %dma_wait3A_144 = tpu.memref_slice %arg3[%dma_wait3A_142, %dma_wait3A_143] : memref<1000000x128xf32, #tpu.memory_space<hbm>> -> memref<1000000x128xf32, #tpu.memory_space<hbm>>
      tpu.wait_indirect_dma semaphore(%arg8 : memref<!tpu.dma_semaphore, #tpu.memory_space<semaphore_mem>>) src(%dma_wait3A_144 : memref<1000000x128xf32, #tpu.memory_space<hbm>>) dst(%dma_wait3A_134 : memref<128x128xf32, #tpu.memory_space<vmem>>)
      %dma_wait3A_145 = arith.constant 2 : i32
      %dma_wait3A_146 = arith.constant 256 : i32
      %dma_wait3A_147 = arith.constant 0 : i32
      %dma_wait3A_148 = tpu.memref_slice %arg6[%dma_wait3A_146, %dma_wait3A_147] : memref<512x128xf32, #tpu.memory_space<vmem>> -> memref<128x128xf32, #tpu.memory_space<vmem>>
      %dma_wait3A_149 = arith.constant 0 : i32
      %dma_wait3A_150 = arith.constant 0 : i32
      %dma_wait3A_151 = tpu.memref_slice %arg5[%rem3A_35, %dma_wait3A_149, %dma_wait3A_150] : memref<2x4x128xi32, #tpu.memory_space<vmem>> -> memref<1x4x128xi32, #tpu.memory_space<vmem>>
      %dma_wait3A_152 = tpu.memref_squeeze %dma_wait3A_151 : memref<1x4x128xi32, #tpu.memory_space<vmem>> -> memref<4x128xi32, #tpu.memory_space<vmem>>
      %dma_wait3A_153 = arith.constant 0 : i32
      %dma_wait3A_154 = tpu.memref_slice %dma_wait3A_152[%dma_wait3A_145, %dma_wait3A_153] : memref<4x128xi32, #tpu.memory_space<vmem>> -> memref<1x128xi32, #tpu.memory_space<vmem>>
      %dma_wait3A_155 = tpu.memref_squeeze %dma_wait3A_154 : memref<1x128xi32, #tpu.memory_space<vmem>> -> memref<128xi32, #tpu.memory_space<vmem>>
      %dma_wait3A_156 = arith.constant 0 : i32
      %dma_wait3A_157 = arith.constant 0 : i32
      %dma_wait3A_158 = tpu.memref_slice %arg3[%dma_wait3A_156, %dma_wait3A_157] : memref<1000000x128xf32, #tpu.memory_space<hbm>> -> memref<1000000x128xf32, #tpu.memory_space<hbm>>
      tpu.wait_indirect_dma semaphore(%arg8 : memref<!tpu.dma_semaphore, #tpu.memory_space<semaphore_mem>>) src(%dma_wait3A_158 : memref<1000000x128xf32, #tpu.memory_space<hbm>>) dst(%dma_wait3A_148 : memref<128x128xf32, #tpu.memory_space<vmem>>)
      %dma_wait3A_159 = arith.constant 3 : i32
      %dma_wait3A_160 = arith.constant 384 : i32
      %dma_wait3A_161 = arith.constant 0 : i32
      %dma_wait3A_162 = tpu.memref_slice %arg6[%dma_wait3A_160, %dma_wait3A_161] : memref<512x128xf32, #tpu.memory_space<vmem>> -> memref<128x128xf32, #tpu.memory_space<vmem>>
      %dma_wait3A_163 = arith.constant 0 : i32
      %dma_wait3A_164 = arith.constant 0 : i32
      %dma_wait3A_165 = tpu.memref_slice %arg5[%rem3A_35, %dma_wait3A_163, %dma_wait3A_164] : memref<2x4x128xi32, #tpu.memory_space<vmem>> -> memref<1x4x128xi32, #tpu.memory_space<vmem>>
      %dma_wait3A_166 = tpu.memref_squeeze %dma_wait3A_165 : memref<1x4x128xi32, #tpu.memory_space<vmem>> -> memref<4x128xi32, #tpu.memory_space<vmem>>
      %dma_wait3A_167 = arith.constant 0 : i32
      %dma_wait3A_168 = tpu.memref_slice %dma_wait3A_166[%dma_wait3A_159, %dma_wait3A_167] : memref<4x128xi32, #tpu.memory_space<vmem>> -> memref<1x128xi32, #tpu.memory_space<vmem>>
      %dma_wait3A_169 = tpu.memref_squeeze %dma_wait3A_168 : memref<1x128xi32, #tpu.memory_space<vmem>> -> memref<128xi32, #tpu.memory_space<vmem>>
      %dma_wait3A_170 = arith.constant 0 : i32
      %dma_wait3A_171 = arith.constant 0 : i32
      %dma_wait3A_172 = tpu.memref_slice %arg3[%dma_wait3A_170, %dma_wait3A_171] : memref<1000000x128xf32, #tpu.memory_space<hbm>> -> memref<1000000x128xf32, #tpu.memory_space<hbm>>
      tpu.wait_indirect_dma semaphore(%arg8 : memref<!tpu.dma_semaphore, #tpu.memory_space<semaphore_mem>>) src(%dma_wait3A_172 : memref<1000000x128xf32, #tpu.memory_space<hbm>>) dst(%dma_wait3A_162 : memref<128x128xf32, #tpu.memory_space<vmem>>)
      %mul3A_173 = arith.constant 512 : i32
      %mul3A_174 = arith.muli %scan3A_34, %mul3A_173 : i32
      %add3A_175 = arith.addi %mul3A_2, %mul3A_174 : i32
      %dma_start3A_176 = arith.constant 0 : i32
      %dma_start3A_177 = tpu.memref_slice %arg4[%add3A_175, %dma_start3A_176] : memref<163840x128xf32, #tpu.memory_space<hbm>> -> memref<512x128xf32, #tpu.memory_space<hbm>>
      %dma_start3A_178 = arith.constant 0 : i32
      %dma_start3A_179 = tpu.memref_slice %arg4[%add3A_175, %dma_start3A_178] : memref<163840x128xf32, #tpu.memory_space<hbm>> -> memref<512x128xf32, #tpu.memory_space<hbm>>
      tpu.enqueue_dma source(%arg6 : memref<512x128xf32, #tpu.memory_space<vmem>>) target(%dma_start3A_179 : memref<512x128xf32, #tpu.memory_space<hbm>>) target_semaphore(%arg9 : memref<!tpu.dma_semaphore, #tpu.memory_space<semaphore_mem>>)
    }
    %scan3A_28 = arith.constant 10 : i32
    %add3A_29 = arith.constant 4608 : i32
    %add3A_30 = arith.addi %mul3A_2, %add3A_29 : i32
    %dma_wait3A = arith.constant 0 : i32
    %dma_wait3A_31 = tpu.memref_slice %arg4[%add3A_30, %dma_wait3A] : memref<163840x128xf32, #tpu.memory_space<hbm>> -> memref<512x128xf32, #tpu.memory_space<hbm>>
    %dma_wait3A_32 = arith.constant 0 : i32
    %dma_wait3A_33 = tpu.memref_slice %arg4[%add3A_30, %dma_wait3A_32] : memref<163840x128xf32, #tpu.memory_space<hbm>> -> memref<512x128xf32, #tpu.memory_space<hbm>>
    tpu.wait_dma2 semaphore(%arg9 : memref<!tpu.dma_semaphore, #tpu.memory_space<semaphore_mem>>) src(%arg6 : memref<512x128xf32, #tpu.memory_space<vmem>>) dst(%dma_wait3A_33 : memref<512x128xf32, #tpu.memory_space<hbm>>)
    return
  }
}

#map = affine_map<(d0, d1) -> (0, 0)>
module attributes {stable_mosaic.version = 14 : i64} {
  func.func @gather_kernel(%arg0: i32, %arg1: i32, %arg2: memref<6400x128xi32, #tpu.memory_space<hbm>>, %arg3: memref<1000000x128xf32, #tpu.memory_space<hbm>>, %arg4: memref<163840x128xf32, #tpu.memory_space<hbm>>, %arg5: memref<2x4x128xi32, #tpu.memory_space<vmem>>, %arg6: memref<512x128xf32, #tpu.memory_space<vmem>>, %arg7: memref<2x!tpu.dma_semaphore, #tpu.memory_space<semaphore_mem>>, %arg8: memref<!tpu.dma_semaphore, #tpu.memory_space<semaphore_mem>>, %arg9: memref<!tpu.dma_semaphore, #tpu.memory_space<semaphore_mem>>) attributes {dimension_semantics = [#tpu.dimension_semantics<core_parallel>, #tpu.dimension_semantics<subcore_parallel>], iteration_bounds = array<i64: 2, 16>, scalar_prefetch = 0 : i64, scratch_operands = 5 : i64, tpu.core_type = #tpu.core_type<sc_vector_subcore>, window_params = [{transform_indices = #map}, {transform_indices = #map}, {transform_indices = #map}]} {
    %mul3A = arith.constant 2 : i32
    %mul3A_0 = arith.muli %arg1, %mul3A : i32
    %add3A = arith.addi %mul3A_0, %arg0 : i32
    %mul3A_1 = arith.constant 5120 : i32
    %mul3A_2 = arith.muli %add3A, %mul3A_1 : i32
    %mul3A_3 = arith.constant 40 : i32
    %mul3A_4 = arith.muli %add3A, %mul3A_3 : i32
    %add3A_5 = arith.constant 2560 : i32
    %add3A_6 = arith.addi %add3A_5, %mul3A_4 : i32
    %add3A_7 = arith.constant 0 : i32
    %add3A_8 = arith.addi %add3A_6, %add3A_7 : i32
    %dma_start3A = arith.constant 0 : i32
    %dma_start3A_9 = arith.constant 0 : i32
    %dma_start3A_10 = arith.constant 0 : i32
    %dma_start3A_11 = arith.constant 0 : i32
    %dma_start3A_12 = tpu.memref_slice %arg5[%dma_start3A, %dma_start3A_10, %dma_start3A_11] : memref<2x4x128xi32, #tpu.memory_space<vmem>> -> memref<1x4x128xi32, #tpu.memory_space<vmem>>
    %dma_start3A_13 = tpu.memref_squeeze %dma_start3A_12 : memref<1x4x128xi32, #tpu.memory_space<vmem>> -> memref<4x128xi32, #tpu.memory_space<vmem>>
    %dma_start3A_14 = arith.constant 0 : i32
    %dma_start3A_15 = tpu.memref_slice %arg2[%add3A_8, %dma_start3A_14] : memref<6400x128xi32, #tpu.memory_space<hbm>> -> memref<4x128xi32, #tpu.memory_space<hbm>>
    %dma_start3A_16 = tpu.memref_slice %arg7[%dma_start3A_9] : memref<2x!tpu.dma_semaphore, #tpu.memory_space<semaphore_mem>> -> memref<1x!tpu.dma_semaphore, #tpu.memory_space<semaphore_mem>>
    %dma_start3A_17 = tpu.memref_squeeze %dma_start3A_16 : memref<1x!tpu.dma_semaphore, #tpu.memory_space<semaphore_mem>> -> memref<!tpu.dma_semaphore, #tpu.memory_space<semaphore_mem>>
    %dma_start3A_18 = arith.constant 0 : i32
    %dma_start3A_19 = arith.constant 0 : i32
    %dma_start3A_20 = tpu.memref_slice %arg5[%dma_start3A, %dma_start3A_18, %dma_start3A_19] : memref<2x4x128xi32, #tpu.memory_space<vmem>> -> memref<1x4x128xi32, #tpu.memory_space<vmem>>
    %dma_start3A_21 = tpu.memref_squeeze %dma_start3A_20 : memref<1x4x128xi32, #tpu.memory_space<vmem>> -> memref<4x128xi32, #tpu.memory_space<vmem>>
    %dma_start3A_22 = arith.constant 0 : i32
    %dma_start3A_23 = tpu.memref_slice %arg2[%add3A_8, %dma_start3A_22] : memref<6400x128xi32, #tpu.memory_space<hbm>> -> memref<4x128xi32, #tpu.memory_space<hbm>>
    tpu.enqueue_dma source(%dma_start3A_23 : memref<4x128xi32, #tpu.memory_space<hbm>>) target(%dma_start3A_21 : memref<4x128xi32, #tpu.memory_space<vmem>>) target_semaphore(%dma_start3A_17 : memref<!tpu.dma_semaphore, #tpu.memory_space<semaphore_mem>>)
    %scan3A = arith.constant 0 : i32
    %scan3A_24 = arith.constant 0 : i32
    %scan3A_25 = arith.constant 10 : i32
    %scan3A_26 = arith.addi %scan3A_24, %scan3A_25 : i32
    %scan3A_27 = arith.constant 1 : i32
    scf.for %scan3A_34 = %scan3A_24 to %scan3A_26 step %scan3A_27  : i32 {
      %rem3A = arith.constant 2 : i32
      %rem3A_35 = arith.remsi %scan3A_34, %rem3A : i32
      %add3A_36 = arith.constant 1 : i32
      %add3A_37 = arith.addi %scan3A_34, %add3A_36 : i32
      %lt3A = arith.constant 10 : i32
      %lt3A_38 = arith.cmpi slt, %add3A_37, %lt3A : i32
      %convert_element_type3A = arith.extui %lt3A_38 : i1 to i32
      %cond3A = arith.constant 0 : i32
      %cond3A_39 = arith.cmpi ne, %convert_element_type3A, %cond3A : i32
      scf.if %cond3A_39 {
        %add3A_180 = arith.constant 1 : i32
        %add3A_181 = arith.addi %scan3A_34, %add3A_180 : i32
        %mul3A_182 = arith.constant 4 : i32
        %mul3A_183 = arith.muli %add3A_181, %mul3A_182 : i32
        %add3A_184 = arith.addi %add3A_6, %mul3A_183 : i32
        %sub3A = arith.constant 1 : i32
        %sub3A_185 = arith.subi %sub3A, %rem3A_35 : i32
        %sub3A_186 = arith.constant 1 : i32
        %sub3A_187 = arith.subi %sub3A_186, %rem3A_35 : i32
        %dma_start3A_188 = arith.constant 0 : i32
        %dma_start3A_189 = arith.constant 0 : i32
        %dma_start3A_190 = tpu.memref_slice %arg5[%sub3A_185, %dma_start3A_188, %dma_start3A_189] : memref<2x4x128xi32, #tpu.memory_space<vmem>> -> memref<1x4x128xi32, #tpu.memory_space<vmem>>
        %dma_start3A_191 = tpu.memref_squeeze %dma_start3A_190 : memref<1x4x128xi32, #tpu.memory_space<vmem>> -> memref<4x128xi32, #tpu.memory_space<vmem>>
        %dma_start3A_192 = arith.constant 0 : i32
        %dma_start3A_193 = tpu.memref_slice %arg2[%add3A_184, %dma_start3A_192] : memref<6400x128xi32, #tpu.memory_space<hbm>> -> memref<4x128xi32, #tpu.memory_space<hbm>>
        %dma_start3A_194 = tpu.memref_slice %arg7[%sub3A_187] : memref<2x!tpu.dma_semaphore, #tpu.memory_space<semaphore_mem>> -> memref<1x!tpu.dma_semaphore, #tpu.memory_space<semaphore_mem>>
        %dma_start3A_195 = tpu.memref_squeeze %dma_start3A_194 : memref<1x!tpu.dma_semaphore, #tpu.memory_space<semaphore_mem>> -> memref<!tpu.dma_semaphore, #tpu.memory_space<semaphore_mem>>
        %dma_start3A_196 = arith.constant 0 : i32
        %dma_start3A_197 = arith.constant 0 : i32
        %dma_start3A_198 = tpu.memref_slice %arg5[%sub3A_185, %dma_start3A_196, %dma_start3A_197] : memref<2x4x128xi32, #tpu.memory_space<vmem>> -> memref<1x4x128xi32, #tpu.memory_space<vmem>>
        %dma_start3A_199 = tpu.memref_squeeze %dma_start3A_198 : memref<1x4x128xi32, #tpu.memory_space<vmem>> -> memref<4x128xi32, #tpu.memory_space<vmem>>
        %dma_start3A_200 = arith.constant 0 : i32
        %dma_start3A_201 = tpu.memref_slice %arg2[%add3A_184, %dma_start3A_200] : memref<6400x128xi32, #tpu.memory_space<hbm>> -> memref<4x128xi32, #tpu.memory_space<hbm>>
        tpu.enqueue_dma source(%dma_start3A_201 : memref<4x128xi32, #tpu.memory_space<hbm>>) target(%dma_start3A_199 : memref<4x128xi32, #tpu.memory_space<vmem>>) target_semaphore(%dma_start3A_195 : memref<!tpu.dma_semaphore, #tpu.memory_space<semaphore_mem>>)
      } else {
      }
      %mul3A_40 = arith.constant 4 : i32
      %mul3A_41 = arith.muli %scan3A_34, %mul3A_40 : i32
      %add3A_42 = arith.addi %add3A_6, %mul3A_41 : i32
      %dma_wait3A_43 = arith.constant 0 : i32
      %dma_wait3A_44 = arith.constant 0 : i32
      %dma_wait3A_45 = tpu.memref_slice %arg5[%rem3A_35, %dma_wait3A_43, %dma_wait3A_44] : memref<2x4x128xi32, #tpu.memory_space<vmem>> -> memref<1x4x128xi32, #tpu.memory_space<vmem>>
      %dma_wait3A_46 = tpu.memref_squeeze %dma_wait3A_45 : memref<1x4x128xi32, #tpu.memory_space<vmem>> -> memref<4x128xi32, #tpu.memory_space<vmem>>
      %dma_wait3A_47 = arith.constant 0 : i32
      %dma_wait3A_48 = tpu.memref_slice %arg2[%add3A_42, %dma_wait3A_47] : memref<6400x128xi32, #tpu.memory_space<hbm>> -> memref<4x128xi32, #tpu.memory_space<hbm>>
      %dma_wait3A_49 = tpu.memref_slice %arg7[%rem3A_35] : memref<2x!tpu.dma_semaphore, #tpu.memory_space<semaphore_mem>> -> memref<1x!tpu.dma_semaphore, #tpu.memory_space<semaphore_mem>>
      %dma_wait3A_50 = tpu.memref_squeeze %dma_wait3A_49 : memref<1x!tpu.dma_semaphore, #tpu.memory_space<semaphore_mem>> -> memref<!tpu.dma_semaphore, #tpu.memory_space<semaphore_mem>>
      %dma_wait3A_51 = arith.constant 0 : i32
      %dma_wait3A_52 = arith.constant 0 : i32
      %dma_wait3A_53 = tpu.memref_slice %arg5[%rem3A_35, %dma_wait3A_51, %dma_wait3A_52] : memref<2x4x128xi32, #tpu.memory_space<vmem>> -> memref<1x4x128xi32, #tpu.memory_space<vmem>>
      %dma_wait3A_54 = tpu.memref_squeeze %dma_wait3A_53 : memref<1x4x128xi32, #tpu.memory_space<vmem>> -> memref<4x128xi32, #tpu.memory_space<vmem>>
      %dma_wait3A_55 = arith.constant 0 : i32
      %dma_wait3A_56 = tpu.memref_slice %arg2[%add3A_42, %dma_wait3A_55] : memref<6400x128xi32, #tpu.memory_space<hbm>> -> memref<4x128xi32, #tpu.memory_space<hbm>>
      tpu.wait_dma2 semaphore(%dma_wait3A_50 : memref<!tpu.dma_semaphore, #tpu.memory_space<semaphore_mem>>) src(%dma_wait3A_56 : memref<4x128xi32, #tpu.memory_space<hbm>>) dst(%dma_wait3A_54 : memref<4x128xi32, #tpu.memory_space<vmem>>)
      %gt3A = arith.constant 0 : i32
      %gt3A_57 = arith.cmpi sgt, %scan3A_34, %gt3A : i32
      %convert_element_type3A_58 = arith.extui %gt3A_57 : i1 to i32
      %cond3A_59 = arith.constant 0 : i32
      %cond3A_60 = arith.cmpi ne, %convert_element_type3A_58, %cond3A_59 : i32
      scf.if %cond3A_60 {
        %sub3A = arith.constant 1 : i32
        %sub3A_180 = arith.subi %scan3A_34, %sub3A : i32
        %mul3A_181 = arith.constant 512 : i32
        %mul3A_182 = arith.muli %sub3A_180, %mul3A_181 : i32
        %add3A_183 = arith.addi %mul3A_2, %mul3A_182 : i32
        %dma_wait3A_184 = arith.constant 0 : i32
        %dma_wait3A_185 = tpu.memref_slice %arg4[%add3A_183, %dma_wait3A_184] : memref<163840x128xf32, #tpu.memory_space<hbm>> -> memref<512x128xf32, #tpu.memory_space<hbm>>
        %dma_wait3A_186 = arith.constant 0 : i32
        %dma_wait3A_187 = tpu.memref_slice %arg4[%add3A_183, %dma_wait3A_186] : memref<163840x128xf32, #tpu.memory_space<hbm>> -> memref<512x128xf32, #tpu.memory_space<hbm>>
        tpu.wait_dma2 semaphore(%arg9 : memref<!tpu.dma_semaphore, #tpu.memory_space<semaphore_mem>>) src(%arg6 : memref<512x128xf32, #tpu.memory_space<vmem>>) dst(%dma_wait3A_187 : memref<512x128xf32, #tpu.memory_space<hbm>>)
      } else {
      }
      %dma_start3A_61 = arith.constant 0 : i32
      %dma_start3A_62 = arith.constant 0 : i32
      %dma_start3A_63 = arith.constant 0 : i32
      %dma_start3A_64 = tpu.memref_slice %arg6[%dma_start3A_62, %dma_start3A_63] : memref<512x128xf32, #tpu.memory_space<vmem>> -> memref<128x128xf32, #tpu.memory_space<vmem>>
      %dma_start3A_65 = arith.constant 0 : i32
      %dma_start3A_66 = arith.constant 0 : i32
      %dma_start3A_67 = tpu.memref_slice %arg5[%rem3A_35, %dma_start3A_65, %dma_start3A_66] : memref<2x4x128xi32, #tpu.memory_space<vmem>> -> memref<1x4x128xi32, #tpu.memory_space<vmem>>
      %dma_start3A_68 = tpu.memref_squeeze %dma_start3A_67 : memref<1x4x128xi32, #tpu.memory_space<vmem>> -> memref<4x128xi32, #tpu.memory_space<vmem>>
      %dma_start3A_69 = arith.constant 0 : i32
      %dma_start3A_70 = tpu.memref_slice %dma_start3A_68[%dma_start3A_61, %dma_start3A_69] : memref<4x128xi32, #tpu.memory_space<vmem>> -> memref<1x128xi32, #tpu.memory_space<vmem>>
      %dma_start3A_71 = tpu.memref_squeeze %dma_start3A_70 : memref<1x128xi32, #tpu.memory_space<vmem>> -> memref<128xi32, #tpu.memory_space<vmem>>
      %dma_start3A_72 = arith.constant 0 : i32
      %dma_start3A_73 = arith.constant 0 : i32
      %dma_start3A_74 = tpu.memref_slice %arg3[%dma_start3A_72, %dma_start3A_73] : memref<1000000x128xf32, #tpu.memory_space<hbm>> -> memref<1000000x128xf32, #tpu.memory_space<hbm>>
      tpu.enqueue_indirect_dma source(%dma_start3A_74 : memref<1000000x128xf32, #tpu.memory_space<hbm>>) target(%dma_start3A_64 : memref<128x128xf32, #tpu.memory_space<vmem>>) offsets(%dma_start3A_71 : memref<128xi32, #tpu.memory_space<vmem>>) semaphore(%arg8 : memref<!tpu.dma_semaphore, #tpu.memory_space<semaphore_mem>>)
      %dma_start3A_75 = arith.constant 1 : i32
      %dma_start3A_76 = arith.constant 128 : i32
      %dma_start3A_77 = arith.constant 0 : i32
      %dma_start3A_78 = tpu.memref_slice %arg6[%dma_start3A_76, %dma_start3A_77] : memref<512x128xf32, #tpu.memory_space<vmem>> -> memref<128x128xf32, #tpu.memory_space<vmem>>
      %dma_start3A_79 = arith.constant 0 : i32
      %dma_start3A_80 = arith.constant 0 : i32
      %dma_start3A_81 = tpu.memref_slice %arg5[%rem3A_35, %dma_start3A_79, %dma_start3A_80] : memref<2x4x128xi32, #tpu.memory_space<vmem>> -> memref<1x4x128xi32, #tpu.memory_space<vmem>>
      %dma_start3A_82 = tpu.memref_squeeze %dma_start3A_81 : memref<1x4x128xi32, #tpu.memory_space<vmem>> -> memref<4x128xi32, #tpu.memory_space<vmem>>
      %dma_start3A_83 = arith.constant 0 : i32
      %dma_start3A_84 = tpu.memref_slice %dma_start3A_82[%dma_start3A_75, %dma_start3A_83] : memref<4x128xi32, #tpu.memory_space<vmem>> -> memref<1x128xi32, #tpu.memory_space<vmem>>
      %dma_start3A_85 = tpu.memref_squeeze %dma_start3A_84 : memref<1x128xi32, #tpu.memory_space<vmem>> -> memref<128xi32, #tpu.memory_space<vmem>>
      %dma_start3A_86 = arith.constant 0 : i32
      %dma_start3A_87 = arith.constant 0 : i32
      %dma_start3A_88 = tpu.memref_slice %arg3[%dma_start3A_86, %dma_start3A_87] : memref<1000000x128xf32, #tpu.memory_space<hbm>> -> memref<1000000x128xf32, #tpu.memory_space<hbm>>
      tpu.enqueue_indirect_dma source(%dma_start3A_88 : memref<1000000x128xf32, #tpu.memory_space<hbm>>) target(%dma_start3A_78 : memref<128x128xf32, #tpu.memory_space<vmem>>) offsets(%dma_start3A_85 : memref<128xi32, #tpu.memory_space<vmem>>) semaphore(%arg8 : memref<!tpu.dma_semaphore, #tpu.memory_space<semaphore_mem>>)
      %dma_start3A_89 = arith.constant 2 : i32
      %dma_start3A_90 = arith.constant 256 : i32
      %dma_start3A_91 = arith.constant 0 : i32
      %dma_start3A_92 = tpu.memref_slice %arg6[%dma_start3A_90, %dma_start3A_91] : memref<512x128xf32, #tpu.memory_space<vmem>> -> memref<128x128xf32, #tpu.memory_space<vmem>>
      %dma_start3A_93 = arith.constant 0 : i32
      %dma_start3A_94 = arith.constant 0 : i32
      %dma_start3A_95 = tpu.memref_slice %arg5[%rem3A_35, %dma_start3A_93, %dma_start3A_94] : memref<2x4x128xi32, #tpu.memory_space<vmem>> -> memref<1x4x128xi32, #tpu.memory_space<vmem>>
      %dma_start3A_96 = tpu.memref_squeeze %dma_start3A_95 : memref<1x4x128xi32, #tpu.memory_space<vmem>> -> memref<4x128xi32, #tpu.memory_space<vmem>>
      %dma_start3A_97 = arith.constant 0 : i32
      %dma_start3A_98 = tpu.memref_slice %dma_start3A_96[%dma_start3A_89, %dma_start3A_97] : memref<4x128xi32, #tpu.memory_space<vmem>> -> memref<1x128xi32, #tpu.memory_space<vmem>>
      %dma_start3A_99 = tpu.memref_squeeze %dma_start3A_98 : memref<1x128xi32, #tpu.memory_space<vmem>> -> memref<128xi32, #tpu.memory_space<vmem>>
      %dma_start3A_100 = arith.constant 0 : i32
      %dma_start3A_101 = arith.constant 0 : i32
      %dma_start3A_102 = tpu.memref_slice %arg3[%dma_start3A_100, %dma_start3A_101] : memref<1000000x128xf32, #tpu.memory_space<hbm>> -> memref<1000000x128xf32, #tpu.memory_space<hbm>>
      tpu.enqueue_indirect_dma source(%dma_start3A_102 : memref<1000000x128xf32, #tpu.memory_space<hbm>>) target(%dma_start3A_92 : memref<128x128xf32, #tpu.memory_space<vmem>>) offsets(%dma_start3A_99 : memref<128xi32, #tpu.memory_space<vmem>>) semaphore(%arg8 : memref<!tpu.dma_semaphore, #tpu.memory_space<semaphore_mem>>)
      %dma_start3A_103 = arith.constant 3 : i32
      %dma_start3A_104 = arith.constant 384 : i32
      %dma_start3A_105 = arith.constant 0 : i32
      %dma_start3A_106 = tpu.memref_slice %arg6[%dma_start3A_104, %dma_start3A_105] : memref<512x128xf32, #tpu.memory_space<vmem>> -> memref<128x128xf32, #tpu.memory_space<vmem>>
      %dma_start3A_107 = arith.constant 0 : i32
      %dma_start3A_108 = arith.constant 0 : i32
      %dma_start3A_109 = tpu.memref_slice %arg5[%rem3A_35, %dma_start3A_107, %dma_start3A_108] : memref<2x4x128xi32, #tpu.memory_space<vmem>> -> memref<1x4x128xi32, #tpu.memory_space<vmem>>
      %dma_start3A_110 = tpu.memref_squeeze %dma_start3A_109 : memref<1x4x128xi32, #tpu.memory_space<vmem>> -> memref<4x128xi32, #tpu.memory_space<vmem>>
      %dma_start3A_111 = arith.constant 0 : i32
      %dma_start3A_112 = tpu.memref_slice %dma_start3A_110[%dma_start3A_103, %dma_start3A_111] : memref<4x128xi32, #tpu.memory_space<vmem>> -> memref<1x128xi32, #tpu.memory_space<vmem>>
      %dma_start3A_113 = tpu.memref_squeeze %dma_start3A_112 : memref<1x128xi32, #tpu.memory_space<vmem>> -> memref<128xi32, #tpu.memory_space<vmem>>
      %dma_start3A_114 = arith.constant 0 : i32
      %dma_start3A_115 = arith.constant 0 : i32
      %dma_start3A_116 = tpu.memref_slice %arg3[%dma_start3A_114, %dma_start3A_115] : memref<1000000x128xf32, #tpu.memory_space<hbm>> -> memref<1000000x128xf32, #tpu.memory_space<hbm>>
      tpu.enqueue_indirect_dma source(%dma_start3A_116 : memref<1000000x128xf32, #tpu.memory_space<hbm>>) target(%dma_start3A_106 : memref<128x128xf32, #tpu.memory_space<vmem>>) offsets(%dma_start3A_113 : memref<128xi32, #tpu.memory_space<vmem>>) semaphore(%arg8 : memref<!tpu.dma_semaphore, #tpu.memory_space<semaphore_mem>>)
      %dma_wait3A_117 = arith.constant 0 : i32
      %dma_wait3A_118 = arith.constant 0 : i32
      %dma_wait3A_119 = arith.constant 0 : i32
      %dma_wait3A_120 = tpu.memref_slice %arg6[%dma_wait3A_118, %dma_wait3A_119] : memref<512x128xf32, #tpu.memory_space<vmem>> -> memref<128x128xf32, #tpu.memory_space<vmem>>
      %dma_wait3A_121 = arith.constant 0 : i32
      %dma_wait3A_122 = arith.constant 0 : i32
      %dma_wait3A_123 = tpu.memref_slice %arg5[%rem3A_35, %dma_wait3A_121, %dma_wait3A_122] : memref<2x4x128xi32, #tpu.memory_space<vmem>> -> memref<1x4x128xi32, #tpu.memory_space<vmem>>
      %dma_wait3A_124 = tpu.memref_squeeze %dma_wait3A_123 : memref<1x4x128xi32, #tpu.memory_space<vmem>> -> memref<4x128xi32, #tpu.memory_space<vmem>>
      %dma_wait3A_125 = arith.constant 0 : i32
      %dma_wait3A_126 = tpu.memref_slice %dma_wait3A_124[%dma_wait3A_117, %dma_wait3A_125] : memref<4x128xi32, #tpu.memory_space<vmem>> -> memref<1x128xi32, #tpu.memory_space<vmem>>
      %dma_wait3A_127 = tpu.memref_squeeze %dma_wait3A_126 : memref<1x128xi32, #tpu.memory_space<vmem>> -> memref<128xi32, #tpu.memory_space<vmem>>
      %dma_wait3A_128 = arith.constant 0 : i32
      %dma_wait3A_129 = arith.constant 0 : i32
      %dma_wait3A_130 = tpu.memref_slice %arg3[%dma_wait3A_128, %dma_wait3A_129] : memref<1000000x128xf32, #tpu.memory_space<hbm>> -> memref<1000000x128xf32, #tpu.memory_space<hbm>>
      tpu.wait_indirect_dma semaphore(%arg8 : memref<!tpu.dma_semaphore, #tpu.memory_space<semaphore_mem>>) src(%dma_wait3A_130 : memref<1000000x128xf32, #tpu.memory_space<hbm>>) dst(%dma_wait3A_120 : memref<128x128xf32, #tpu.memory_space<vmem>>)
      %dma_wait3A_131 = arith.constant 1 : i32
      %dma_wait3A_132 = arith.constant 128 : i32
      %dma_wait3A_133 = arith.constant 0 : i32
      %dma_wait3A_134 = tpu.memref_slice %arg6[%dma_wait3A_132, %dma_wait3A_133] : memref<512x128xf32, #tpu.memory_space<vmem>> -> memref<128x128xf32, #tpu.memory_space<vmem>>
      %dma_wait3A_135 = arith.constant 0 : i32
      %dma_wait3A_136 = arith.constant 0 : i32
      %dma_wait3A_137 = tpu.memref_slice %arg5[%rem3A_35, %dma_wait3A_135, %dma_wait3A_136] : memref<2x4x128xi32, #tpu.memory_space<vmem>> -> memref<1x4x128xi32, #tpu.memory_space<vmem>>
      %dma_wait3A_138 = tpu.memref_squeeze %dma_wait3A_137 : memref<1x4x128xi32, #tpu.memory_space<vmem>> -> memref<4x128xi32, #tpu.memory_space<vmem>>
      %dma_wait3A_139 = arith.constant 0 : i32
      %dma_wait3A_140 = tpu.memref_slice %dma_wait3A_138[%dma_wait3A_131, %dma_wait3A_139] : memref<4x128xi32, #tpu.memory_space<vmem>> -> memref<1x128xi32, #tpu.memory_space<vmem>>
      %dma_wait3A_141 = tpu.memref_squeeze %dma_wait3A_140 : memref<1x128xi32, #tpu.memory_space<vmem>> -> memref<128xi32, #tpu.memory_space<vmem>>
      %dma_wait3A_142 = arith.constant 0 : i32
      %dma_wait3A_143 = arith.constant 0 : i32
      %dma_wait3A_144 = tpu.memref_slice %arg3[%dma_wait3A_142, %dma_wait3A_143] : memref<1000000x128xf32, #tpu.memory_space<hbm>> -> memref<1000000x128xf32, #tpu.memory_space<hbm>>
      tpu.wait_indirect_dma semaphore(%arg8 : memref<!tpu.dma_semaphore, #tpu.memory_space<semaphore_mem>>) src(%dma_wait3A_144 : memref<1000000x128xf32, #tpu.memory_space<hbm>>) dst(%dma_wait3A_134 : memref<128x128xf32, #tpu.memory_space<vmem>>)
      %dma_wait3A_145 = arith.constant 2 : i32
      %dma_wait3A_146 = arith.constant 256 : i32
      %dma_wait3A_147 = arith.constant 0 : i32
      %dma_wait3A_148 = tpu.memref_slice %arg6[%dma_wait3A_146, %dma_wait3A_147] : memref<512x128xf32, #tpu.memory_space<vmem>> -> memref<128x128xf32, #tpu.memory_space<vmem>>
      %dma_wait3A_149 = arith.constant 0 : i32
      %dma_wait3A_150 = arith.constant 0 : i32
      %dma_wait3A_151 = tpu.memref_slice %arg5[%rem3A_35, %dma_wait3A_149, %dma_wait3A_150] : memref<2x4x128xi32, #tpu.memory_space<vmem>> -> memref<1x4x128xi32, #tpu.memory_space<vmem>>
      %dma_wait3A_152 = tpu.memref_squeeze %dma_wait3A_151 : memref<1x4x128xi32, #tpu.memory_space<vmem>> -> memref<4x128xi32, #tpu.memory_space<vmem>>
      %dma_wait3A_153 = arith.constant 0 : i32
      %dma_wait3A_154 = tpu.memref_slice %dma_wait3A_152[%dma_wait3A_145, %dma_wait3A_153] : memref<4x128xi32, #tpu.memory_space<vmem>> -> memref<1x128xi32, #tpu.memory_space<vmem>>
      %dma_wait3A_155 = tpu.memref_squeeze %dma_wait3A_154 : memref<1x128xi32, #tpu.memory_space<vmem>> -> memref<128xi32, #tpu.memory_space<vmem>>
      %dma_wait3A_156 = arith.constant 0 : i32
      %dma_wait3A_157 = arith.constant 0 : i32
      %dma_wait3A_158 = tpu.memref_slice %arg3[%dma_wait3A_156, %dma_wait3A_157] : memref<1000000x128xf32, #tpu.memory_space<hbm>> -> memref<1000000x128xf32, #tpu.memory_space<hbm>>
      tpu.wait_indirect_dma semaphore(%arg8 : memref<!tpu.dma_semaphore, #tpu.memory_space<semaphore_mem>>) src(%dma_wait3A_158 : memref<1000000x128xf32, #tpu.memory_space<hbm>>) dst(%dma_wait3A_148 : memref<128x128xf32, #tpu.memory_space<vmem>>)
      %dma_wait3A_159 = arith.constant 3 : i32
      %dma_wait3A_160 = arith.constant 384 : i32
      %dma_wait3A_161 = arith.constant 0 : i32
      %dma_wait3A_162 = tpu.memref_slice %arg6[%dma_wait3A_160, %dma_wait3A_161] : memref<512x128xf32, #tpu.memory_space<vmem>> -> memref<128x128xf32, #tpu.memory_space<vmem>>
      %dma_wait3A_163 = arith.constant 0 : i32
      %dma_wait3A_164 = arith.constant 0 : i32
      %dma_wait3A_165 = tpu.memref_slice %arg5[%rem3A_35, %dma_wait3A_163, %dma_wait3A_164] : memref<2x4x128xi32, #tpu.memory_space<vmem>> -> memref<1x4x128xi32, #tpu.memory_space<vmem>>
      %dma_wait3A_166 = tpu.memref_squeeze %dma_wait3A_165 : memref<1x4x128xi32, #tpu.memory_space<vmem>> -> memref<4x128xi32, #tpu.memory_space<vmem>>
      %dma_wait3A_167 = arith.constant 0 : i32
      %dma_wait3A_168 = tpu.memref_slice %dma_wait3A_166[%dma_wait3A_159, %dma_wait3A_167] : memref<4x128xi32, #tpu.memory_space<vmem>> -> memref<1x128xi32, #tpu.memory_space<vmem>>
      %dma_wait3A_169 = tpu.memref_squeeze %dma_wait3A_168 : memref<1x128xi32, #tpu.memory_space<vmem>> -> memref<128xi32, #tpu.memory_space<vmem>>
      %dma_wait3A_170 = arith.constant 0 : i32
      %dma_wait3A_171 = arith.constant 0 : i32
      %dma_wait3A_172 = tpu.memref_slice %arg3[%dma_wait3A_170, %dma_wait3A_171] : memref<1000000x128xf32, #tpu.memory_space<hbm>> -> memref<1000000x128xf32, #tpu.memory_space<hbm>>
      tpu.wait_indirect_dma semaphore(%arg8 : memref<!tpu.dma_semaphore, #tpu.memory_space<semaphore_mem>>) src(%dma_wait3A_172 : memref<1000000x128xf32, #tpu.memory_space<hbm>>) dst(%dma_wait3A_162 : memref<128x128xf32, #tpu.memory_space<vmem>>)
      %mul3A_173 = arith.constant 512 : i32
      %mul3A_174 = arith.muli %scan3A_34, %mul3A_173 : i32
      %add3A_175 = arith.addi %mul3A_2, %mul3A_174 : i32
      %dma_start3A_176 = arith.constant 0 : i32
      %dma_start3A_177 = tpu.memref_slice %arg4[%add3A_175, %dma_start3A_176] : memref<163840x128xf32, #tpu.memory_space<hbm>> -> memref<512x128xf32, #tpu.memory_space<hbm>>
      %dma_start3A_178 = arith.constant 0 : i32
      %dma_start3A_179 = tpu.memref_slice %arg4[%add3A_175, %dma_start3A_178] : memref<163840x128xf32, #tpu.memory_space<hbm>> -> memref<512x128xf32, #tpu.memory_space<hbm>>
      tpu.enqueue_dma source(%arg6 : memref<512x128xf32, #tpu.memory_space<vmem>>) target(%dma_start3A_179 : memref<512x128xf32, #tpu.memory_space<hbm>>) target_semaphore(%arg9 : memref<!tpu.dma_semaphore, #tpu.memory_space<semaphore_mem>>)
    }
    %scan3A_28 = arith.constant 10 : i32
    %add3A_29 = arith.constant 4608 : i32
    %add3A_30 = arith.addi %mul3A_2, %add3A_29 : i32
    %dma_wait3A = arith.constant 0 : i32
    %dma_wait3A_31 = tpu.memref_slice %arg4[%add3A_30, %dma_wait3A] : memref<163840x128xf32, #tpu.memory_space<hbm>> -> memref<512x128xf32, #tpu.memory_space<hbm>>
    %dma_wait3A_32 = arith.constant 0 : i32
    %dma_wait3A_33 = tpu.memref_slice %arg4[%add3A_30, %dma_wait3A_32] : memref<163840x128xf32, #tpu.memory_space<hbm>> -> memref<512x128xf32, #tpu.memory_space<hbm>>
    tpu.wait_dma2 semaphore(%arg9 : memref<!tpu.dma_semaphore, #tpu.memory_space<semaphore_mem>>) src(%arg6 : memref<512x128xf32, #tpu.memory_space<vmem>>) dst(%dma_wait3A_33 : memref<512x128xf32, #tpu.memory_space<hbm>>)
    return
  }
}

#map = affine_map<(d0, d1) -> (0, 0)>
module attributes {stable_mosaic.version = 14 : i64} {
  func.func @gather_kernel(%arg0: i32, %arg1: i32, %arg2: memref<6400x128xi32, #tpu.memory_space<hbm>>, %arg3: memref<1000000x128xf32, #tpu.memory_space<hbm>>, %arg4: memref<163840x128xf32, #tpu.memory_space<hbm>>, %arg5: memref<2x4x128xi32, #tpu.memory_space<vmem>>, %arg6: memref<512x128xf32, #tpu.memory_space<vmem>>, %arg7: memref<2x!tpu.dma_semaphore, #tpu.memory_space<semaphore_mem>>, %arg8: memref<!tpu.dma_semaphore, #tpu.memory_space<semaphore_mem>>, %arg9: memref<!tpu.dma_semaphore, #tpu.memory_space<semaphore_mem>>) attributes {dimension_semantics = [#tpu.dimension_semantics<core_parallel>, #tpu.dimension_semantics<subcore_parallel>], iteration_bounds = array<i64: 2, 16>, scalar_prefetch = 0 : i64, scratch_operands = 5 : i64, tpu.core_type = #tpu.core_type<sc_vector_subcore>, window_params = [{transform_indices = #map}, {transform_indices = #map}, {transform_indices = #map}]} {
    %mul3A = arith.constant 2 : i32
    %mul3A_0 = arith.muli %arg1, %mul3A : i32
    %add3A = arith.addi %mul3A_0, %arg0 : i32
    %mul3A_1 = arith.constant 5120 : i32
    %mul3A_2 = arith.muli %add3A, %mul3A_1 : i32
    %mul3A_3 = arith.constant 40 : i32
    %mul3A_4 = arith.muli %add3A, %mul3A_3 : i32
    %add3A_5 = arith.constant 3840 : i32
    %add3A_6 = arith.addi %add3A_5, %mul3A_4 : i32
    %add3A_7 = arith.constant 0 : i32
    %add3A_8 = arith.addi %add3A_6, %add3A_7 : i32
    %dma_start3A = arith.constant 0 : i32
    %dma_start3A_9 = arith.constant 0 : i32
    %dma_start3A_10 = arith.constant 0 : i32
    %dma_start3A_11 = arith.constant 0 : i32
    %dma_start3A_12 = tpu.memref_slice %arg5[%dma_start3A, %dma_start3A_10, %dma_start3A_11] : memref<2x4x128xi32, #tpu.memory_space<vmem>> -> memref<1x4x128xi32, #tpu.memory_space<vmem>>
    %dma_start3A_13 = tpu.memref_squeeze %dma_start3A_12 : memref<1x4x128xi32, #tpu.memory_space<vmem>> -> memref<4x128xi32, #tpu.memory_space<vmem>>
    %dma_start3A_14 = arith.constant 0 : i32
    %dma_start3A_15 = tpu.memref_slice %arg2[%add3A_8, %dma_start3A_14] : memref<6400x128xi32, #tpu.memory_space<hbm>> -> memref<4x128xi32, #tpu.memory_space<hbm>>
    %dma_start3A_16 = tpu.memref_slice %arg7[%dma_start3A_9] : memref<2x!tpu.dma_semaphore, #tpu.memory_space<semaphore_mem>> -> memref<1x!tpu.dma_semaphore, #tpu.memory_space<semaphore_mem>>
    %dma_start3A_17 = tpu.memref_squeeze %dma_start3A_16 : memref<1x!tpu.dma_semaphore, #tpu.memory_space<semaphore_mem>> -> memref<!tpu.dma_semaphore, #tpu.memory_space<semaphore_mem>>
    %dma_start3A_18 = arith.constant 0 : i32
    %dma_start3A_19 = arith.constant 0 : i32
    %dma_start3A_20 = tpu.memref_slice %arg5[%dma_start3A, %dma_start3A_18, %dma_start3A_19] : memref<2x4x128xi32, #tpu.memory_space<vmem>> -> memref<1x4x128xi32, #tpu.memory_space<vmem>>
    %dma_start3A_21 = tpu.memref_squeeze %dma_start3A_20 : memref<1x4x128xi32, #tpu.memory_space<vmem>> -> memref<4x128xi32, #tpu.memory_space<vmem>>
    %dma_start3A_22 = arith.constant 0 : i32
    %dma_start3A_23 = tpu.memref_slice %arg2[%add3A_8, %dma_start3A_22] : memref<6400x128xi32, #tpu.memory_space<hbm>> -> memref<4x128xi32, #tpu.memory_space<hbm>>
    tpu.enqueue_dma source(%dma_start3A_23 : memref<4x128xi32, #tpu.memory_space<hbm>>) target(%dma_start3A_21 : memref<4x128xi32, #tpu.memory_space<vmem>>) target_semaphore(%dma_start3A_17 : memref<!tpu.dma_semaphore, #tpu.memory_space<semaphore_mem>>)
    %scan3A = arith.constant 0 : i32
    %scan3A_24 = arith.constant 0 : i32
    %scan3A_25 = arith.constant 10 : i32
    %scan3A_26 = arith.addi %scan3A_24, %scan3A_25 : i32
    %scan3A_27 = arith.constant 1 : i32
    scf.for %scan3A_34 = %scan3A_24 to %scan3A_26 step %scan3A_27  : i32 {
      %rem3A = arith.constant 2 : i32
      %rem3A_35 = arith.remsi %scan3A_34, %rem3A : i32
      %add3A_36 = arith.constant 1 : i32
      %add3A_37 = arith.addi %scan3A_34, %add3A_36 : i32
      %lt3A = arith.constant 10 : i32
      %lt3A_38 = arith.cmpi slt, %add3A_37, %lt3A : i32
      %convert_element_type3A = arith.extui %lt3A_38 : i1 to i32
      %cond3A = arith.constant 0 : i32
      %cond3A_39 = arith.cmpi ne, %convert_element_type3A, %cond3A : i32
      scf.if %cond3A_39 {
        %add3A_180 = arith.constant 1 : i32
        %add3A_181 = arith.addi %scan3A_34, %add3A_180 : i32
        %mul3A_182 = arith.constant 4 : i32
        %mul3A_183 = arith.muli %add3A_181, %mul3A_182 : i32
        %add3A_184 = arith.addi %add3A_6, %mul3A_183 : i32
        %sub3A = arith.constant 1 : i32
        %sub3A_185 = arith.subi %sub3A, %rem3A_35 : i32
        %sub3A_186 = arith.constant 1 : i32
        %sub3A_187 = arith.subi %sub3A_186, %rem3A_35 : i32
        %dma_start3A_188 = arith.constant 0 : i32
        %dma_start3A_189 = arith.constant 0 : i32
        %dma_start3A_190 = tpu.memref_slice %arg5[%sub3A_185, %dma_start3A_188, %dma_start3A_189] : memref<2x4x128xi32, #tpu.memory_space<vmem>> -> memref<1x4x128xi32, #tpu.memory_space<vmem>>
        %dma_start3A_191 = tpu.memref_squeeze %dma_start3A_190 : memref<1x4x128xi32, #tpu.memory_space<vmem>> -> memref<4x128xi32, #tpu.memory_space<vmem>>
        %dma_start3A_192 = arith.constant 0 : i32
        %dma_start3A_193 = tpu.memref_slice %arg2[%add3A_184, %dma_start3A_192] : memref<6400x128xi32, #tpu.memory_space<hbm>> -> memref<4x128xi32, #tpu.memory_space<hbm>>
        %dma_start3A_194 = tpu.memref_slice %arg7[%sub3A_187] : memref<2x!tpu.dma_semaphore, #tpu.memory_space<semaphore_mem>> -> memref<1x!tpu.dma_semaphore, #tpu.memory_space<semaphore_mem>>
        %dma_start3A_195 = tpu.memref_squeeze %dma_start3A_194 : memref<1x!tpu.dma_semaphore, #tpu.memory_space<semaphore_mem>> -> memref<!tpu.dma_semaphore, #tpu.memory_space<semaphore_mem>>
        %dma_start3A_196 = arith.constant 0 : i32
        %dma_start3A_197 = arith.constant 0 : i32
        %dma_start3A_198 = tpu.memref_slice %arg5[%sub3A_185, %dma_start3A_196, %dma_start3A_197] : memref<2x4x128xi32, #tpu.memory_space<vmem>> -> memref<1x4x128xi32, #tpu.memory_space<vmem>>
        %dma_start3A_199 = tpu.memref_squeeze %dma_start3A_198 : memref<1x4x128xi32, #tpu.memory_space<vmem>> -> memref<4x128xi32, #tpu.memory_space<vmem>>
        %dma_start3A_200 = arith.constant 0 : i32
        %dma_start3A_201 = tpu.memref_slice %arg2[%add3A_184, %dma_start3A_200] : memref<6400x128xi32, #tpu.memory_space<hbm>> -> memref<4x128xi32, #tpu.memory_space<hbm>>
        tpu.enqueue_dma source(%dma_start3A_201 : memref<4x128xi32, #tpu.memory_space<hbm>>) target(%dma_start3A_199 : memref<4x128xi32, #tpu.memory_space<vmem>>) target_semaphore(%dma_start3A_195 : memref<!tpu.dma_semaphore, #tpu.memory_space<semaphore_mem>>)
      } else {
      }
      %mul3A_40 = arith.constant 4 : i32
      %mul3A_41 = arith.muli %scan3A_34, %mul3A_40 : i32
      %add3A_42 = arith.addi %add3A_6, %mul3A_41 : i32
      %dma_wait3A_43 = arith.constant 0 : i32
      %dma_wait3A_44 = arith.constant 0 : i32
      %dma_wait3A_45 = tpu.memref_slice %arg5[%rem3A_35, %dma_wait3A_43, %dma_wait3A_44] : memref<2x4x128xi32, #tpu.memory_space<vmem>> -> memref<1x4x128xi32, #tpu.memory_space<vmem>>
      %dma_wait3A_46 = tpu.memref_squeeze %dma_wait3A_45 : memref<1x4x128xi32, #tpu.memory_space<vmem>> -> memref<4x128xi32, #tpu.memory_space<vmem>>
      %dma_wait3A_47 = arith.constant 0 : i32
      %dma_wait3A_48 = tpu.memref_slice %arg2[%add3A_42, %dma_wait3A_47] : memref<6400x128xi32, #tpu.memory_space<hbm>> -> memref<4x128xi32, #tpu.memory_space<hbm>>
      %dma_wait3A_49 = tpu.memref_slice %arg7[%rem3A_35] : memref<2x!tpu.dma_semaphore, #tpu.memory_space<semaphore_mem>> -> memref<1x!tpu.dma_semaphore, #tpu.memory_space<semaphore_mem>>
      %dma_wait3A_50 = tpu.memref_squeeze %dma_wait3A_49 : memref<1x!tpu.dma_semaphore, #tpu.memory_space<semaphore_mem>> -> memref<!tpu.dma_semaphore, #tpu.memory_space<semaphore_mem>>
      %dma_wait3A_51 = arith.constant 0 : i32
      %dma_wait3A_52 = arith.constant 0 : i32
      %dma_wait3A_53 = tpu.memref_slice %arg5[%rem3A_35, %dma_wait3A_51, %dma_wait3A_52] : memref<2x4x128xi32, #tpu.memory_space<vmem>> -> memref<1x4x128xi32, #tpu.memory_space<vmem>>
      %dma_wait3A_54 = tpu.memref_squeeze %dma_wait3A_53 : memref<1x4x128xi32, #tpu.memory_space<vmem>> -> memref<4x128xi32, #tpu.memory_space<vmem>>
      %dma_wait3A_55 = arith.constant 0 : i32
      %dma_wait3A_56 = tpu.memref_slice %arg2[%add3A_42, %dma_wait3A_55] : memref<6400x128xi32, #tpu.memory_space<hbm>> -> memref<4x128xi32, #tpu.memory_space<hbm>>
      tpu.wait_dma2 semaphore(%dma_wait3A_50 : memref<!tpu.dma_semaphore, #tpu.memory_space<semaphore_mem>>) src(%dma_wait3A_56 : memref<4x128xi32, #tpu.memory_space<hbm>>) dst(%dma_wait3A_54 : memref<4x128xi32, #tpu.memory_space<vmem>>)
      %gt3A = arith.constant 0 : i32
      %gt3A_57 = arith.cmpi sgt, %scan3A_34, %gt3A : i32
      %convert_element_type3A_58 = arith.extui %gt3A_57 : i1 to i32
      %cond3A_59 = arith.constant 0 : i32
      %cond3A_60 = arith.cmpi ne, %convert_element_type3A_58, %cond3A_59 : i32
      scf.if %cond3A_60 {
        %sub3A = arith.constant 1 : i32
        %sub3A_180 = arith.subi %scan3A_34, %sub3A : i32
        %mul3A_181 = arith.constant 512 : i32
        %mul3A_182 = arith.muli %sub3A_180, %mul3A_181 : i32
        %add3A_183 = arith.addi %mul3A_2, %mul3A_182 : i32
        %dma_wait3A_184 = arith.constant 0 : i32
        %dma_wait3A_185 = tpu.memref_slice %arg4[%add3A_183, %dma_wait3A_184] : memref<163840x128xf32, #tpu.memory_space<hbm>> -> memref<512x128xf32, #tpu.memory_space<hbm>>
        %dma_wait3A_186 = arith.constant 0 : i32
        %dma_wait3A_187 = tpu.memref_slice %arg4[%add3A_183, %dma_wait3A_186] : memref<163840x128xf32, #tpu.memory_space<hbm>> -> memref<512x128xf32, #tpu.memory_space<hbm>>
        tpu.wait_dma2 semaphore(%arg9 : memref<!tpu.dma_semaphore, #tpu.memory_space<semaphore_mem>>) src(%arg6 : memref<512x128xf32, #tpu.memory_space<vmem>>) dst(%dma_wait3A_187 : memref<512x128xf32, #tpu.memory_space<hbm>>)
      } else {
      }
      %dma_start3A_61 = arith.constant 0 : i32
      %dma_start3A_62 = arith.constant 0 : i32
      %dma_start3A_63 = arith.constant 0 : i32
      %dma_start3A_64 = tpu.memref_slice %arg6[%dma_start3A_62, %dma_start3A_63] : memref<512x128xf32, #tpu.memory_space<vmem>> -> memref<128x128xf32, #tpu.memory_space<vmem>>
      %dma_start3A_65 = arith.constant 0 : i32
      %dma_start3A_66 = arith.constant 0 : i32
      %dma_start3A_67 = tpu.memref_slice %arg5[%rem3A_35, %dma_start3A_65, %dma_start3A_66] : memref<2x4x128xi32, #tpu.memory_space<vmem>> -> memref<1x4x128xi32, #tpu.memory_space<vmem>>
      %dma_start3A_68 = tpu.memref_squeeze %dma_start3A_67 : memref<1x4x128xi32, #tpu.memory_space<vmem>> -> memref<4x128xi32, #tpu.memory_space<vmem>>
      %dma_start3A_69 = arith.constant 0 : i32
      %dma_start3A_70 = tpu.memref_slice %dma_start3A_68[%dma_start3A_61, %dma_start3A_69] : memref<4x128xi32, #tpu.memory_space<vmem>> -> memref<1x128xi32, #tpu.memory_space<vmem>>
      %dma_start3A_71 = tpu.memref_squeeze %dma_start3A_70 : memref<1x128xi32, #tpu.memory_space<vmem>> -> memref<128xi32, #tpu.memory_space<vmem>>
      %dma_start3A_72 = arith.constant 0 : i32
      %dma_start3A_73 = arith.constant 0 : i32
      %dma_start3A_74 = tpu.memref_slice %arg3[%dma_start3A_72, %dma_start3A_73] : memref<1000000x128xf32, #tpu.memory_space<hbm>> -> memref<1000000x128xf32, #tpu.memory_space<hbm>>
      tpu.enqueue_indirect_dma source(%dma_start3A_74 : memref<1000000x128xf32, #tpu.memory_space<hbm>>) target(%dma_start3A_64 : memref<128x128xf32, #tpu.memory_space<vmem>>) offsets(%dma_start3A_71 : memref<128xi32, #tpu.memory_space<vmem>>) semaphore(%arg8 : memref<!tpu.dma_semaphore, #tpu.memory_space<semaphore_mem>>)
      %dma_start3A_75 = arith.constant 1 : i32
      %dma_start3A_76 = arith.constant 128 : i32
      %dma_start3A_77 = arith.constant 0 : i32
      %dma_start3A_78 = tpu.memref_slice %arg6[%dma_start3A_76, %dma_start3A_77] : memref<512x128xf32, #tpu.memory_space<vmem>> -> memref<128x128xf32, #tpu.memory_space<vmem>>
      %dma_start3A_79 = arith.constant 0 : i32
      %dma_start3A_80 = arith.constant 0 : i32
      %dma_start3A_81 = tpu.memref_slice %arg5[%rem3A_35, %dma_start3A_79, %dma_start3A_80] : memref<2x4x128xi32, #tpu.memory_space<vmem>> -> memref<1x4x128xi32, #tpu.memory_space<vmem>>
      %dma_start3A_82 = tpu.memref_squeeze %dma_start3A_81 : memref<1x4x128xi32, #tpu.memory_space<vmem>> -> memref<4x128xi32, #tpu.memory_space<vmem>>
      %dma_start3A_83 = arith.constant 0 : i32
      %dma_start3A_84 = tpu.memref_slice %dma_start3A_82[%dma_start3A_75, %dma_start3A_83] : memref<4x128xi32, #tpu.memory_space<vmem>> -> memref<1x128xi32, #tpu.memory_space<vmem>>
      %dma_start3A_85 = tpu.memref_squeeze %dma_start3A_84 : memref<1x128xi32, #tpu.memory_space<vmem>> -> memref<128xi32, #tpu.memory_space<vmem>>
      %dma_start3A_86 = arith.constant 0 : i32
      %dma_start3A_87 = arith.constant 0 : i32
      %dma_start3A_88 = tpu.memref_slice %arg3[%dma_start3A_86, %dma_start3A_87] : memref<1000000x128xf32, #tpu.memory_space<hbm>> -> memref<1000000x128xf32, #tpu.memory_space<hbm>>
      tpu.enqueue_indirect_dma source(%dma_start3A_88 : memref<1000000x128xf32, #tpu.memory_space<hbm>>) target(%dma_start3A_78 : memref<128x128xf32, #tpu.memory_space<vmem>>) offsets(%dma_start3A_85 : memref<128xi32, #tpu.memory_space<vmem>>) semaphore(%arg8 : memref<!tpu.dma_semaphore, #tpu.memory_space<semaphore_mem>>)
      %dma_start3A_89 = arith.constant 2 : i32
      %dma_start3A_90 = arith.constant 256 : i32
      %dma_start3A_91 = arith.constant 0 : i32
      %dma_start3A_92 = tpu.memref_slice %arg6[%dma_start3A_90, %dma_start3A_91] : memref<512x128xf32, #tpu.memory_space<vmem>> -> memref<128x128xf32, #tpu.memory_space<vmem>>
      %dma_start3A_93 = arith.constant 0 : i32
      %dma_start3A_94 = arith.constant 0 : i32
      %dma_start3A_95 = tpu.memref_slice %arg5[%rem3A_35, %dma_start3A_93, %dma_start3A_94] : memref<2x4x128xi32, #tpu.memory_space<vmem>> -> memref<1x4x128xi32, #tpu.memory_space<vmem>>
      %dma_start3A_96 = tpu.memref_squeeze %dma_start3A_95 : memref<1x4x128xi32, #tpu.memory_space<vmem>> -> memref<4x128xi32, #tpu.memory_space<vmem>>
      %dma_start3A_97 = arith.constant 0 : i32
      %dma_start3A_98 = tpu.memref_slice %dma_start3A_96[%dma_start3A_89, %dma_start3A_97] : memref<4x128xi32, #tpu.memory_space<vmem>> -> memref<1x128xi32, #tpu.memory_space<vmem>>
      %dma_start3A_99 = tpu.memref_squeeze %dma_start3A_98 : memref<1x128xi32, #tpu.memory_space<vmem>> -> memref<128xi32, #tpu.memory_space<vmem>>
      %dma_start3A_100 = arith.constant 0 : i32
      %dma_start3A_101 = arith.constant 0 : i32
      %dma_start3A_102 = tpu.memref_slice %arg3[%dma_start3A_100, %dma_start3A_101] : memref<1000000x128xf32, #tpu.memory_space<hbm>> -> memref<1000000x128xf32, #tpu.memory_space<hbm>>
      tpu.enqueue_indirect_dma source(%dma_start3A_102 : memref<1000000x128xf32, #tpu.memory_space<hbm>>) target(%dma_start3A_92 : memref<128x128xf32, #tpu.memory_space<vmem>>) offsets(%dma_start3A_99 : memref<128xi32, #tpu.memory_space<vmem>>) semaphore(%arg8 : memref<!tpu.dma_semaphore, #tpu.memory_space<semaphore_mem>>)
      %dma_start3A_103 = arith.constant 3 : i32
      %dma_start3A_104 = arith.constant 384 : i32
      %dma_start3A_105 = arith.constant 0 : i32
      %dma_start3A_106 = tpu.memref_slice %arg6[%dma_start3A_104, %dma_start3A_105] : memref<512x128xf32, #tpu.memory_space<vmem>> -> memref<128x128xf32, #tpu.memory_space<vmem>>
      %dma_start3A_107 = arith.constant 0 : i32
      %dma_start3A_108 = arith.constant 0 : i32
      %dma_start3A_109 = tpu.memref_slice %arg5[%rem3A_35, %dma_start3A_107, %dma_start3A_108] : memref<2x4x128xi32, #tpu.memory_space<vmem>> -> memref<1x4x128xi32, #tpu.memory_space<vmem>>
      %dma_start3A_110 = tpu.memref_squeeze %dma_start3A_109 : memref<1x4x128xi32, #tpu.memory_space<vmem>> -> memref<4x128xi32, #tpu.memory_space<vmem>>
      %dma_start3A_111 = arith.constant 0 : i32
      %dma_start3A_112 = tpu.memref_slice %dma_start3A_110[%dma_start3A_103, %dma_start3A_111] : memref<4x128xi32, #tpu.memory_space<vmem>> -> memref<1x128xi32, #tpu.memory_space<vmem>>
      %dma_start3A_113 = tpu.memref_squeeze %dma_start3A_112 : memref<1x128xi32, #tpu.memory_space<vmem>> -> memref<128xi32, #tpu.memory_space<vmem>>
      %dma_start3A_114 = arith.constant 0 : i32
      %dma_start3A_115 = arith.constant 0 : i32
      %dma_start3A_116 = tpu.memref_slice %arg3[%dma_start3A_114, %dma_start3A_115] : memref<1000000x128xf32, #tpu.memory_space<hbm>> -> memref<1000000x128xf32, #tpu.memory_space<hbm>>
      tpu.enqueue_indirect_dma source(%dma_start3A_116 : memref<1000000x128xf32, #tpu.memory_space<hbm>>) target(%dma_start3A_106 : memref<128x128xf32, #tpu.memory_space<vmem>>) offsets(%dma_start3A_113 : memref<128xi32, #tpu.memory_space<vmem>>) semaphore(%arg8 : memref<!tpu.dma_semaphore, #tpu.memory_space<semaphore_mem>>)
      %dma_wait3A_117 = arith.constant 0 : i32
      %dma_wait3A_118 = arith.constant 0 : i32
      %dma_wait3A_119 = arith.constant 0 : i32
      %dma_wait3A_120 = tpu.memref_slice %arg6[%dma_wait3A_118, %dma_wait3A_119] : memref<512x128xf32, #tpu.memory_space<vmem>> -> memref<128x128xf32, #tpu.memory_space<vmem>>
      %dma_wait3A_121 = arith.constant 0 : i32
      %dma_wait3A_122 = arith.constant 0 : i32
      %dma_wait3A_123 = tpu.memref_slice %arg5[%rem3A_35, %dma_wait3A_121, %dma_wait3A_122] : memref<2x4x128xi32, #tpu.memory_space<vmem>> -> memref<1x4x128xi32, #tpu.memory_space<vmem>>
      %dma_wait3A_124 = tpu.memref_squeeze %dma_wait3A_123 : memref<1x4x128xi32, #tpu.memory_space<vmem>> -> memref<4x128xi32, #tpu.memory_space<vmem>>
      %dma_wait3A_125 = arith.constant 0 : i32
      %dma_wait3A_126 = tpu.memref_slice %dma_wait3A_124[%dma_wait3A_117, %dma_wait3A_125] : memref<4x128xi32, #tpu.memory_space<vmem>> -> memref<1x128xi32, #tpu.memory_space<vmem>>
      %dma_wait3A_127 = tpu.memref_squeeze %dma_wait3A_126 : memref<1x128xi32, #tpu.memory_space<vmem>> -> memref<128xi32, #tpu.memory_space<vmem>>
      %dma_wait3A_128 = arith.constant 0 : i32
      %dma_wait3A_129 = arith.constant 0 : i32
      %dma_wait3A_130 = tpu.memref_slice %arg3[%dma_wait3A_128, %dma_wait3A_129] : memref<1000000x128xf32, #tpu.memory_space<hbm>> -> memref<1000000x128xf32, #tpu.memory_space<hbm>>
      tpu.wait_indirect_dma semaphore(%arg8 : memref<!tpu.dma_semaphore, #tpu.memory_space<semaphore_mem>>) src(%dma_wait3A_130 : memref<1000000x128xf32, #tpu.memory_space<hbm>>) dst(%dma_wait3A_120 : memref<128x128xf32, #tpu.memory_space<vmem>>)
      %dma_wait3A_131 = arith.constant 1 : i32
      %dma_wait3A_132 = arith.constant 128 : i32
      %dma_wait3A_133 = arith.constant 0 : i32
      %dma_wait3A_134 = tpu.memref_slice %arg6[%dma_wait3A_132, %dma_wait3A_133] : memref<512x128xf32, #tpu.memory_space<vmem>> -> memref<128x128xf32, #tpu.memory_space<vmem>>
      %dma_wait3A_135 = arith.constant 0 : i32
      %dma_wait3A_136 = arith.constant 0 : i32
      %dma_wait3A_137 = tpu.memref_slice %arg5[%rem3A_35, %dma_wait3A_135, %dma_wait3A_136] : memref<2x4x128xi32, #tpu.memory_space<vmem>> -> memref<1x4x128xi32, #tpu.memory_space<vmem>>
      %dma_wait3A_138 = tpu.memref_squeeze %dma_wait3A_137 : memref<1x4x128xi32, #tpu.memory_space<vmem>> -> memref<4x128xi32, #tpu.memory_space<vmem>>
      %dma_wait3A_139 = arith.constant 0 : i32
      %dma_wait3A_140 = tpu.memref_slice %dma_wait3A_138[%dma_wait3A_131, %dma_wait3A_139] : memref<4x128xi32, #tpu.memory_space<vmem>> -> memref<1x128xi32, #tpu.memory_space<vmem>>
      %dma_wait3A_141 = tpu.memref_squeeze %dma_wait3A_140 : memref<1x128xi32, #tpu.memory_space<vmem>> -> memref<128xi32, #tpu.memory_space<vmem>>
      %dma_wait3A_142 = arith.constant 0 : i32
      %dma_wait3A_143 = arith.constant 0 : i32
      %dma_wait3A_144 = tpu.memref_slice %arg3[%dma_wait3A_142, %dma_wait3A_143] : memref<1000000x128xf32, #tpu.memory_space<hbm>> -> memref<1000000x128xf32, #tpu.memory_space<hbm>>
      tpu.wait_indirect_dma semaphore(%arg8 : memref<!tpu.dma_semaphore, #tpu.memory_space<semaphore_mem>>) src(%dma_wait3A_144 : memref<1000000x128xf32, #tpu.memory_space<hbm>>) dst(%dma_wait3A_134 : memref<128x128xf32, #tpu.memory_space<vmem>>)
      %dma_wait3A_145 = arith.constant 2 : i32
      %dma_wait3A_146 = arith.constant 256 : i32
      %dma_wait3A_147 = arith.constant 0 : i32
      %dma_wait3A_148 = tpu.memref_slice %arg6[%dma_wait3A_146, %dma_wait3A_147] : memref<512x128xf32, #tpu.memory_space<vmem>> -> memref<128x128xf32, #tpu.memory_space<vmem>>
      %dma_wait3A_149 = arith.constant 0 : i32
      %dma_wait3A_150 = arith.constant 0 : i32
      %dma_wait3A_151 = tpu.memref_slice %arg5[%rem3A_35, %dma_wait3A_149, %dma_wait3A_150] : memref<2x4x128xi32, #tpu.memory_space<vmem>> -> memref<1x4x128xi32, #tpu.memory_space<vmem>>
      %dma_wait3A_152 = tpu.memref_squeeze %dma_wait3A_151 : memref<1x4x128xi32, #tpu.memory_space<vmem>> -> memref<4x128xi32, #tpu.memory_space<vmem>>
      %dma_wait3A_153 = arith.constant 0 : i32
      %dma_wait3A_154 = tpu.memref_slice %dma_wait3A_152[%dma_wait3A_145, %dma_wait3A_153] : memref<4x128xi32, #tpu.memory_space<vmem>> -> memref<1x128xi32, #tpu.memory_space<vmem>>
      %dma_wait3A_155 = tpu.memref_squeeze %dma_wait3A_154 : memref<1x128xi32, #tpu.memory_space<vmem>> -> memref<128xi32, #tpu.memory_space<vmem>>
      %dma_wait3A_156 = arith.constant 0 : i32
      %dma_wait3A_157 = arith.constant 0 : i32
      %dma_wait3A_158 = tpu.memref_slice %arg3[%dma_wait3A_156, %dma_wait3A_157] : memref<1000000x128xf32, #tpu.memory_space<hbm>> -> memref<1000000x128xf32, #tpu.memory_space<hbm>>
      tpu.wait_indirect_dma semaphore(%arg8 : memref<!tpu.dma_semaphore, #tpu.memory_space<semaphore_mem>>) src(%dma_wait3A_158 : memref<1000000x128xf32, #tpu.memory_space<hbm>>) dst(%dma_wait3A_148 : memref<128x128xf32, #tpu.memory_space<vmem>>)
      %dma_wait3A_159 = arith.constant 3 : i32
      %dma_wait3A_160 = arith.constant 384 : i32
      %dma_wait3A_161 = arith.constant 0 : i32
      %dma_wait3A_162 = tpu.memref_slice %arg6[%dma_wait3A_160, %dma_wait3A_161] : memref<512x128xf32, #tpu.memory_space<vmem>> -> memref<128x128xf32, #tpu.memory_space<vmem>>
      %dma_wait3A_163 = arith.constant 0 : i32
      %dma_wait3A_164 = arith.constant 0 : i32
      %dma_wait3A_165 = tpu.memref_slice %arg5[%rem3A_35, %dma_wait3A_163, %dma_wait3A_164] : memref<2x4x128xi32, #tpu.memory_space<vmem>> -> memref<1x4x128xi32, #tpu.memory_space<vmem>>
      %dma_wait3A_166 = tpu.memref_squeeze %dma_wait3A_165 : memref<1x4x128xi32, #tpu.memory_space<vmem>> -> memref<4x128xi32, #tpu.memory_space<vmem>>
      %dma_wait3A_167 = arith.constant 0 : i32
      %dma_wait3A_168 = tpu.memref_slice %dma_wait3A_166[%dma_wait3A_159, %dma_wait3A_167] : memref<4x128xi32, #tpu.memory_space<vmem>> -> memref<1x128xi32, #tpu.memory_space<vmem>>
      %dma_wait3A_169 = tpu.memref_squeeze %dma_wait3A_168 : memref<1x128xi32, #tpu.memory_space<vmem>> -> memref<128xi32, #tpu.memory_space<vmem>>
      %dma_wait3A_170 = arith.constant 0 : i32
      %dma_wait3A_171 = arith.constant 0 : i32
      %dma_wait3A_172 = tpu.memref_slice %arg3[%dma_wait3A_170, %dma_wait3A_171] : memref<1000000x128xf32, #tpu.memory_space<hbm>> -> memref<1000000x128xf32, #tpu.memory_space<hbm>>
      tpu.wait_indirect_dma semaphore(%arg8 : memref<!tpu.dma_semaphore, #tpu.memory_space<semaphore_mem>>) src(%dma_wait3A_172 : memref<1000000x128xf32, #tpu.memory_space<hbm>>) dst(%dma_wait3A_162 : memref<128x128xf32, #tpu.memory_space<vmem>>)
      %mul3A_173 = arith.constant 512 : i32
      %mul3A_174 = arith.muli %scan3A_34, %mul3A_173 : i32
      %add3A_175 = arith.addi %mul3A_2, %mul3A_174 : i32
      %dma_start3A_176 = arith.constant 0 : i32
      %dma_start3A_177 = tpu.memref_slice %arg4[%add3A_175, %dma_start3A_176] : memref<163840x128xf32, #tpu.memory_space<hbm>> -> memref<512x128xf32, #tpu.memory_space<hbm>>
      %dma_start3A_178 = arith.constant 0 : i32
      %dma_start3A_179 = tpu.memref_slice %arg4[%add3A_175, %dma_start3A_178] : memref<163840x128xf32, #tpu.memory_space<hbm>> -> memref<512x128xf32, #tpu.memory_space<hbm>>
      tpu.enqueue_dma source(%arg6 : memref<512x128xf32, #tpu.memory_space<vmem>>) target(%dma_start3A_179 : memref<512x128xf32, #tpu.memory_space<hbm>>) target_semaphore(%arg9 : memref<!tpu.dma_semaphore, #tpu.memory_space<semaphore_mem>>)
    }
    %scan3A_28 = arith.constant 10 : i32
    %add3A_29 = arith.constant 4608 : i32
    %add3A_30 = arith.addi %mul3A_2, %add3A_29 : i32
    %dma_wait3A = arith.constant 0 : i32
    %dma_wait3A_31 = tpu.memref_slice %arg4[%add3A_30, %dma_wait3A] : memref<163840x128xf32, #tpu.memory_space<hbm>> -> memref<512x128xf32, #tpu.memory_space<hbm>>
    %dma_wait3A_32 = arith.constant 0 : i32
    %dma_wait3A_33 = tpu.memref_slice %arg4[%add3A_30, %dma_wait3A_32] : memref<163840x128xf32, #tpu.memory_space<hbm>> -> memref<512x128xf32, #tpu.memory_space<hbm>>
    tpu.wait_dma2 semaphore(%arg9 : memref<!tpu.dma_semaphore, #tpu.memory_space<semaphore_mem>>) src(%arg6 : memref<512x128xf32, #tpu.memory_space<vmem>>) dst(%dma_wait3A_33 : memref<512x128xf32, #tpu.memory_space<hbm>>)
    return
  }
}

#map = affine_map<(d0, d1) -> (0, 0)>
module attributes {stable_mosaic.version = 14 : i64} {
  func.func @gather_kernel(%arg0: i32, %arg1: i32, %arg2: memref<6400x128xi32, #tpu.memory_space<hbm>>, %arg3: memref<1000000x128xf32, #tpu.memory_space<hbm>>, %arg4: memref<163840x128xf32, #tpu.memory_space<hbm>>, %arg5: memref<2x4x128xi32, #tpu.memory_space<vmem>>, %arg6: memref<512x128xf32, #tpu.memory_space<vmem>>, %arg7: memref<2x!tpu.dma_semaphore, #tpu.memory_space<semaphore_mem>>, %arg8: memref<!tpu.dma_semaphore, #tpu.memory_space<semaphore_mem>>, %arg9: memref<!tpu.dma_semaphore, #tpu.memory_space<semaphore_mem>>) attributes {dimension_semantics = [#tpu.dimension_semantics<core_parallel>, #tpu.dimension_semantics<subcore_parallel>], iteration_bounds = array<i64: 2, 16>, scalar_prefetch = 0 : i64, scratch_operands = 5 : i64, tpu.core_type = #tpu.core_type<sc_vector_subcore>, window_params = [{transform_indices = #map}, {transform_indices = #map}, {transform_indices = #map}]} {
    %mul3A = arith.constant 2 : i32
    %mul3A_0 = arith.muli %arg1, %mul3A : i32
    %add3A = arith.addi %mul3A_0, %arg0 : i32
    %mul3A_1 = arith.constant 5120 : i32
    %mul3A_2 = arith.muli %add3A, %mul3A_1 : i32
    %mul3A_3 = arith.constant 40 : i32
    %mul3A_4 = arith.muli %add3A, %mul3A_3 : i32
    %add3A_5 = arith.constant 5120 : i32
    %add3A_6 = arith.addi %add3A_5, %mul3A_4 : i32
    %add3A_7 = arith.constant 0 : i32
    %add3A_8 = arith.addi %add3A_6, %add3A_7 : i32
    %dma_start3A = arith.constant 0 : i32
    %dma_start3A_9 = arith.constant 0 : i32
    %dma_start3A_10 = arith.constant 0 : i32
    %dma_start3A_11 = arith.constant 0 : i32
    %dma_start3A_12 = tpu.memref_slice %arg5[%dma_start3A, %dma_start3A_10, %dma_start3A_11] : memref<2x4x128xi32, #tpu.memory_space<vmem>> -> memref<1x4x128xi32, #tpu.memory_space<vmem>>
    %dma_start3A_13 = tpu.memref_squeeze %dma_start3A_12 : memref<1x4x128xi32, #tpu.memory_space<vmem>> -> memref<4x128xi32, #tpu.memory_space<vmem>>
    %dma_start3A_14 = arith.constant 0 : i32
    %dma_start3A_15 = tpu.memref_slice %arg2[%add3A_8, %dma_start3A_14] : memref<6400x128xi32, #tpu.memory_space<hbm>> -> memref<4x128xi32, #tpu.memory_space<hbm>>
    %dma_start3A_16 = tpu.memref_slice %arg7[%dma_start3A_9] : memref<2x!tpu.dma_semaphore, #tpu.memory_space<semaphore_mem>> -> memref<1x!tpu.dma_semaphore, #tpu.memory_space<semaphore_mem>>
    %dma_start3A_17 = tpu.memref_squeeze %dma_start3A_16 : memref<1x!tpu.dma_semaphore, #tpu.memory_space<semaphore_mem>> -> memref<!tpu.dma_semaphore, #tpu.memory_space<semaphore_mem>>
    %dma_start3A_18 = arith.constant 0 : i32
    %dma_start3A_19 = arith.constant 0 : i32
    %dma_start3A_20 = tpu.memref_slice %arg5[%dma_start3A, %dma_start3A_18, %dma_start3A_19] : memref<2x4x128xi32, #tpu.memory_space<vmem>> -> memref<1x4x128xi32, #tpu.memory_space<vmem>>
    %dma_start3A_21 = tpu.memref_squeeze %dma_start3A_20 : memref<1x4x128xi32, #tpu.memory_space<vmem>> -> memref<4x128xi32, #tpu.memory_space<vmem>>
    %dma_start3A_22 = arith.constant 0 : i32
    %dma_start3A_23 = tpu.memref_slice %arg2[%add3A_8, %dma_start3A_22] : memref<6400x128xi32, #tpu.memory_space<hbm>> -> memref<4x128xi32, #tpu.memory_space<hbm>>
    tpu.enqueue_dma source(%dma_start3A_23 : memref<4x128xi32, #tpu.memory_space<hbm>>) target(%dma_start3A_21 : memref<4x128xi32, #tpu.memory_space<vmem>>) target_semaphore(%dma_start3A_17 : memref<!tpu.dma_semaphore, #tpu.memory_space<semaphore_mem>>)
    %scan3A = arith.constant 0 : i32
    %scan3A_24 = arith.constant 0 : i32
    %scan3A_25 = arith.constant 10 : i32
    %scan3A_26 = arith.addi %scan3A_24, %scan3A_25 : i32
    %scan3A_27 = arith.constant 1 : i32
    scf.for %scan3A_34 = %scan3A_24 to %scan3A_26 step %scan3A_27  : i32 {
      %rem3A = arith.constant 2 : i32
      %rem3A_35 = arith.remsi %scan3A_34, %rem3A : i32
      %add3A_36 = arith.constant 1 : i32
      %add3A_37 = arith.addi %scan3A_34, %add3A_36 : i32
      %lt3A = arith.constant 10 : i32
      %lt3A_38 = arith.cmpi slt, %add3A_37, %lt3A : i32
      %convert_element_type3A = arith.extui %lt3A_38 : i1 to i32
      %cond3A = arith.constant 0 : i32
      %cond3A_39 = arith.cmpi ne, %convert_element_type3A, %cond3A : i32
      scf.if %cond3A_39 {
        %add3A_180 = arith.constant 1 : i32
        %add3A_181 = arith.addi %scan3A_34, %add3A_180 : i32
        %mul3A_182 = arith.constant 4 : i32
        %mul3A_183 = arith.muli %add3A_181, %mul3A_182 : i32
        %add3A_184 = arith.addi %add3A_6, %mul3A_183 : i32
        %sub3A = arith.constant 1 : i32
        %sub3A_185 = arith.subi %sub3A, %rem3A_35 : i32
        %sub3A_186 = arith.constant 1 : i32
        %sub3A_187 = arith.subi %sub3A_186, %rem3A_35 : i32
        %dma_start3A_188 = arith.constant 0 : i32
        %dma_start3A_189 = arith.constant 0 : i32
        %dma_start3A_190 = tpu.memref_slice %arg5[%sub3A_185, %dma_start3A_188, %dma_start3A_189] : memref<2x4x128xi32, #tpu.memory_space<vmem>> -> memref<1x4x128xi32, #tpu.memory_space<vmem>>
        %dma_start3A_191 = tpu.memref_squeeze %dma_start3A_190 : memref<1x4x128xi32, #tpu.memory_space<vmem>> -> memref<4x128xi32, #tpu.memory_space<vmem>>
        %dma_start3A_192 = arith.constant 0 : i32
        %dma_start3A_193 = tpu.memref_slice %arg2[%add3A_184, %dma_start3A_192] : memref<6400x128xi32, #tpu.memory_space<hbm>> -> memref<4x128xi32, #tpu.memory_space<hbm>>
        %dma_start3A_194 = tpu.memref_slice %arg7[%sub3A_187] : memref<2x!tpu.dma_semaphore, #tpu.memory_space<semaphore_mem>> -> memref<1x!tpu.dma_semaphore, #tpu.memory_space<semaphore_mem>>
        %dma_start3A_195 = tpu.memref_squeeze %dma_start3A_194 : memref<1x!tpu.dma_semaphore, #tpu.memory_space<semaphore_mem>> -> memref<!tpu.dma_semaphore, #tpu.memory_space<semaphore_mem>>
        %dma_start3A_196 = arith.constant 0 : i32
        %dma_start3A_197 = arith.constant 0 : i32
        %dma_start3A_198 = tpu.memref_slice %arg5[%sub3A_185, %dma_start3A_196, %dma_start3A_197] : memref<2x4x128xi32, #tpu.memory_space<vmem>> -> memref<1x4x128xi32, #tpu.memory_space<vmem>>
        %dma_start3A_199 = tpu.memref_squeeze %dma_start3A_198 : memref<1x4x128xi32, #tpu.memory_space<vmem>> -> memref<4x128xi32, #tpu.memory_space<vmem>>
        %dma_start3A_200 = arith.constant 0 : i32
        %dma_start3A_201 = tpu.memref_slice %arg2[%add3A_184, %dma_start3A_200] : memref<6400x128xi32, #tpu.memory_space<hbm>> -> memref<4x128xi32, #tpu.memory_space<hbm>>
        tpu.enqueue_dma source(%dma_start3A_201 : memref<4x128xi32, #tpu.memory_space<hbm>>) target(%dma_start3A_199 : memref<4x128xi32, #tpu.memory_space<vmem>>) target_semaphore(%dma_start3A_195 : memref<!tpu.dma_semaphore, #tpu.memory_space<semaphore_mem>>)
      } else {
      }
      %mul3A_40 = arith.constant 4 : i32
      %mul3A_41 = arith.muli %scan3A_34, %mul3A_40 : i32
      %add3A_42 = arith.addi %add3A_6, %mul3A_41 : i32
      %dma_wait3A_43 = arith.constant 0 : i32
      %dma_wait3A_44 = arith.constant 0 : i32
      %dma_wait3A_45 = tpu.memref_slice %arg5[%rem3A_35, %dma_wait3A_43, %dma_wait3A_44] : memref<2x4x128xi32, #tpu.memory_space<vmem>> -> memref<1x4x128xi32, #tpu.memory_space<vmem>>
      %dma_wait3A_46 = tpu.memref_squeeze %dma_wait3A_45 : memref<1x4x128xi32, #tpu.memory_space<vmem>> -> memref<4x128xi32, #tpu.memory_space<vmem>>
      %dma_wait3A_47 = arith.constant 0 : i32
      %dma_wait3A_48 = tpu.memref_slice %arg2[%add3A_42, %dma_wait3A_47] : memref<6400x128xi32, #tpu.memory_space<hbm>> -> memref<4x128xi32, #tpu.memory_space<hbm>>
      %dma_wait3A_49 = tpu.memref_slice %arg7[%rem3A_35] : memref<2x!tpu.dma_semaphore, #tpu.memory_space<semaphore_mem>> -> memref<1x!tpu.dma_semaphore, #tpu.memory_space<semaphore_mem>>
      %dma_wait3A_50 = tpu.memref_squeeze %dma_wait3A_49 : memref<1x!tpu.dma_semaphore, #tpu.memory_space<semaphore_mem>> -> memref<!tpu.dma_semaphore, #tpu.memory_space<semaphore_mem>>
      %dma_wait3A_51 = arith.constant 0 : i32
      %dma_wait3A_52 = arith.constant 0 : i32
      %dma_wait3A_53 = tpu.memref_slice %arg5[%rem3A_35, %dma_wait3A_51, %dma_wait3A_52] : memref<2x4x128xi32, #tpu.memory_space<vmem>> -> memref<1x4x128xi32, #tpu.memory_space<vmem>>
      %dma_wait3A_54 = tpu.memref_squeeze %dma_wait3A_53 : memref<1x4x128xi32, #tpu.memory_space<vmem>> -> memref<4x128xi32, #tpu.memory_space<vmem>>
      %dma_wait3A_55 = arith.constant 0 : i32
      %dma_wait3A_56 = tpu.memref_slice %arg2[%add3A_42, %dma_wait3A_55] : memref<6400x128xi32, #tpu.memory_space<hbm>> -> memref<4x128xi32, #tpu.memory_space<hbm>>
      tpu.wait_dma2 semaphore(%dma_wait3A_50 : memref<!tpu.dma_semaphore, #tpu.memory_space<semaphore_mem>>) src(%dma_wait3A_56 : memref<4x128xi32, #tpu.memory_space<hbm>>) dst(%dma_wait3A_54 : memref<4x128xi32, #tpu.memory_space<vmem>>)
      %gt3A = arith.constant 0 : i32
      %gt3A_57 = arith.cmpi sgt, %scan3A_34, %gt3A : i32
      %convert_element_type3A_58 = arith.extui %gt3A_57 : i1 to i32
      %cond3A_59 = arith.constant 0 : i32
      %cond3A_60 = arith.cmpi ne, %convert_element_type3A_58, %cond3A_59 : i32
      scf.if %cond3A_60 {
        %sub3A = arith.constant 1 : i32
        %sub3A_180 = arith.subi %scan3A_34, %sub3A : i32
        %mul3A_181 = arith.constant 512 : i32
        %mul3A_182 = arith.muli %sub3A_180, %mul3A_181 : i32
        %add3A_183 = arith.addi %mul3A_2, %mul3A_182 : i32
        %dma_wait3A_184 = arith.constant 0 : i32
        %dma_wait3A_185 = tpu.memref_slice %arg4[%add3A_183, %dma_wait3A_184] : memref<163840x128xf32, #tpu.memory_space<hbm>> -> memref<512x128xf32, #tpu.memory_space<hbm>>
        %dma_wait3A_186 = arith.constant 0 : i32
        %dma_wait3A_187 = tpu.memref_slice %arg4[%add3A_183, %dma_wait3A_186] : memref<163840x128xf32, #tpu.memory_space<hbm>> -> memref<512x128xf32, #tpu.memory_space<hbm>>
        tpu.wait_dma2 semaphore(%arg9 : memref<!tpu.dma_semaphore, #tpu.memory_space<semaphore_mem>>) src(%arg6 : memref<512x128xf32, #tpu.memory_space<vmem>>) dst(%dma_wait3A_187 : memref<512x128xf32, #tpu.memory_space<hbm>>)
      } else {
      }
      %dma_start3A_61 = arith.constant 0 : i32
      %dma_start3A_62 = arith.constant 0 : i32
      %dma_start3A_63 = arith.constant 0 : i32
      %dma_start3A_64 = tpu.memref_slice %arg6[%dma_start3A_62, %dma_start3A_63] : memref<512x128xf32, #tpu.memory_space<vmem>> -> memref<128x128xf32, #tpu.memory_space<vmem>>
      %dma_start3A_65 = arith.constant 0 : i32
      %dma_start3A_66 = arith.constant 0 : i32
      %dma_start3A_67 = tpu.memref_slice %arg5[%rem3A_35, %dma_start3A_65, %dma_start3A_66] : memref<2x4x128xi32, #tpu.memory_space<vmem>> -> memref<1x4x128xi32, #tpu.memory_space<vmem>>
      %dma_start3A_68 = tpu.memref_squeeze %dma_start3A_67 : memref<1x4x128xi32, #tpu.memory_space<vmem>> -> memref<4x128xi32, #tpu.memory_space<vmem>>
      %dma_start3A_69 = arith.constant 0 : i32
      %dma_start3A_70 = tpu.memref_slice %dma_start3A_68[%dma_start3A_61, %dma_start3A_69] : memref<4x128xi32, #tpu.memory_space<vmem>> -> memref<1x128xi32, #tpu.memory_space<vmem>>
      %dma_start3A_71 = tpu.memref_squeeze %dma_start3A_70 : memref<1x128xi32, #tpu.memory_space<vmem>> -> memref<128xi32, #tpu.memory_space<vmem>>
      %dma_start3A_72 = arith.constant 0 : i32
      %dma_start3A_73 = arith.constant 0 : i32
      %dma_start3A_74 = tpu.memref_slice %arg3[%dma_start3A_72, %dma_start3A_73] : memref<1000000x128xf32, #tpu.memory_space<hbm>> -> memref<1000000x128xf32, #tpu.memory_space<hbm>>
      tpu.enqueue_indirect_dma source(%dma_start3A_74 : memref<1000000x128xf32, #tpu.memory_space<hbm>>) target(%dma_start3A_64 : memref<128x128xf32, #tpu.memory_space<vmem>>) offsets(%dma_start3A_71 : memref<128xi32, #tpu.memory_space<vmem>>) semaphore(%arg8 : memref<!tpu.dma_semaphore, #tpu.memory_space<semaphore_mem>>)
      %dma_start3A_75 = arith.constant 1 : i32
      %dma_start3A_76 = arith.constant 128 : i32
      %dma_start3A_77 = arith.constant 0 : i32
      %dma_start3A_78 = tpu.memref_slice %arg6[%dma_start3A_76, %dma_start3A_77] : memref<512x128xf32, #tpu.memory_space<vmem>> -> memref<128x128xf32, #tpu.memory_space<vmem>>
      %dma_start3A_79 = arith.constant 0 : i32
      %dma_start3A_80 = arith.constant 0 : i32
      %dma_start3A_81 = tpu.memref_slice %arg5[%rem3A_35, %dma_start3A_79, %dma_start3A_80] : memref<2x4x128xi32, #tpu.memory_space<vmem>> -> memref<1x4x128xi32, #tpu.memory_space<vmem>>
      %dma_start3A_82 = tpu.memref_squeeze %dma_start3A_81 : memref<1x4x128xi32, #tpu.memory_space<vmem>> -> memref<4x128xi32, #tpu.memory_space<vmem>>
      %dma_start3A_83 = arith.constant 0 : i32
      %dma_start3A_84 = tpu.memref_slice %dma_start3A_82[%dma_start3A_75, %dma_start3A_83] : memref<4x128xi32, #tpu.memory_space<vmem>> -> memref<1x128xi32, #tpu.memory_space<vmem>>
      %dma_start3A_85 = tpu.memref_squeeze %dma_start3A_84 : memref<1x128xi32, #tpu.memory_space<vmem>> -> memref<128xi32, #tpu.memory_space<vmem>>
      %dma_start3A_86 = arith.constant 0 : i32
      %dma_start3A_87 = arith.constant 0 : i32
      %dma_start3A_88 = tpu.memref_slice %arg3[%dma_start3A_86, %dma_start3A_87] : memref<1000000x128xf32, #tpu.memory_space<hbm>> -> memref<1000000x128xf32, #tpu.memory_space<hbm>>
      tpu.enqueue_indirect_dma source(%dma_start3A_88 : memref<1000000x128xf32, #tpu.memory_space<hbm>>) target(%dma_start3A_78 : memref<128x128xf32, #tpu.memory_space<vmem>>) offsets(%dma_start3A_85 : memref<128xi32, #tpu.memory_space<vmem>>) semaphore(%arg8 : memref<!tpu.dma_semaphore, #tpu.memory_space<semaphore_mem>>)
      %dma_start3A_89 = arith.constant 2 : i32
      %dma_start3A_90 = arith.constant 256 : i32
      %dma_start3A_91 = arith.constant 0 : i32
      %dma_start3A_92 = tpu.memref_slice %arg6[%dma_start3A_90, %dma_start3A_91] : memref<512x128xf32, #tpu.memory_space<vmem>> -> memref<128x128xf32, #tpu.memory_space<vmem>>
      %dma_start3A_93 = arith.constant 0 : i32
      %dma_start3A_94 = arith.constant 0 : i32
      %dma_start3A_95 = tpu.memref_slice %arg5[%rem3A_35, %dma_start3A_93, %dma_start3A_94] : memref<2x4x128xi32, #tpu.memory_space<vmem>> -> memref<1x4x128xi32, #tpu.memory_space<vmem>>
      %dma_start3A_96 = tpu.memref_squeeze %dma_start3A_95 : memref<1x4x128xi32, #tpu.memory_space<vmem>> -> memref<4x128xi32, #tpu.memory_space<vmem>>
      %dma_start3A_97 = arith.constant 0 : i32
      %dma_start3A_98 = tpu.memref_slice %dma_start3A_96[%dma_start3A_89, %dma_start3A_97] : memref<4x128xi32, #tpu.memory_space<vmem>> -> memref<1x128xi32, #tpu.memory_space<vmem>>
      %dma_start3A_99 = tpu.memref_squeeze %dma_start3A_98 : memref<1x128xi32, #tpu.memory_space<vmem>> -> memref<128xi32, #tpu.memory_space<vmem>>
      %dma_start3A_100 = arith.constant 0 : i32
      %dma_start3A_101 = arith.constant 0 : i32
      %dma_start3A_102 = tpu.memref_slice %arg3[%dma_start3A_100, %dma_start3A_101] : memref<1000000x128xf32, #tpu.memory_space<hbm>> -> memref<1000000x128xf32, #tpu.memory_space<hbm>>
      tpu.enqueue_indirect_dma source(%dma_start3A_102 : memref<1000000x128xf32, #tpu.memory_space<hbm>>) target(%dma_start3A_92 : memref<128x128xf32, #tpu.memory_space<vmem>>) offsets(%dma_start3A_99 : memref<128xi32, #tpu.memory_space<vmem>>) semaphore(%arg8 : memref<!tpu.dma_semaphore, #tpu.memory_space<semaphore_mem>>)
      %dma_start3A_103 = arith.constant 3 : i32
      %dma_start3A_104 = arith.constant 384 : i32
      %dma_start3A_105 = arith.constant 0 : i32
      %dma_start3A_106 = tpu.memref_slice %arg6[%dma_start3A_104, %dma_start3A_105] : memref<512x128xf32, #tpu.memory_space<vmem>> -> memref<128x128xf32, #tpu.memory_space<vmem>>
      %dma_start3A_107 = arith.constant 0 : i32
      %dma_start3A_108 = arith.constant 0 : i32
      %dma_start3A_109 = tpu.memref_slice %arg5[%rem3A_35, %dma_start3A_107, %dma_start3A_108] : memref<2x4x128xi32, #tpu.memory_space<vmem>> -> memref<1x4x128xi32, #tpu.memory_space<vmem>>
      %dma_start3A_110 = tpu.memref_squeeze %dma_start3A_109 : memref<1x4x128xi32, #tpu.memory_space<vmem>> -> memref<4x128xi32, #tpu.memory_space<vmem>>
      %dma_start3A_111 = arith.constant 0 : i32
      %dma_start3A_112 = tpu.memref_slice %dma_start3A_110[%dma_start3A_103, %dma_start3A_111] : memref<4x128xi32, #tpu.memory_space<vmem>> -> memref<1x128xi32, #tpu.memory_space<vmem>>
      %dma_start3A_113 = tpu.memref_squeeze %dma_start3A_112 : memref<1x128xi32, #tpu.memory_space<vmem>> -> memref<128xi32, #tpu.memory_space<vmem>>
      %dma_start3A_114 = arith.constant 0 : i32
      %dma_start3A_115 = arith.constant 0 : i32
      %dma_start3A_116 = tpu.memref_slice %arg3[%dma_start3A_114, %dma_start3A_115] : memref<1000000x128xf32, #tpu.memory_space<hbm>> -> memref<1000000x128xf32, #tpu.memory_space<hbm>>
      tpu.enqueue_indirect_dma source(%dma_start3A_116 : memref<1000000x128xf32, #tpu.memory_space<hbm>>) target(%dma_start3A_106 : memref<128x128xf32, #tpu.memory_space<vmem>>) offsets(%dma_start3A_113 : memref<128xi32, #tpu.memory_space<vmem>>) semaphore(%arg8 : memref<!tpu.dma_semaphore, #tpu.memory_space<semaphore_mem>>)
      %dma_wait3A_117 = arith.constant 0 : i32
      %dma_wait3A_118 = arith.constant 0 : i32
      %dma_wait3A_119 = arith.constant 0 : i32
      %dma_wait3A_120 = tpu.memref_slice %arg6[%dma_wait3A_118, %dma_wait3A_119] : memref<512x128xf32, #tpu.memory_space<vmem>> -> memref<128x128xf32, #tpu.memory_space<vmem>>
      %dma_wait3A_121 = arith.constant 0 : i32
      %dma_wait3A_122 = arith.constant 0 : i32
      %dma_wait3A_123 = tpu.memref_slice %arg5[%rem3A_35, %dma_wait3A_121, %dma_wait3A_122] : memref<2x4x128xi32, #tpu.memory_space<vmem>> -> memref<1x4x128xi32, #tpu.memory_space<vmem>>
      %dma_wait3A_124 = tpu.memref_squeeze %dma_wait3A_123 : memref<1x4x128xi32, #tpu.memory_space<vmem>> -> memref<4x128xi32, #tpu.memory_space<vmem>>
      %dma_wait3A_125 = arith.constant 0 : i32
      %dma_wait3A_126 = tpu.memref_slice %dma_wait3A_124[%dma_wait3A_117, %dma_wait3A_125] : memref<4x128xi32, #tpu.memory_space<vmem>> -> memref<1x128xi32, #tpu.memory_space<vmem>>
      %dma_wait3A_127 = tpu.memref_squeeze %dma_wait3A_126 : memref<1x128xi32, #tpu.memory_space<vmem>> -> memref<128xi32, #tpu.memory_space<vmem>>
      %dma_wait3A_128 = arith.constant 0 : i32
      %dma_wait3A_129 = arith.constant 0 : i32
      %dma_wait3A_130 = tpu.memref_slice %arg3[%dma_wait3A_128, %dma_wait3A_129] : memref<1000000x128xf32, #tpu.memory_space<hbm>> -> memref<1000000x128xf32, #tpu.memory_space<hbm>>
      tpu.wait_indirect_dma semaphore(%arg8 : memref<!tpu.dma_semaphore, #tpu.memory_space<semaphore_mem>>) src(%dma_wait3A_130 : memref<1000000x128xf32, #tpu.memory_space<hbm>>) dst(%dma_wait3A_120 : memref<128x128xf32, #tpu.memory_space<vmem>>)
      %dma_wait3A_131 = arith.constant 1 : i32
      %dma_wait3A_132 = arith.constant 128 : i32
      %dma_wait3A_133 = arith.constant 0 : i32
      %dma_wait3A_134 = tpu.memref_slice %arg6[%dma_wait3A_132, %dma_wait3A_133] : memref<512x128xf32, #tpu.memory_space<vmem>> -> memref<128x128xf32, #tpu.memory_space<vmem>>
      %dma_wait3A_135 = arith.constant 0 : i32
      %dma_wait3A_136 = arith.constant 0 : i32
      %dma_wait3A_137 = tpu.memref_slice %arg5[%rem3A_35, %dma_wait3A_135, %dma_wait3A_136] : memref<2x4x128xi32, #tpu.memory_space<vmem>> -> memref<1x4x128xi32, #tpu.memory_space<vmem>>
      %dma_wait3A_138 = tpu.memref_squeeze %dma_wait3A_137 : memref<1x4x128xi32, #tpu.memory_space<vmem>> -> memref<4x128xi32, #tpu.memory_space<vmem>>
      %dma_wait3A_139 = arith.constant 0 : i32
      %dma_wait3A_140 = tpu.memref_slice %dma_wait3A_138[%dma_wait3A_131, %dma_wait3A_139] : memref<4x128xi32, #tpu.memory_space<vmem>> -> memref<1x128xi32, #tpu.memory_space<vmem>>
      %dma_wait3A_141 = tpu.memref_squeeze %dma_wait3A_140 : memref<1x128xi32, #tpu.memory_space<vmem>> -> memref<128xi32, #tpu.memory_space<vmem>>
      %dma_wait3A_142 = arith.constant 0 : i32
      %dma_wait3A_143 = arith.constant 0 : i32
      %dma_wait3A_144 = tpu.memref_slice %arg3[%dma_wait3A_142, %dma_wait3A_143] : memref<1000000x128xf32, #tpu.memory_space<hbm>> -> memref<1000000x128xf32, #tpu.memory_space<hbm>>
      tpu.wait_indirect_dma semaphore(%arg8 : memref<!tpu.dma_semaphore, #tpu.memory_space<semaphore_mem>>) src(%dma_wait3A_144 : memref<1000000x128xf32, #tpu.memory_space<hbm>>) dst(%dma_wait3A_134 : memref<128x128xf32, #tpu.memory_space<vmem>>)
      %dma_wait3A_145 = arith.constant 2 : i32
      %dma_wait3A_146 = arith.constant 256 : i32
      %dma_wait3A_147 = arith.constant 0 : i32
      %dma_wait3A_148 = tpu.memref_slice %arg6[%dma_wait3A_146, %dma_wait3A_147] : memref<512x128xf32, #tpu.memory_space<vmem>> -> memref<128x128xf32, #tpu.memory_space<vmem>>
      %dma_wait3A_149 = arith.constant 0 : i32
      %dma_wait3A_150 = arith.constant 0 : i32
      %dma_wait3A_151 = tpu.memref_slice %arg5[%rem3A_35, %dma_wait3A_149, %dma_wait3A_150] : memref<2x4x128xi32, #tpu.memory_space<vmem>> -> memref<1x4x128xi32, #tpu.memory_space<vmem>>
      %dma_wait3A_152 = tpu.memref_squeeze %dma_wait3A_151 : memref<1x4x128xi32, #tpu.memory_space<vmem>> -> memref<4x128xi32, #tpu.memory_space<vmem>>
      %dma_wait3A_153 = arith.constant 0 : i32
      %dma_wait3A_154 = tpu.memref_slice %dma_wait3A_152[%dma_wait3A_145, %dma_wait3A_153] : memref<4x128xi32, #tpu.memory_space<vmem>> -> memref<1x128xi32, #tpu.memory_space<vmem>>
      %dma_wait3A_155 = tpu.memref_squeeze %dma_wait3A_154 : memref<1x128xi32, #tpu.memory_space<vmem>> -> memref<128xi32, #tpu.memory_space<vmem>>
      %dma_wait3A_156 = arith.constant 0 : i32
      %dma_wait3A_157 = arith.constant 0 : i32
      %dma_wait3A_158 = tpu.memref_slice %arg3[%dma_wait3A_156, %dma_wait3A_157] : memref<1000000x128xf32, #tpu.memory_space<hbm>> -> memref<1000000x128xf32, #tpu.memory_space<hbm>>
      tpu.wait_indirect_dma semaphore(%arg8 : memref<!tpu.dma_semaphore, #tpu.memory_space<semaphore_mem>>) src(%dma_wait3A_158 : memref<1000000x128xf32, #tpu.memory_space<hbm>>) dst(%dma_wait3A_148 : memref<128x128xf32, #tpu.memory_space<vmem>>)
      %dma_wait3A_159 = arith.constant 3 : i32
      %dma_wait3A_160 = arith.constant 384 : i32
      %dma_wait3A_161 = arith.constant 0 : i32
      %dma_wait3A_162 = tpu.memref_slice %arg6[%dma_wait3A_160, %dma_wait3A_161] : memref<512x128xf32, #tpu.memory_space<vmem>> -> memref<128x128xf32, #tpu.memory_space<vmem>>
      %dma_wait3A_163 = arith.constant 0 : i32
      %dma_wait3A_164 = arith.constant 0 : i32
      %dma_wait3A_165 = tpu.memref_slice %arg5[%rem3A_35, %dma_wait3A_163, %dma_wait3A_164] : memref<2x4x128xi32, #tpu.memory_space<vmem>> -> memref<1x4x128xi32, #tpu.memory_space<vmem>>
      %dma_wait3A_166 = tpu.memref_squeeze %dma_wait3A_165 : memref<1x4x128xi32, #tpu.memory_space<vmem>> -> memref<4x128xi32, #tpu.memory_space<vmem>>
      %dma_wait3A_167 = arith.constant 0 : i32
      %dma_wait3A_168 = tpu.memref_slice %dma_wait3A_166[%dma_wait3A_159, %dma_wait3A_167] : memref<4x128xi32, #tpu.memory_space<vmem>> -> memref<1x128xi32, #tpu.memory_space<vmem>>
      %dma_wait3A_169 = tpu.memref_squeeze %dma_wait3A_168 : memref<1x128xi32, #tpu.memory_space<vmem>> -> memref<128xi32, #tpu.memory_space<vmem>>
      %dma_wait3A_170 = arith.constant 0 : i32
      %dma_wait3A_171 = arith.constant 0 : i32
      %dma_wait3A_172 = tpu.memref_slice %arg3[%dma_wait3A_170, %dma_wait3A_171] : memref<1000000x128xf32, #tpu.memory_space<hbm>> -> memref<1000000x128xf32, #tpu.memory_space<hbm>>
      tpu.wait_indirect_dma semaphore(%arg8 : memref<!tpu.dma_semaphore, #tpu.memory_space<semaphore_mem>>) src(%dma_wait3A_172 : memref<1000000x128xf32, #tpu.memory_space<hbm>>) dst(%dma_wait3A_162 : memref<128x128xf32, #tpu.memory_space<vmem>>)
      %mul3A_173 = arith.constant 512 : i32
      %mul3A_174 = arith.muli %scan3A_34, %mul3A_173 : i32
      %add3A_175 = arith.addi %mul3A_2, %mul3A_174 : i32
      %dma_start3A_176 = arith.constant 0 : i32
      %dma_start3A_177 = tpu.memref_slice %arg4[%add3A_175, %dma_start3A_176] : memref<163840x128xf32, #tpu.memory_space<hbm>> -> memref<512x128xf32, #tpu.memory_space<hbm>>
      %dma_start3A_178 = arith.constant 0 : i32
      %dma_start3A_179 = tpu.memref_slice %arg4[%add3A_175, %dma_start3A_178] : memref<163840x128xf32, #tpu.memory_space<hbm>> -> memref<512x128xf32, #tpu.memory_space<hbm>>
      tpu.enqueue_dma source(%arg6 : memref<512x128xf32, #tpu.memory_space<vmem>>) target(%dma_start3A_179 : memref<512x128xf32, #tpu.memory_space<hbm>>) target_semaphore(%arg9 : memref<!tpu.dma_semaphore, #tpu.memory_space<semaphore_mem>>)
    }
    %scan3A_28 = arith.constant 10 : i32
    %add3A_29 = arith.constant 4608 : i32
    %add3A_30 = arith.addi %mul3A_2, %add3A_29 : i32
    %dma_wait3A = arith.constant 0 : i32
    %dma_wait3A_31 = tpu.memref_slice %arg4[%add3A_30, %dma_wait3A] : memref<163840x128xf32, #tpu.memory_space<hbm>> -> memref<512x128xf32, #tpu.memory_space<hbm>>
    %dma_wait3A_32 = arith.constant 0 : i32
    %dma_wait3A_33 = tpu.memref_slice %arg4[%add3A_30, %dma_wait3A_32] : memref<163840x128xf32, #tpu.memory_space<hbm>> -> memref<512x128xf32, #tpu.memory_space<hbm>>
    tpu.wait_dma2 semaphore(%arg9 : memref<!tpu.dma_semaphore, #tpu.memory_space<semaphore_mem>>) src(%arg6 : memref<512x128xf32, #tpu.memory_space<vmem>>) dst(%dma_wait3A_33 : memref<512x128xf32, #tpu.memory_space<hbm>>)
    return
  }
}

module attributes {stable_mosaic.version = 14 : i64} {
  func.func @body0(%arg0: i32, %arg1: i32, %arg2: memref<8192x128xf32, #tpu.memory_space<vmem>>, %arg3: memref<1x64x8192xf32, #tpu.memory_space<vmem>>) attributes {dimension_semantics = [#tpu.dimension_semantics<arbitrary>, #tpu.dimension_semantics<arbitrary>], iteration_bounds = array<i64: 10, 2>, scalar_prefetch = 0 : i64, scratch_operands = 0 : i64, tpu.core_type = #tpu.core_type<tc>, window_params = [{transform_indices = @transform_0, window_bounds = array<i64: 8192, 128>}, {transform_indices = @transform_1, window_bounds = array<i64: 1, 64, 8192>}]} {
    %get3A = arith.constant 0 : index
    %get3A_0 = arith.constant 0 : index
    %get3A_1 = vector.load %arg2[%get3A, %get3A_0] : memref<8192x128xf32, #tpu.memory_space<vmem>>, vector<8192x64xf32>
    %transpose3A = tpu.transpose %get3A_1, [1, 0] : vector<8192x64xf32> -> vector<64x8192xf32>
    %swap3A = arith.constant 0 : index
    %swap3A_2 = arith.constant 0 : index
    %swap3A_3 = arith.constant 0 : index
    %swap3A_4 = vector.load %arg3[%swap3A, %swap3A_2, %swap3A_3] : memref<1x64x8192xf32, #tpu.memory_space<vmem>>, vector<1x64x8192xf32>
    %swap3A_5 = vector.shape_cast %swap3A_4 : vector<1x64x8192xf32> to vector<64x8192xf32>
    %swap3A_6 = vector.shape_cast %transpose3A : vector<64x8192xf32> to vector<1x64x8192xf32>
    tpu.vector_store %arg3[%swap3A, %swap3A_2, %swap3A_3], %swap3A_6 {strides = array<i32>} : memref<1x64x8192xf32, #tpu.memory_space<vmem>>, vector<1x64x8192xf32>,
    return
  }
  func.func @transform_0(%arg0: i32, %arg1: i32) -> (i32, i32) {
    %mul3A = arith.constant 2 : i32
    %mul3A_0 = arith.muli %arg0, %mul3A : i32
    %add3A = arith.addi %mul3A_0, %arg1 : i32
    %c0_i32 = arith.constant 0 : i32
    %c0_i32_1 = arith.constant 0 : i32
    return %add3A, %c0_i32 : i32, i32
  }
  func.func @transform_1(%arg0: i32, %arg1: i32) -> (i32, i32, i32) {
    %add3A = arith.constant 0 : i32
    %add3A_0 = arith.addi %arg0, %add3A : i32
    %c0_i32 = arith.constant 0 : i32
    %c0_i32_1 = arith.constant 0 : i32
    return %add3A_0, %c0_i32, %arg1 : i32, i32, i32
  }
}

module attributes {stable_mosaic.version = 14 : i64} {
  func.func @body(%arg0: i32, %arg1: memref<64x16384xf32, #tpu.memory_space<vmem>>, %arg2: memref<64x64xf32, #tpu.memory_space<vmem>>, %arg3: memref<8x64xf32, #tpu.memory_space<vmem>>, %arg4: memref<16384x128xf32, #tpu.memory_space<vmem>>) attributes {dimension_semantics = [#tpu.dimension_semantics<arbitrary>], iteration_bounds = array<i64: 62>, scalar_prefetch = 0 : i64, scratch_operands = 0 : i64, tpu.core_type = #tpu.core_type<tc>, window_params = [{transform_indices = @transform_0, window_bounds = array<i64: 64, 16384>}, {pipeline_mode = #tpu.pipeline_mode<synchronous>, transform_indices = @transform_1, window_bounds = array<i64: 64, 64>}, {pipeline_mode = #tpu.pipeline_mode<synchronous>, transform_indices = @transform_2, window_bounds = array<i64: 8, 64>}, {transform_indices = @transform_3, window_bounds = array<i64: 16384, 128>}]} {
    %get3A = arith.constant 0 : index
    %get3A_0 = arith.constant 0 : index
    %get3A_1 = vector.load %arg1[%get3A, %get3A_0] : memref<64x16384xf32, #tpu.memory_space<vmem>>, vector<64x16384xf32>
    %max3A = arith.constant 0.000000e+00 : f32
    %max3A_2 = vector.broadcast %max3A : f32 to vector<64x16384xf32>
    %max3A_3 = arith.maximumf %get3A_1, %max3A_2 : vector<64x16384xf32>
    %get3A_4 = arith.constant 0 : index
    %get3A_5 = arith.constant 0 : index
    %get3A_6 = vector.load %arg2[%get3A_4, %get3A_5] : memref<64x64xf32, #tpu.memory_space<vmem>>, vector<64x64xf32>
    %dot_general3A = arith.constant dense<0.000000e+00> : vector<16384x64xf32>
    %dot_general3A_7 = tpu.matmul %max3A_3, %get3A_6, %dot_general3A {dimension_numbers = #tpu.dot_dimension_numbers<[0], [1], [1], [0], [0, 1, 1, 0], [], []>, transpose_lhs_hint = false} : vector<64x16384xf32>, vector<64x64xf32>, vector<16384x64xf32> -> vector<16384x64xf32>
    %get3A_8 = arith.constant 0 : index
    %get3A_9 = arith.constant 0 : index
    %get3A_10 = vector.load %arg3[%get3A_8, %get3A_9] : memref<8x64xf32, #tpu.memory_space<vmem>>, vector<1x64xf32>
    %add3A = vector.broadcast %get3A_10 : vector<1x64xf32> to vector<16384x64xf32>
    %add3A_11 = arith.addf %dot_general3A_7, %add3A : vector<16384x64xf32>
    %concatenate3A = tpu.concatenate %add3A_11, %add3A_11 in 1 : vector<16384x64xf32>, vector<16384x64xf32> -> vector<16384x128xf32>
    %swap3A = arith.constant 0 : index
    %swap3A_12 = arith.constant 0 : index
    %swap3A_13 = vector.load %arg4[%swap3A, %swap3A_12] : memref<16384x128xf32, #tpu.memory_space<vmem>>, vector<16384x128xf32>
    tpu.vector_store %arg4[%swap3A, %swap3A_12], %concatenate3A {strides = array<i32>} : memref<16384x128xf32, #tpu.memory_space<vmem>>, vector<16384x128xf32>,
    return
  }
  func.func @transform_0(%arg0: i32) -> (i32, i32) {
    %c0_i32 = arith.constant 0 : i32
    %c0_i32_0 = arith.constant 0 : i32
    return %c0_i32, %arg0 : i32, i32
  }
  func.func @transform_1(%arg0: i32) -> (i32, i32) {
    %c0_i32 = arith.constant 0 : i32
    %c0_i32_0 = arith.constant 0 : i32
    %c0_i32_1 = arith.constant 0 : i32
    return %c0_i32, %c0_i32_0 : i32, i32
  }
  func.func @transform_2(%arg0: i32) -> (i32, i32) {
    %c0_i32 = arith.constant 0 : i32
    %c0_i32_0 = arith.constant 0 : i32
    %c0_i32_1 = arith.constant 0 : i32
    return %c0_i32, %c0_i32_0 : i32, i32
  }
  func.func @transform_3(%arg0: i32) -> (i32, i32) {
    %c0_i32 = arith.constant 0 : i32
    %c0_i32_0 = arith.constant 0 : i32
    return %arg0, %c0_i32 : i32, i32
  }
}

module attributes {stable_mosaic.version = 14 : i64} {
  func.func @body(%arg0: i32, %arg1: i32, %arg2: memref<8192x128xf32, #tpu.memory_space<vmem>>, %arg3: memref<1x8x128xf32, #tpu.memory_space<vmem>>, %arg4: memref<1x64x8192xf32, #tpu.memory_space<vmem>>) attributes {dimension_semantics = [#tpu.dimension_semantics<arbitrary>, #tpu.dimension_semantics<arbitrary>], iteration_bounds = array<i64: 10, 2>, scalar_prefetch = 0 : i64, scratch_operands = 0 : i64, tpu.core_type = #tpu.core_type<tc>, window_params = [{transform_indices = @transform_0, window_bounds = array<i64: 8192, 128>}, {transform_indices = @transform_1, window_bounds = array<i64: 1, 8, 128>}, {transform_indices = @transform_2, window_bounds = array<i64: 1, 64, 8192>}]} {
    %get3A = arith.constant 0 : index
    %get3A_0 = arith.constant 0 : index
    %get3A_1 = vector.load %arg2[%get3A, %get3A_0] : memref<8192x128xf32, #tpu.memory_space<vmem>>, vector<8192x64xf32>
    %transpose3A = tpu.transpose %get3A_1, [1, 0] : vector<8192x64xf32> -> vector<64x8192xf32>
    %swap3A = arith.constant 0 : index
    %swap3A_2 = arith.constant 0 : index
    %swap3A_3 = arith.constant 0 : index
    %swap3A_4 = vector.load %arg4[%swap3A, %swap3A_2, %swap3A_3] : memref<1x64x8192xf32, #tpu.memory_space<vmem>>, vector<1x64x8192xf32>
    %swap3A_5 = vector.shape_cast %swap3A_4 : vector<1x64x8192xf32> to vector<64x8192xf32>
    %swap3A_6 = vector.shape_cast %transpose3A : vector<64x8192xf32> to vector<1x64x8192xf32>
    tpu.vector_store %arg4[%swap3A, %swap3A_2, %swap3A_3], %swap3A_6 {strides = array<i32>} : memref<1x64x8192xf32, #tpu.memory_space<vmem>>, vector<1x64x8192xf32>,
    return
  }
  func.func @transform_0(%arg0: i32, %arg1: i32) -> (i32, i32) {
    %mul3A = arith.constant 2 : i32
    %mul3A_0 = arith.muli %arg0, %mul3A : i32
    %add3A = arith.addi %mul3A_0, %arg1 : i32
    %c0_i32 = arith.constant 0 : i32
    %c0_i32_1 = arith.constant 0 : i32
    return %add3A, %c0_i32 : i32, i32
  }
  func.func @transform_1(%arg0: i32, %arg1: i32) -> (i32, i32, i32) {
    %c0_i32 = arith.constant 0 : i32
    %c0_i32_0 = arith.constant 0 : i32
    %c0_i32_1 = arith.constant 0 : i32
    %c0_i32_2 = arith.constant 0 : i32
    return %c0_i32, %c0_i32_0, %c0_i32_1 : i32, i32, i32
  }
  func.func @transform_2(%arg0: i32, %arg1: i32) -> (i32, i32, i32) {
    %add3A = arith.constant 10 : i32
    %add3A_0 = arith.addi %arg0, %add3A : i32
    %c0_i32 = arith.constant 0 : i32
    %c0_i32_1 = arith.constant 0 : i32
    return %add3A_0, %c0_i32, %arg1 : i32, i32, i32
  }
}

module attributes {stable_mosaic.version = 14 : i64} {
  func.func @body(%arg0: i32, %arg1: i32, %arg2: memref<8192x128xf32, #tpu.memory_space<vmem>>, %arg3: memref<1x8x128xf32, #tpu.memory_space<vmem>>, %arg4: memref<1x64x8192xf32, #tpu.memory_space<vmem>>) attributes {dimension_semantics = [#tpu.dimension_semantics<arbitrary>, #tpu.dimension_semantics<arbitrary>], iteration_bounds = array<i64: 10, 2>, scalar_prefetch = 0 : i64, scratch_operands = 0 : i64, tpu.core_type = #tpu.core_type<tc>, window_params = [{transform_indices = @transform_0, window_bounds = array<i64: 8192, 128>}, {transform_indices = @transform_1, window_bounds = array<i64: 1, 8, 128>}, {transform_indices = @transform_2, window_bounds = array<i64: 1, 64, 8192>}]} {
    %get3A = arith.constant 0 : index
    %get3A_0 = arith.constant 0 : index
    %get3A_1 = vector.load %arg2[%get3A, %get3A_0] : memref<8192x128xf32, #tpu.memory_space<vmem>>, vector<8192x64xf32>
    %transpose3A = tpu.transpose %get3A_1, [1, 0] : vector<8192x64xf32> -> vector<64x8192xf32>
    %swap3A = arith.constant 0 : index
    %swap3A_2 = arith.constant 0 : index
    %swap3A_3 = arith.constant 0 : index
    %swap3A_4 = vector.load %arg4[%swap3A, %swap3A_2, %swap3A_3] : memref<1x64x8192xf32, #tpu.memory_space<vmem>>, vector<1x64x8192xf32>
    %swap3A_5 = vector.shape_cast %swap3A_4 : vector<1x64x8192xf32> to vector<64x8192xf32>
    %swap3A_6 = vector.shape_cast %transpose3A : vector<64x8192xf32> to vector<1x64x8192xf32>
    tpu.vector_store %arg4[%swap3A, %swap3A_2, %swap3A_3], %swap3A_6 {strides = array<i32>} : memref<1x64x8192xf32, #tpu.memory_space<vmem>>, vector<1x64x8192xf32>,
    return
  }
  func.func @transform_0(%arg0: i32, %arg1: i32) -> (i32, i32) {
    %mul3A = arith.constant 2 : i32
    %mul3A_0 = arith.muli %arg0, %mul3A : i32
    %add3A = arith.addi %mul3A_0, %arg1 : i32
    %c0_i32 = arith.constant 0 : i32
    %c0_i32_1 = arith.constant 0 : i32
    return %add3A, %c0_i32 : i32, i32
  }
  func.func @transform_1(%arg0: i32, %arg1: i32) -> (i32, i32, i32) {
    %c0_i32 = arith.constant 0 : i32
    %c0_i32_0 = arith.constant 0 : i32
    %c0_i32_1 = arith.constant 0 : i32
    %c0_i32_2 = arith.constant 0 : i32
    return %c0_i32, %c0_i32_0, %c0_i32_1 : i32, i32, i32
  }
  func.func @transform_2(%arg0: i32, %arg1: i32) -> (i32, i32, i32) {
    %add3A = arith.constant 20 : i32
    %add3A_0 = arith.addi %arg0, %add3A : i32
    %c0_i32 = arith.constant 0 : i32
    %c0_i32_1 = arith.constant 0 : i32
    return %add3A_0, %c0_i32, %arg1 : i32, i32, i32
  }
}

module attributes {stable_mosaic.version = 14 : i64} {
  func.func @body(%arg0: i32, %arg1: i32, %arg2: memref<8192x128xf32, #tpu.memory_space<vmem>>, %arg3: memref<1x8x128xf32, #tpu.memory_space<vmem>>, %arg4: memref<1x64x8192xf32, #tpu.memory_space<vmem>>) attributes {dimension_semantics = [#tpu.dimension_semantics<arbitrary>, #tpu.dimension_semantics<arbitrary>], iteration_bounds = array<i64: 10, 2>, scalar_prefetch = 0 : i64, scratch_operands = 0 : i64, tpu.core_type = #tpu.core_type<tc>, window_params = [{transform_indices = @transform_0, window_bounds = array<i64: 8192, 128>}, {transform_indices = @transform_1, window_bounds = array<i64: 1, 8, 128>}, {transform_indices = @transform_2, window_bounds = array<i64: 1, 64, 8192>}]} {
    %get3A = arith.constant 0 : index
    %get3A_0 = arith.constant 0 : index
    %get3A_1 = vector.load %arg2[%get3A, %get3A_0] : memref<8192x128xf32, #tpu.memory_space<vmem>>, vector<8192x64xf32>
    %transpose3A = tpu.transpose %get3A_1, [1, 0] : vector<8192x64xf32> -> vector<64x8192xf32>
    %swap3A = arith.constant 0 : index
    %swap3A_2 = arith.constant 0 : index
    %swap3A_3 = arith.constant 0 : index
    %swap3A_4 = vector.load %arg4[%swap3A, %swap3A_2, %swap3A_3] : memref<1x64x8192xf32, #tpu.memory_space<vmem>>, vector<1x64x8192xf32>
    %swap3A_5 = vector.shape_cast %swap3A_4 : vector<1x64x8192xf32> to vector<64x8192xf32>
    %swap3A_6 = vector.shape_cast %transpose3A : vector<64x8192xf32> to vector<1x64x8192xf32>
    tpu.vector_store %arg4[%swap3A, %swap3A_2, %swap3A_3], %swap3A_6 {strides = array<i32>} : memref<1x64x8192xf32, #tpu.memory_space<vmem>>, vector<1x64x8192xf32>,
    return
  }
  func.func @transform_0(%arg0: i32, %arg1: i32) -> (i32, i32) {
    %mul3A = arith.constant 2 : i32
    %mul3A_0 = arith.muli %arg0, %mul3A : i32
    %add3A = arith.addi %mul3A_0, %arg1 : i32
    %c0_i32 = arith.constant 0 : i32
    %c0_i32_1 = arith.constant 0 : i32
    return %add3A, %c0_i32 : i32, i32
  }
  func.func @transform_1(%arg0: i32, %arg1: i32) -> (i32, i32, i32) {
    %c0_i32 = arith.constant 0 : i32
    %c0_i32_0 = arith.constant 0 : i32
    %c0_i32_1 = arith.constant 0 : i32
    %c0_i32_2 = arith.constant 0 : i32
    return %c0_i32, %c0_i32_0, %c0_i32_1 : i32, i32, i32
  }
  func.func @transform_2(%arg0: i32, %arg1: i32) -> (i32, i32, i32) {
    %add3A = arith.constant 30 : i32
    %add3A_0 = arith.addi %arg0, %add3A : i32
    %c0_i32 = arith.constant 0 : i32
    %c0_i32_1 = arith.constant 0 : i32
    return %add3A_0, %c0_i32, %arg1 : i32, i32, i32
  }
}

module attributes {stable_mosaic.version = 14 : i64} {
  func.func @body(%arg0: i32, %arg1: i32, %arg2: memref<8192x128xf32, #tpu.memory_space<vmem>>, %arg3: memref<1x8x128xf32, #tpu.memory_space<vmem>>, %arg4: memref<1x64x8192xf32, #tpu.memory_space<vmem>>) attributes {dimension_semantics = [#tpu.dimension_semantics<arbitrary>, #tpu.dimension_semantics<arbitrary>], iteration_bounds = array<i64: 10, 2>, scalar_prefetch = 0 : i64, scratch_operands = 0 : i64, tpu.core_type = #tpu.core_type<tc>, window_params = [{transform_indices = @transform_0, window_bounds = array<i64: 8192, 128>}, {transform_indices = @transform_1, window_bounds = array<i64: 1, 8, 128>}, {transform_indices = @transform_2, window_bounds = array<i64: 1, 64, 8192>}]} {
    %get3A = arith.constant 0 : index
    %get3A_0 = arith.constant 0 : index
    %get3A_1 = vector.load %arg2[%get3A, %get3A_0] : memref<8192x128xf32, #tpu.memory_space<vmem>>, vector<8192x64xf32>
    %transpose3A = tpu.transpose %get3A_1, [1, 0] : vector<8192x64xf32> -> vector<64x8192xf32>
    %swap3A = arith.constant 0 : index
    %swap3A_2 = arith.constant 0 : index
    %swap3A_3 = arith.constant 0 : index
    %swap3A_4 = vector.load %arg4[%swap3A, %swap3A_2, %swap3A_3] : memref<1x64x8192xf32, #tpu.memory_space<vmem>>, vector<1x64x8192xf32>
    %swap3A_5 = vector.shape_cast %swap3A_4 : vector<1x64x8192xf32> to vector<64x8192xf32>
    %swap3A_6 = vector.shape_cast %transpose3A : vector<64x8192xf32> to vector<1x64x8192xf32>
    tpu.vector_store %arg4[%swap3A, %swap3A_2, %swap3A_3], %swap3A_6 {strides = array<i32>} : memref<1x64x8192xf32, #tpu.memory_space<vmem>>, vector<1x64x8192xf32>,
    return
  }
  func.func @transform_0(%arg0: i32, %arg1: i32) -> (i32, i32) {
    %mul3A = arith.constant 2 : i32
    %mul3A_0 = arith.muli %arg0, %mul3A : i32
    %add3A = arith.addi %mul3A_0, %arg1 : i32
    %c0_i32 = arith.constant 0 : i32
    %c0_i32_1 = arith.constant 0 : i32
    return %add3A, %c0_i32 : i32, i32
  }
  func.func @transform_1(%arg0: i32, %arg1: i32) -> (i32, i32, i32) {
    %c0_i32 = arith.constant 0 : i32
    %c0_i32_0 = arith.constant 0 : i32
    %c0_i32_1 = arith.constant 0 : i32
    %c0_i32_2 = arith.constant 0 : i32
    return %c0_i32, %c0_i32_0, %c0_i32_1 : i32, i32, i32
  }
  func.func @transform_2(%arg0: i32, %arg1: i32) -> (i32, i32, i32) {
    %add3A = arith.constant 40 : i32
    %add3A_0 = arith.addi %arg0, %add3A : i32
    %c0_i32 = arith.constant 0 : i32
    %c0_i32_1 = arith.constant 0 : i32
    return %add3A_0, %c0_i32, %arg1 : i32, i32, i32
  }
}

</mosaic_0001>

<sc_bundles>
// kernel: kernel.13.cloned.1.call-start
scs
__scs_entry_jumppad:
0x0: {  	(pc) =	sbr.rel $0x88, $3  }
0x1: {  	(tag) =	ssettag $0x0;
	lr =	simm.s32 $0x1  }
0x2: {  	[smem:$0x3F9D] =	sst lr;
	_ =	strace $0xD0000000  }
0x3: {  	_ = 	snop  }
0x4: {  	_ = 	snop  }
0x5: {  	_ = 	snop  }
0x6: {  	_ = 	snop  }
0x7: {  	_ = 	snop  }
__scs_overlays_trampoline_lowered:
0x8: {  	[smem:$0x3FAC] =	sst s0  }
0x9: {  	[smem:$0x3FAD] =	sst s1  }
0xa: {  	[smem:$0x3FAE] =	sst s2  }
0xb: {  	[smem:$0x3FAF] =	sst s3  }
0xc: {  	[smem:$0x3FB0] =	sst s4  }
0xd: {  	[smem:$0x3FB1] =	sst s5  }
0xe: {  	[smem:$0x3FB2] =	sst s6  }
0xf: {  	[smem:$0x3FB3] =	sst s7  }
0x10: {  	[smem:$0x3FB4] =	sst s8  }
0x11: {  	[smem:$0x3FB5] =	sst s9;
	s0 =	simm.s32 @!p0 $0x0  }
0x12: {  	s1 =	sld [smem:$0x3F9B];
	s0 =	simm.s32 @p0 $0x1  }
0x13: {  	[smem:$0x3FB6] =	sst s0;
	s0 =	simm.s32 @!p1 $0x0  }
0x14: {  	s2 =	sld [smem:$0x3F9A];
	s0 =	simm.s32 @p1 $0x1  }
0x15: {  	[smem:$0x3FB7] =	sst s0;
	s0 =	simm.s32 @!p2 $0x0  }
0x16: {  	s3 =	sld [smem:$0x3FDB];
	s0 =	simm.s32 @p2 $0x1  }
0x17: {  	s4 =	simm.s32 $0x1BF5;
	[smem:$0x3FB9] =	sst s0  }
0x18: {  	s0 =	sld [smem:$0x3F9C];
	_ =	swait.ge [sflag:s4], $0x0  }
0x19: {  	s7 =	sld [smem:$0x3F9D]  }
0x1a: {  	s8 =	sadd.s32 $0xFFFFE003, lr  }
0x1b: {  	s9 =	sadd.s32 $0xFFFFFEF7, lr;
	s5 =	simm.s32 $0xFFFFFFFF;
	p2 =	slt.u32 s8, $0xFFFFF086  }
0x1c: {  	p1 =	slt.u32 s9, $0xF7A;
	s5 =	simm.s32 @!p2 $0x0  }
0x1d: {  	s5 =	simm.s32 @p1 $0x1;
	p0 =	seq.s32 s7, s2  }
0x1e: {  	s7 =	smul.u32 @!p0 $0xF7A, s2;
	p2 =	seq.s32 @!p0 s5, $0x0  }
0x1f: {  	s9 =	smul.u32 $0xF7A, s1;
	s8 =	simm.s32 @!p0 $0x1BF5;
	p2 =	por !p2, p0  }
0x20: {  	[sflag:s8] =	ssyncset.s32 @!p0 $0xFFFFF086;
	s6 =	sadd.s32 @!p0 s3, s7;
	s7 =	simm.s32 @!p0 $0x108  }
0x21: {  	s3 =	sadd.s32 s3, s9;
	s6 =	sadd.s32 @!p0 $0x88, s6;
	s7 =	simm.s32 @p2 $0x1082  }
0x22: {  	[simem:s7], [sflag:s8] =	dma.local @!p0 [hbm:s6], $0xF7A  }
0x23: {  	s9 =	sor.u32 $0xD0000000, s2;
	s6 =	simm.s32 $0x108;
	_ =	swait.ge @!p0 [sflag:s8], $0x0  }
0x24: {  	s3 =	sadd.s32 $0x88, s3;
	s6 =	simm.s32 @!p1 $0x1082;
	[sflag:s4] =	ssyncset.s32 $0xFFFFF086  }
0x25: {  	[simem:s6], [sflag:s4] =	dma.local [hbm:s3], $0xF7A  }
0x26: {  	[smem:$0x3F9D] =	sst s1;
	(tag) =	ssettag s2;
	_ =	strace s9  }
0x27: {  	s1 =	sld [smem:$0x3FAD]  }
0x28: {  	s2 =	sld [smem:$0x3FAE]  }
0x29: {  	s4 =	sld [smem:$0x3FB0]  }
0x2a: {  	p0 =	seq.s32 s5, $0x0;
	s5 =	sld [smem:$0x3FB1]  }
0x2b: {  	s6 =	sld [smem:$0x3FB2]  }
0x2c: {  	s7 =	sld [smem:$0x3FB3]  }
0x2d: {  	s3 =	simm.s32 $0x108;
	s8 =	sld [smem:$0x3FB4]  }
0x2e: {  	s3 =	simm.s32 @!p0 $0x1082;
	s9 =	sld [smem:$0x3FB5]  }
0x2f: {  	lr =	sadd.s32 s0, s3;
	s0 =	sld [smem:$0x3FAC]  }
0x30: {  	s3 =	sld [smem:$0x3FAF]  }
0x31: {  	[smem:$0x3FB8] =	sst s10  }
0x32: {  	s10 =	sld [smem:$0x3FB6];
	_ =	sdelay $0x3  }
0x33: {  	p0 =	seq.s32 s10, $0x1;
	s10 =	sld [smem:$0x3FB8];
	_ =	sdelay $0x3  }
0x34: {  	[smem:$0x3FB8] =	sst s10  }
0x35: {  	s10 =	sld [smem:$0x3FB7];
	_ =	sdelay $0x3  }
0x36: {  	p1 =	seq.s32 s10, $0x1;
	s10 =	sld [smem:$0x3FB8];
	_ =	sdelay $0x3  }
0x37: {  	[smem:$0x3FB8] =	sst s10  }
0x38: {  	s10 =	sld [smem:$0x3FB9]  }
0x39: {  	_ = 	snop;
	(pc) =	sbr.ind lr, $3  }
0x3a: {  	_ = 	snop  }
0x3b: {  	_ = 	snop  }
0x3c: {  	p2 =	seq.s32 s10, $0x1;
	s10 =	sld [smem:$0x3FB8]  }
0x3d: {  	_ =	shalt  }
0x3e: {  	_ =	shalt  }
0x3f: {  	_ =	shalt  }
0x40: {  	_ =	shalt  }
0x41: {  	_ =	shalt  }
0x42: {  	_ =	shalt  }
0x43: {  	_ =	shalt  }
0x44: {  	_ =	shalt  }
0x45: {  	_ =	shalt  }
0x46: {  	_ =	shalt  }
0x47: {  	_ =	shalt  }
0x48: {  	_ =	shalt  }
0x49: {  	_ =	shalt  }
0x4a: {  	_ =	shalt  }
0x4b: {  	_ =	shalt  }
0x4c: {  	_ =	shalt  }
0x4d: {  	_ =	shalt  }
0x4e: {  	_ =	shalt  }
0x4f: {  	_ =	shalt  }
0x50: {  	_ =	shalt  }
0x51: {  	_ =	shalt  }
0x52: {  	_ =	shalt  }
0x53: {  	_ =	shalt  }
0x54: {  	_ =	shalt  }
0x55: {  	_ =	shalt  }
0x56: {  	_ =	shalt  }
0x57: {  	_ =	shalt  }
0x58: {  	_ =	shalt  }
0x59: {  	_ =	shalt  }
0x5a: {  	_ =	shalt  }
0x5b: {  	_ =	shalt  }
0x5c: {  	_ =	shalt  }
0x5d: {  	_ =	shalt  }
0x5e: {  	_ =	shalt  }
0x5f: {  	_ =	shalt  }
0x60: {  	_ =	shalt  }
0x61: {  	_ =	shalt  }
0x62: {  	_ =	shalt  }
0x63: {  	_ =	shalt  }
0x64: {  	_ =	shalt  }
0x65: {  	_ =	shalt  }
0x66: {  	_ =	shalt  }
0x67: {  	_ =	shalt  }
0x68: {  	_ =	shalt  }
0x69: {  	_ =	shalt  }
0x6a: {  	_ =	shalt  }
0x6b: {  	_ =	shalt  }
0x6c: {  	_ =	shalt  }
0x6d: {  	_ =	shalt  }
0x6e: {  	_ =	shalt  }
0x6f: {  	_ =	shalt  }
0x70: {  	_ =	shalt  }
0x71: {  	_ =	shalt  }
0x72: {  	_ =	shalt  }
0x73: {  	_ =	shalt  }
0x74: {  	_ =	shalt  }
0x75: {  	_ =	shalt  }
0x76: {  	_ =	shalt  }
0x77: {  	_ =	shalt  }
0x78: {  	_ =	shalt  }
0x79: {  	_ =	shalt  }
0x7a: {  	_ =	shalt  }
0x7b: {  	_ =	shalt  }
0x7c: {  	_ =	shalt  }
0x7d: {  	_ =	shalt  }
0x7e: {  	_ =	shalt  }
0x7f: {  	_ =	shalt  }
0x80: {  	_ =	shalt  }
0x81: {  	_ =	shalt  }
0x82: {  	_ =	shalt  }
0x83: {  	_ =	shalt  }
0x84: {  	_ =	shalt  }
0x85: {  	_ =	shalt  }
0x86: {  	_ =	shalt  }
0x87: {  	_ =	shalt  }
.Lfunc_end0:
.L_simem_size_0:
called_computation_lowered:
.L_overlay_start_0:
0x88: {  	s2 =	sld [smem:$0x3FD9]  }
0x89: {  	s3 =	sld [smem:$0x3FFE];
	_ =	sdelay $0x1  }
0x8a: {  	s1 =	srdreg.scid  }
0x8b: {  	s0 =	sand.u32 $0x1, s1  }
0x8c: {  	s16 =	sshll.u32 s0, $0xA;
	s2 =	sadd.s32 s3, s2  }
0x8d: {  	s2 =	sadd.s32 s2, s16  }
0x8e: {  	[smem:$0x3FC4] =	sst s2  }
0x8f: {  	_ = 	snop  }
0x90: {  	(tm) =	ssettm $0x1  }
0x91: {  	s17 =	sld [smem:$0x3FFB];
	_ =	sdelay $0x3  }
0x92: {  	_ =	strace s17  }
0x93: {  	s2 =	sld [smem:$0x3FFC];
	_ =	sdelay $0x3  }
0x94: {  	_ =	strace s2  }
0x95: {  	s2 =	sld [smem:$0x3FFD];
	_ =	sdelay $0x3  }
0x96: {  	_ =	strace s2  }
0x97: {  	_ =	strace $0x8FFFFFFF  }
0x98: {  	s18 =	sld [smem:$0x3FDB];
	_ =	sdelay $0x1  }
0x99: {  	s19 =	simm.s32 $_scs_section_size  }
0x9a: {  	s4 =	simm.s32 $_size__tile_overlayer_lowered;
	s5 =	simm.s32 $_tile_overlayer_lowered  }
0x9b: {  	s22 =	simm.s32 $0x1BFF;
	s21 =	sshll.u32 s5, $0x1;
	s2 =	sadd.s32 s19, s18  }
0x9c: {  	s6 =	simm.s32 $0x0;
	s20 =	sshll.u32 s4, $0x1;
	s4 =	sadd.s32 s21, s2  }
0x9d: {  	[timem:s6], [sflag:s22] =	dma.local [hbm:s4], s20  }
0x9e: {  	_ =	swait.ge [sflag:s22], s20  }
0x9f: {  	s3 =	ssub.s32 $0x0, s20;
	[sflag:s22] =	ssyncset.done $0x0  }
0xa0: {  	[sflag:s22] =	ssyncadd.s32 s3;
	_ =	sdelay $0x1  }
0xa1: {  	s23 =	simm.s32 $0x1B8B  }
0xa2: {  	_ =	swait.ge [sflag:s23], $0x1  }
0xa3: {  	[sflag:s23] =	ssyncset.done $0x0  }
0xa4: {  	s25 =	simm.s32 $0x1B8E;
	s24 =	sld [smem:$0x3FFE];
	[sflag:s23] =	ssyncadd.s32 $0xFFFFFFFF  }
0xa5: {  	s26 =	simm.s32 $execute0_lowered;
	[smem:$0x3FD2] =	sst s25  }
0xa6: {  	s4 =	sshll.u32 s26, $0x1;
	_ =	strace $0x80000046;
	[dreg:$0x1] =	wrdreg $0xFFFFFFFF  }
0xa7: {  	s28 =	simm.s32 $_size_execute0_lowered;
	s2 =	sadd.s32 s2, s4;
	[dreg:$0x0] =	wrdreg $0x0  }
0xa8: {  	s4 =	sshll.u32 s28, $0x1;
	[dreg:$0x2] =	wrdreg s2  }
0xa9: {  	[dreg:$0x3] =	wrdreg s4  }
0xaa: {  	[dreg:$0x4] =	wrdreg $0xC0  }
0xab: {  	_ =	task [dreg:s6], $0x5FFFF  }
0xac: {  	[dreg:$0x1] =	wrdreg $0xFFFFFFFF  }
0xad: {  	[dreg:$0x0] =	wrdreg $0x60  }
0xae: {  	[dreg:$0x2] =	wrdreg s24  }
0xaf: {  	[dreg:$0x3] =	wrdreg $0x9  }
0xb0: {  	_ =	task.clear_ibuf [dreg:s6], $0x4FFFF;
	_ =	strace $0x90000046  }
0xb1: {  	s29 =	simm.s32 $0x9;
	_ =	strace $0x80000048  }
0xb2: {  	_ =	swait.ge [sflag:s29], $0x1  }
0xb3: {  	[sflag:s29] =	ssyncadd.s32 $0xFFFFFFFF  }
0xb4: {  	_ =	strace $0x90000048  }
0xb5: {  	_ =	sfence  }
0xb6: {  	s30 =	sld [smem:$0x0];
	_ =	sdelay $0x2  }
0xb7: {  	s31 =	sshll.u32 s1, $0xD;
	s1 =	sshrl.u32 s1, $0x2  }
0xb8: {  	s3 =	sand.u32 $0x4000, s31;
	s1 =	sadd.s32 s1, s30  }
0xb9: {  	s0 =	sor.u32 s3, s0;
	s1 =	sshll.u32 s1, $0x11  }
0xba: {  	s0 =	sor.u32 s1, s0  }
0xbb: {  	s0 =	sadd.s32 $0x8F2B, s0  }
0xbc: {  	[sflag:s0] =	ssyncadd.remote.s32 $0x1  }
0xbd: {  	_ =	sfence.sel $0xFFFF  }
0xbe: {  	[dreg:$0x0] =	wrdreg $0xFFFFFFFF;
	(pc) =	sbr.abs _section_cstart, $3  }
0xbf: {  	[dreg:$0x1] =	wrdreg $0xFFFFFFFF  }
0xc0: {  	_ =	task.clear_ibuf [dreg:s6], $0x2FFFF;
	_ =	strace $0x9FFFFFFF  }
0xc1: {  	(tm) =	ssettm $0x7FFFFFFF  }
tec
execute0_lowered:
.L_overlay_start_1:
0x0: {  	(tag) =	ssettag $0x1  }
0x1: {  	s0 =	rddreg [dreg:$0x0];
	s1 =	srdreg.scid  }
0x2: {  	s12 =	stileid.u32;
	s2 =	simm.s32 $0x0;
	s13 =	simm.s32 $0x80  }
0x3: {  	s14 =	simm.s32 $0x4400;
	s16 =	simm.s32 $0x8400;
	s18 =	simm.s32 $0xC400  }
0x4: {  	s19 =	simm.s32 $0x3;
	s20 =	simm.s32 $0x4;
	s21 =	simm.s32 $0x400  }
0x5: {  	s22 =	simm.s32 $0x2;
	s24 =	simm.s32 $0x300;
	s10 =	smul.u32 $0x140000, s12  }
0x6: {  	s1 =	sand.u32 $0x1, s1;
	s3 =	sshll.u32 s12, $0x1;
	s29 =	smul.u32 $0x2800, s12  }
0x7: {  	[smem:$0x7FF] =	sst s2;
	s4 =	sadd.s32 $0x1A600, s0;
	s25 =	smul.u32 $0xA0000, s1  }
0x8: {  	s6 =	sor.u32 s1, s3;
	s7 =	ssub.s32 $0x2, s1;
	s1 =	smul.u32 $0x1400, s1  }
0x9: {  	s12 =	simm.s32 $0x200;
	_ =	strace $0x80000047;
	s5 =	smul.u32 $0x280, s6  }
0xa: {  	s3 =	sadd.s32 $0x1600, s0;
	s8 =	smul.u32 $0x1400, s6;
	s9 =	sshrl.u32 s7, $0x1  }
0xb: {  	s0 =	sadd.s32 $0xF5CA00, s0;
	s11 =	smul.u32 $0xA0000, s6;
	s7 =	ssub.s32 s7, s9  }
0xc: {  	s28 =	sadd.s32 s25, s10;
	s25 =	simm.s32 $0x380;
	s5 =	sadd.s32 s3, s5  }
0xd: {  	s6 =	smax.u32 s7, $0x1;
	s26 =	sshrl.u32 s8, $0x3;
	s30 =	sshrl.u32 s11, $0x3  }
0xe: {  	s31 =	sor.u32 $0x10000, s28;
	s7 =	sadd.s32 s26, s3;
	s8 =	sadd.s32 s0, s30  }
0xf: {  	s11 =	sshrl.u32 s31, $0x3;
	s26 =	simm.s32 $0x0;
	s7 =	sadd.s32 $0x40, s7  }
0x10: {  	s9 =	sadd.s32 $0x12000, s8;
	s0 =	sadd.s32 s11, s0;
	s11 =	sadd.s32 s1, s29  }
.LBB2_1:
0x11: {  	[tilespmem:s2], [sflag:$0x1] =	stream.linear.gather [hbm4b:s5+s2], $0x200, $0x38;
	[tilespmem:$0x10400] =	vst v63  }
0x12: {  	s1 =	simm.s32 $0x1  }
0x13: {  	[tilespmem:s12], [sflag:$0x2] =	stream.linear.gather [hbm4b:s7+s2], $0x200, $0x38;
	[tilespmem:$0x10400] =	vst v63  }
0x14: {  	_ =	swait.ge [sflag:s1], $0x200  }
0x15: {  	[sflag:s1] =	ssyncset.done $0x0  }
0x16: {  	[sflag:s1] =	ssyncadd.s32 $0xFFFFFE00  }
0x17: {  	[tilespmem:s21], [sflag:$0x3] =	stream.indirect.gather [hbm4b:s4+s13], $0x80, s2, s13, $0xb8;
	[tilespmem:$0x10400] =	vst v63  }
0x18: {  	_ = 	snop  }
0x19: {  	[tilespmem:s14], [sflag:$0x3] =	stream.indirect.gather [hbm4b:s4+s13], $0x80, s13, s13, $0xb8;
	[tilespmem:$0x10400] =	vst v63  }
0x1a: {  	s10 =	simm.s32 $0x100  }
0x1b: {  	[tilespmem:s16], [sflag:$0x3] =	stream.indirect.gather [hbm4b:s4+s13], $0x80, s10, s13, $0xb8;
	[tilespmem:$0x10400] =	vst v63  }
0x1c: {  	s15 =	simm.s32 $0x180  }
0x1d: {  	[tilespmem:s18], [sflag:$0x3] =	stream.indirect.gather [hbm4b:s4+s13], $0x80, s15, s13, $0xb8;
	[tilespmem:$0x10400] =	vst v63  }
0x1e: {  	_ =	swait.ge [sflag:s19], $0x4000  }
0x1f: {  	[sflag:s19] =	ssyncset.done $0x0  }
0x20: {  	[sflag:s19] =	ssyncadd.s32 $0xFFFFC000  }
0x21: {  	_ =	swait.ge [sflag:s19], $0x4000  }
0x22: {  	[sflag:s19] =	ssyncset.done $0x0  }
0x23: {  	[sflag:s19] =	ssyncadd.s32 $0xFFFFC000  }
0x24: {  	_ =	swait.ge [sflag:s19], $0x4000  }
0x25: {  	[sflag:s19] =	ssyncset.done $0x0  }
0x26: {  	s17 =	sadd.s32 $0x400, s11;
	s28 =	sand.u32 $0x200, s21;
	[sflag:s19] =	ssyncadd.s32 $0xFFFFC000  }
0x27: {  	s1 =	sand.u32 $0x1, s1;
	s10 =	sand.u32 $0x7FC00, s17;
	_ =	swait.ge [sflag:s19], $0x4000  }
0x28: {  	s29 =	sadd.s32 $0x1, s1;
	s10 =	sor.u32 s28, s10;
	[sflag:s19] =	ssyncset.done $0x0  }
0x29: {  	s28 =	sxor.u32 $0x1, s1;
	s10 =	sshrl.u32 s10, $0x3;
	[sflag:s19] =	ssyncadd.s32 $0xFFFFC000  }
0x2a: {  	[hbm4b:s8+s2] =	stream.linear.scatter [tilespmem:s21], [sflag:$0x4], $0x10000, $0x38;
	[tilespmem:$0x10400] =	vst v63  }
0x2b: {  	s30 =	sshll.u32 s28, $0x9;
	s28 =	sadd.s32 $0x1, s28;
	s10 =	sadd.s32 s3, s10  }
0x2c: {  	[tilespmem:s30], [sflag:s28] =	stream.linear.gather [hbm4b:s10+s2], $0x200, $0x38;
	[tilespmem:$0x10400] =	vst v63  }
0x2d: {  	_ =	swait.ge [sflag:s29], $0x200  }
0x2e: {  	[sflag:s29] =	ssyncset.done $0x0  }
0x2f: {  	[sflag:s29] =	ssyncadd.s32 $0xFFFFFE00  }
0x30: {  	_ =	swait.ge [sflag:s20], $0x10000  }
0x31: {  	[sflag:s20] =	ssyncset.done $0x0  }
0x32: {  	s1 =	sshll.u32 s1, $0x9;
	[sflag:s20] =	ssyncadd.s32 $0xFFFF0000  }
0x33: {  	[tilespmem:s21], [sflag:$0x3] =	stream.indirect.gather [hbm4b:s4+s13], $0x80, s1, s13, $0xb8;
	[tilespmem:$0x10400] =	vst v63  }
0x34: {  	s23 =	sor.u32 $0x80, s1  }
0x35: {  	[tilespmem:s14], [sflag:$0x3] =	stream.indirect.gather [hbm4b:s4+s13], $0x80, s23, s13, $0xb8;
	[tilespmem:$0x10400] =	vst v63  }
0x36: {  	s15 =	sor.u32 $0x100, s1  }
0x37: {  	[tilespmem:s16], [sflag:$0x3] =	stream.indirect.gather [hbm4b:s4+s13], $0x80, s15, s13, $0xb8;
	[tilespmem:$0x10400] =	vst v63  }
0x38: {  	s1 =	sor.u32 $0x180, s1  }
0x39: {  	[tilespmem:s18], [sflag:$0x3] =	stream.indirect.gather [hbm4b:s4+s13], $0x80, s1, s13, $0xb8;
	[tilespmem:$0x10400] =	vst v63  }
0x3a: {  	_ =	swait.ge [sflag:s19], $0x4000  }
0x3b: {  	[sflag:s19] =	ssyncset.done $0x0  }
0x3c: {  	[sflag:s19] =	ssyncadd.s32 $0xFFFFC000  }
0x3d: {  	_ =	swait.ge [sflag:s19], $0x4000  }
0x3e: {  	[sflag:s19] =	ssyncset.done $0x0  }
0x3f: {  	s31 =	simm.s32 $0x600;
	[sflag:s19] =	ssyncadd.s32 $0xFFFFC000  }
0x40: {  	s17 =	sadd.s32 $0x600, s11;
	s30 =	simm.s32 $0x2;
	_ =	swait.ge [sflag:s19], $0x4000  }
0x41: {  	s28 =	sadd.s32 $0x2000, s0;
	s10 =	smov.u32 s0;
	[sflag:s19] =	ssyncset.done $0x0  }
0x42: {  	s23 =	sand.u32 $0x200, s31;
	s1 =	sand.u32 $0x7FC00, s17;
	[sflag:s19] =	ssyncadd.s32 $0xFFFFC000  }
0x43: {  	s29 =	simm.s32 $0x3;
	s1 =	sor.u32 s23, s1;
	_ =	swait.ge [sflag:s19], $0x4000  }
.LBB2_2:
0x44: {  	s15 =	sand.u32 $0x1, s30  }
0x45: {  	s1 =	sshrl.u32 s1, $0x3;
	[sflag:s19] =	ssyncset.done $0x0;
	s30 =	smov.u32 s29  }
0x46: {  	s17 =	sxor.u32 $0x1, s15;
	s23 =	sadd.s32 $0x1, s15;
	[sflag:s19] =	ssyncadd.s32 $0xFFFFC000  }
0x47: {  	[hbm4b:s10+s2] =	stream.linear.scatter [tilespmem:s21], [sflag:$0x4], $0x10000, $0x38;
	[tilespmem:$0x10400] =	vst v63  }
0x48: {  	s1 =	sadd.s32 s3, s1;
	s10 =	sshll.u32 s17, $0x9;
	s17 =	sadd.s32 $0x1, s17  }
0x49: {  	[tilespmem:s10], [sflag:s17] =	stream.linear.gather [hbm4b:s1+s2], $0x200, $0x38;
	[tilespmem:$0x10400] =	vst v63  }
0x4a: {  	p0 =	sne.s32 s29, $0x8;
	s29 =	sadd.s32 $0x1, s29;
	_ =	swait.ge [sflag:s23], $0x200  }
0x4b: {  	s10 =	smov.u32 s28;
	[sflag:s23] =	ssyncset.done $0x0  }
0x4c: {  	[sflag:s23] =	ssyncadd.s32 $0xFFFFFE00  }
0x4d: {  	_ =	swait.ge [sflag:s20], $0x10000  }
0x4e: {  	[sflag:s20] =	ssyncset.done $0x0  }
0x4f: {  	s1 =	sshll.u32 s15, $0x9;
	[sflag:s20] =	ssyncadd.s32 $0xFFFF0000  }
0x50: {  	[tilespmem:s21], [sflag:$0x3] =	stream.indirect.gather [hbm4b:s4+s13], $0x80, s1, s13, $0xb8;
	[tilespmem:$0x10400] =	vst v63  }
0x51: {  	s15 =	sor.u32 $0x80, s1  }
0x52: {  	[tilespmem:s14], [sflag:$0x3] =	stream.indirect.gather [hbm4b:s4+s13], $0x80, s15, s13, $0xb8;
	[tilespmem:$0x10400] =	vst v63  }
0x53: {  	s15 =	sor.u32 $0x100, s1  }
0x54: {  	[tilespmem:s16], [sflag:$0x3] =	stream.indirect.gather [hbm4b:s4+s13], $0x80, s15, s13, $0xb8;
	[tilespmem:$0x10400] =	vst v63  }
0x55: {  	s1 =	sor.u32 $0x180, s1  }
0x56: {  	[tilespmem:s18], [sflag:$0x3] =	stream.indirect.gather [hbm4b:s4+s13], $0x80, s1, s13, $0xb8;
	[tilespmem:$0x10400] =	vst v63  }
0x57: {  	_ =	swait.ge [sflag:s19], $0x4000  }
0x58: {  	[sflag:s19] =	ssyncset.done $0x0  }
0x59: {  	[sflag:s19] =	ssyncadd.s32 $0xFFFFC000  }
0x5a: {  	_ =	swait.ge [sflag:s19], $0x4000  }
0x5b: {  	[sflag:s19] =	ssyncset.done $0x0  }
.Ltmp0:
0x5c: {  	[sflag:s19] =	ssyncadd.s32 $0xFFFFC000;
	(pc) =	sbr.rel @p0 .LBB2_2-.Ltmp0, $4  }
0x5d: {  	s31 =	sadd.s32 $0x200, s31;
	_ =	swait.ge [sflag:s19], $0x4000  }
0x5e: {  	s1 =	sadd.s32 s31, s11;
	[sflag:s19] =	ssyncset.done $0x0  }
0x5f: {  	s15 =	sand.u32 $0x200, s31;
	s1 =	sand.u32 $0x7FC00, s1;
	[sflag:s19] =	ssyncadd.s32 $0xFFFFC000  }
0x60: {  	s28 =	sadd.s32 $0x2000, s28;
	s1 =	sor.u32 s15, s1;
	_ =	swait.ge [sflag:s19], $0x4000  }
0x61: {  	s15 =	sand.u32 $0x1, s30;
	s1 =	sshrl.u32 s1, $0x3;
	[sflag:s19] =	ssyncset.done $0x0  }
0x62: {  	s17 =	sxor.u32 $0x1, s15;
	s23 =	sadd.s32 $0x1, s15;
	[sflag:s19] =	ssyncadd.s32 $0xFFFFC000  }
0x63: {  	[hbm4b:s10+s2] =	stream.linear.scatter [tilespmem:s21], [sflag:$0x4], $0x10000, $0x38;
	[tilespmem:$0x10400] =	vst v63  }
0x64: {  	s1 =	sadd.s32 s3, s1;
	s31 =	sshll.u32 s17, $0x9;
	s17 =	sadd.s32 $0x1, s17  }
0x65: {  	[tilespmem:s31], [sflag:s17] =	stream.linear.gather [hbm4b:s1+s2], $0x200, $0x38;
	[tilespmem:$0x10400] =	vst v63  }
0x66: {  	_ =	swait.ge [sflag:s23], $0x200  }
0x67: {  	[sflag:s23] =	ssyncset.done $0x0  }
0x68: {  	[sflag:s23] =	ssyncadd.s32 $0xFFFFFE00  }
0x69: {  	_ =	swait.ge [sflag:s20], $0x10000  }
0x6a: {  	[sflag:s20] =	ssyncset.done $0x0  }
0x6b: {  	s23 =	sshll.u32 s15, $0x9;
	[sflag:s20] =	ssyncadd.s32 $0xFFFF0000  }
0x6c: {  	[tilespmem:s21], [sflag:$0x3] =	stream.indirect.gather [hbm4b:s4+s13], $0x80, s23, s13, $0xb8;
	[tilespmem:$0x10400] =	vst v63  }
0x6d: {  	s29 =	sor.u32 $0x80, s23  }
0x6e: {  	[tilespmem:s14], [sflag:$0x3] =	stream.indirect.gather [hbm4b:s4+s13], $0x80, s29, s13, $0xb8;
	[tilespmem:$0x10400] =	vst v63  }
0x6f: {  	s30 =	sor.u32 $0x100, s23  }
0x70: {  	[tilespmem:s16], [sflag:$0x3] =	stream.indirect.gather [hbm4b:s4+s13], $0x80, s30, s13, $0xb8;
	[tilespmem:$0x10400] =	vst v63  }
0x71: {  	s1 =	sor.u32 $0x180, s23  }
0x72: {  	[tilespmem:s18], [sflag:$0x3] =	stream.indirect.gather [hbm4b:s4+s13], $0x80, s1, s13, $0xb8;
	[tilespmem:$0x10400] =	vst v63  }
0x73: {  	_ =	swait.ge [sflag:s19], $0x4000  }
0x74: {  	[sflag:s19] =	ssyncset.done $0x0  }
0x75: {  	[sflag:s19] =	ssyncadd.s32 $0xFFFFC000  }
0x76: {  	_ =	swait.ge [sflag:s19], $0x4000  }
0x77: {  	[sflag:s19] =	ssyncset.done $0x0  }
0x78: {  	[sflag:s19] =	ssyncadd.s32 $0xFFFFC000  }
0x79: {  	_ =	swait.ge [sflag:s19], $0x4000  }
0x7a: {  	[sflag:s19] =	ssyncset.done $0x0  }
0x7b: {  	[sflag:s19] =	ssyncadd.s32 $0xFFFFC000  }
0x7c: {  	_ =	swait.ge [sflag:s19], $0x4000  }
0x7d: {  	[sflag:s19] =	ssyncset.done $0x0  }
0x7e: {  	[sflag:s19] =	ssyncadd.s32 $0xFFFFC000  }
0x7f: {  	[hbm4b:s28+s2] =	stream.linear.scatter [tilespmem:s21], [sflag:$0x4], $0x10000, $0x38;
	[tilespmem:$0x10400] =	vst v63  }
0x80: {  	_ =	swait.ge [sflag:s22], $0x200  }
0x81: {  	[sflag:s22] =	ssyncset.done $0x0  }
0x82: {  	[sflag:s22] =	ssyncadd.s32 $0xFFFFFE00  }
0x83: {  	_ =	swait.ge [sflag:s20], $0x10000  }
0x84: {  	[sflag:s20] =	ssyncset.done $0x0  }
0x85: {  	[sflag:s20] =	ssyncadd.s32 $0xFFFF0000  }
0x86: {  	[tilespmem:s21], [sflag:$0x3] =	stream.indirect.gather [hbm4b:s4+s13], $0x80, s12, s13, $0xb8;
	[tilespmem:$0x10400] =	vst v63  }
0x87: {  	s31 =	simm.s32 $0x280  }
0x88: {  	[tilespmem:s14], [sflag:$0x3] =	stream.indirect.gather [hbm4b:s4+s13], $0x80, s31, s13, $0xb8;
	[tilespmem:$0x10400] =	vst v63  }
0x89: {  	_ = 	snop  }
0x8a: {  	[tilespmem:s16], [sflag:$0x3] =	stream.indirect.gather [hbm4b:s4+s13], $0x80, s24, s13, $0xb8;
	[tilespmem:$0x10400] =	vst v63  }
0x8b: {  	_ = 	snop  }
0x8c: {  	[tilespmem:s18], [sflag:$0x3] =	stream.indirect.gather [hbm4b:s4+s13], $0x80, s25, s13, $0xb8;
	[tilespmem:$0x10400] =	vst v63  }
0x8d: {  	_ =	swait.ge [sflag:s19], $0x4000  }
0x8e: {  	[sflag:s19] =	ssyncset.done $0x0  }
0x8f: {  	[sflag:s19] =	ssyncadd.s32 $0xFFFFC000  }
0x90: {  	_ =	swait.ge [sflag:s19], $0x4000  }
0x91: {  	[sflag:s19] =	ssyncset.done $0x0  }
0x92: {  	[sflag:s19] =	ssyncadd.s32 $0xFFFFC000  }
0x93: {  	_ =	swait.ge [sflag:s19], $0x4000  }
0x94: {  	[sflag:s19] =	ssyncset.done $0x0  }
0x95: {  	[sflag:s19] =	ssyncadd.s32 $0xFFFFC000  }
0x96: {  	s26 =	sadd.s32 $0x1, s26;
	_ =	swait.ge [sflag:s19], $0x4000  }
0x97: {  	p0 =	sne.s32 s26, s6;
	[sflag:s19] =	ssyncset.done $0x0  }
.Ltmp1:
0x98: {  	[sflag:s19] =	ssyncadd.s32 $0xFFFFC000;
	(pc) =	sbr.rel @p0 .LBB2_1-.Ltmp1, $4  }
0x99: {  	[hbm4b:s9+s2] =	stream.linear.scatter [tilespmem:s21], [sflag:$0x4], $0x10000, $0x38;
	[tilespmem:$0x10400] =	vst v63  }
0x9a: {  	_ =	swait.ge [sflag:s20], $0x10000  }
0x9b: {  	[sflag:s20] =	ssyncset.done $0x0  }
0x9c: {  	[sflag:s20] =	ssyncadd.s32 $0xFFFF0000  }
0x9d: {  	_ =	sfence.sel $0x180000  }
0x9e: {  	[bflag:$0x0] =	sbarrier.arrive $0xFFFF  }
0x9f: {  	_ =	strace $0x90000047  }
0xa0: {  	s0 =	stileid.u32;
	[bflag:$0x2] =	sbarrier.arrive $0xFFFF  }
0xa1: {  	p0 =	sne.s32 s0, $0x0;
	s0 =	rddreg [dreg:$0x1]  }
0xa2: {  	s0 =	sadd.s32 @!p0 $0x100000, s0  }
0xa3: {  	[sflag:s0] =	ssyncadd.tile.s32 @!p0 $0x1;
	_ =	shalt  }
.Lfunc_end2:
_tile_overlayer_lowered:
.L_overlay_start_2:
0xa4: {  	(tag) =	ssettag $0x2  }
0xa5: {  	s0 =	rddreg [dreg:$0x0];
	s2 =	stileid.u32  }
0xa6: {  	s1 =	rddreg [dreg:$0x1];
	p0 =	sne.s32 s2, $0x0  }
0xa7: {  	s3 =	rddreg [dreg:$0x2];
	[bflag:$0x3] =	sbarrier.arrive $0xFFFF;
	s2 =	simm.s32 @!p0 $0x1C05  }
0xa8: {  	[timem:s3], [sflag:s2] =	dma.local @!p0 [hbm:s0], s1  }
0xa9: {  	s0 =	simm.s32 @!p0 $0x5  }
0xaa: {  	_ =	swait.ge @!p0 [sflag:s0], s1  }
0xab: {  	s1 =	ssub.s32 @!p0 $0x0, s1;
	[sflag:s0] =	ssyncset.done @!p0 $0x0  }
0xac: {  	[sflag:s0] =	ssyncadd.s32 @!p0 s1  }
0xad: {  	[bflag:$0x3] =	sbarrier.arrive $0xFFFF  }
0xae: {  	_ =	shalt  }

// kernel: kernel.16.cloned.1.call-start
scs
__scs_entry_jumppad:
0x0: {  	(pc) =	sbr.rel $0x88, $3  }
0x1: {  	(tag) =	ssettag $0x0;
	lr =	simm.s32 $0x1  }
0x2: {  	[smem:$0x3F9D] =	sst lr;
	_ =	strace $0xD0000000  }
0x3: {  	_ = 	snop  }
0x4: {  	_ = 	snop  }
0x5: {  	_ = 	snop  }
0x6: {  	_ = 	snop  }
0x7: {  	_ = 	snop  }
__scs_overlays_trampoline_lowered:
0x8: {  	[smem:$0x3FAC] =	sst s0  }
0x9: {  	[smem:$0x3FAD] =	sst s1  }
0xa: {  	[smem:$0x3FAE] =	sst s2  }
0xb: {  	[smem:$0x3FAF] =	sst s3  }
0xc: {  	[smem:$0x3FB0] =	sst s4  }
0xd: {  	[smem:$0x3FB1] =	sst s5  }
0xe: {  	[smem:$0x3FB2] =	sst s6  }
0xf: {  	[smem:$0x3FB3] =	sst s7  }
0x10: {  	[smem:$0x3FB4] =	sst s8  }
0x11: {  	[smem:$0x3FB5] =	sst s9;
	s0 =	simm.s32 @!p0 $0x0  }
0x12: {  	s1 =	sld [smem:$0x3F9B];
	s0 =	simm.s32 @p0 $0x1  }
0x13: {  	[smem:$0x3FB6] =	sst s0;
	s0 =	simm.s32 @!p1 $0x0  }
0x14: {  	s2 =	sld [smem:$0x3F9A];
	s0 =	simm.s32 @p1 $0x1  }
0x15: {  	[smem:$0x3FB7] =	sst s0;
	s0 =	simm.s32 @!p2 $0x0  }
0x16: {  	s3 =	sld [smem:$0x3FDB];
	s0 =	simm.s32 @p2 $0x1  }
0x17: {  	s4 =	simm.s32 $0x1BF5;
	[smem:$0x3FB9] =	sst s0  }
0x18: {  	s0 =	sld [smem:$0x3F9C];
	_ =	swait.ge [sflag:s4], $0x0  }
0x19: {  	s7 =	sld [smem:$0x3F9D]  }
0x1a: {  	s8 =	sadd.s32 $0xFFFFE003, lr  }
0x1b: {  	s9 =	sadd.s32 $0xFFFFFEF7, lr;
	s5 =	simm.s32 $0xFFFFFFFF;
	p2 =	slt.u32 s8, $0xFFFFF086  }
0x1c: {  	p1 =	slt.u32 s9, $0xF7A;
	s5 =	simm.s32 @!p2 $0x0  }
0x1d: {  	s5 =	simm.s32 @p1 $0x1;
	p0 =	seq.s32 s7, s2  }
0x1e: {  	s7 =	smul.u32 @!p0 $0xF7A, s2;
	p2 =	seq.s32 @!p0 s5, $0x0  }
0x1f: {  	s9 =	smul.u32 $0xF7A, s1;
	s8 =	simm.s32 @!p0 $0x1BF5;
	p2 =	por !p2, p0  }
0x20: {  	[sflag:s8] =	ssyncset.s32 @!p0 $0xFFFFF086;
	s6 =	sadd.s32 @!p0 s3, s7;
	s7 =	simm.s32 @!p0 $0x108  }
0x21: {  	s3 =	sadd.s32 s3, s9;
	s6 =	sadd.s32 @!p0 $0x88, s6;
	s7 =	simm.s32 @p2 $0x1082  }
0x22: {  	[simem:s7], [sflag:s8] =	dma.local @!p0 [hbm:s6], $0xF7A  }
0x23: {  	s9 =	sor.u32 $0xD0000000, s2;
	s6 =	simm.s32 $0x108;
	_ =	swait.ge @!p0 [sflag:s8], $0x0  }
0x24: {  	s3 =	sadd.s32 $0x88, s3;
	s6 =	simm.s32 @!p1 $0x1082;
	[sflag:s4] =	ssyncset.s32 $0xFFFFF086  }
0x25: {  	[simem:s6], [sflag:s4] =	dma.local [hbm:s3], $0xF7A  }
0x26: {  	[smem:$0x3F9D] =	sst s1;
	(tag) =	ssettag s2;
	_ =	strace s9  }
0x27: {  	s1 =	sld [smem:$0x3FAD]  }
0x28: {  	s2 =	sld [smem:$0x3FAE]  }
0x29: {  	s4 =	sld [smem:$0x3FB0]  }
0x2a: {  	p0 =	seq.s32 s5, $0x0;
	s5 =	sld [smem:$0x3FB1]  }
0x2b: {  	s6 =	sld [smem:$0x3FB2]  }
0x2c: {  	s7 =	sld [smem:$0x3FB3]  }
0x2d: {  	s3 =	simm.s32 $0x108;
	s8 =	sld [smem:$0x3FB4]  }
0x2e: {  	s3 =	simm.s32 @!p0 $0x1082;
	s9 =	sld [smem:$0x3FB5]  }
0x2f: {  	lr =	sadd.s32 s0, s3;
	s0 =	sld [smem:$0x3FAC]  }
0x30: {  	s3 =	sld [smem:$0x3FAF]  }
0x31: {  	[smem:$0x3FB8] =	sst s10  }
0x32: {  	s10 =	sld [smem:$0x3FB6];
	_ =	sdelay $0x3  }
0x33: {  	p0 =	seq.s32 s10, $0x1;
	s10 =	sld [smem:$0x3FB8];
	_ =	sdelay $0x3  }
0x34: {  	[smem:$0x3FB8] =	sst s10  }
0x35: {  	s10 =	sld [smem:$0x3FB7];
	_ =	sdelay $0x3  }
0x36: {  	p1 =	seq.s32 s10, $0x1;
	s10 =	sld [smem:$0x3FB8];
	_ =	sdelay $0x3  }
0x37: {  	[smem:$0x3FB8] =	sst s10  }
0x38: {  	s10 =	sld [smem:$0x3FB9]  }
0x39: {  	_ = 	snop;
	(pc) =	sbr.ind lr, $3  }
0x3a: {  	_ = 	snop  }
0x3b: {  	_ = 	snop  }
0x3c: {  	p2 =	seq.s32 s10, $0x1;
	s10 =	sld [smem:$0x3FB8]  }
0x3d: {  	_ =	shalt  }
0x3e: {  	_ =	shalt  }
0x3f: {  	_ =	shalt  }
0x40: {  	_ =	shalt  }
0x41: {  	_ =	shalt  }
0x42: {  	_ =	shalt  }
0x43: {  	_ =	shalt  }
0x44: {  	_ =	shalt  }
0x45: {  	_ =	shalt  }
0x46: {  	_ =	shalt  }
0x47: {  	_ =	shalt  }
0x48: {  	_ =	shalt  }
0x49: {  	_ =	shalt  }
0x4a: {  	_ =	shalt  }
0x4b: {  	_ =	shalt  }
0x4c: {  	_ =	shalt  }
0x4d: {  	_ =	shalt  }
0x4e: {  	_ =	shalt  }
0x4f: {  	_ =	shalt  }
0x50: {  	_ =	shalt  }
0x51: {  	_ =	shalt  }
0x52: {  	_ =	shalt  }
0x53: {  	_ =	shalt  }
0x54: {  	_ =	shalt  }
0x55: {  	_ =	shalt  }
0x56: {  	_ =	shalt  }
0x57: {  	_ =	shalt  }
0x58: {  	_ =	shalt  }
0x59: {  	_ =	shalt  }
0x5a: {  	_ =	shalt  }
0x5b: {  	_ =	shalt  }
0x5c: {  	_ =	shalt  }
0x5d: {  	_ =	shalt  }
0x5e: {  	_ =	shalt  }
0x5f: {  	_ =	shalt  }
0x60: {  	_ =	shalt  }
0x61: {  	_ =	shalt  }
0x62: {  	_ =	shalt  }
0x63: {  	_ =	shalt  }
0x64: {  	_ =	shalt  }
0x65: {  	_ =	shalt  }
0x66: {  	_ =	shalt  }
0x67: {  	_ =	shalt  }
0x68: {  	_ =	shalt  }
0x69: {  	_ =	shalt  }
0x6a: {  	_ =	shalt  }
0x6b: {  	_ =	shalt  }
0x6c: {  	_ =	shalt  }
0x6d: {  	_ =	shalt  }
0x6e: {  	_ =	shalt  }
0x6f: {  	_ =	shalt  }
0x70: {  	_ =	shalt  }
0x71: {  	_ =	shalt  }
0x72: {  	_ =	shalt  }
0x73: {  	_ =	shalt  }
0x74: {  	_ =	shalt  }
0x75: {  	_ =	shalt  }
0x76: {  	_ =	shalt  }
0x77: {  	_ =	shalt  }
0x78: {  	_ =	shalt  }
0x79: {  	_ =	shalt  }
0x7a: {  	_ =	shalt  }
0x7b: {  	_ =	shalt  }
0x7c: {  	_ =	shalt  }
0x7d: {  	_ =	shalt  }
0x7e: {  	_ =	shalt  }
0x7f: {  	_ =	shalt  }
0x80: {  	_ =	shalt  }
0x81: {  	_ =	shalt  }
0x82: {  	_ =	shalt  }
0x83: {  	_ =	shalt  }
0x84: {  	_ =	shalt  }
0x85: {  	_ =	shalt  }
0x86: {  	_ =	shalt  }
0x87: {  	_ =	shalt  }
.Lfunc_end0:
.L_simem_size_0:
called_computation.1_lowered:
.L_overlay_start_0:
0x88: {  	s2 =	sld [smem:$0x3FD9]  }
0x89: {  	s3 =	sld [smem:$0x3FFE];
	_ =	sdelay $0x1  }
0x8a: {  	s1 =	srdreg.scid  }
0x8b: {  	s0 =	sand.u32 $0x1, s1  }
0x8c: {  	s17 =	sshll.u32 s0, $0xA;
	s2 =	sadd.s32 s3, s2  }
0x8d: {  	s2 =	sadd.s32 s2, s17  }
0x8e: {  	[smem:$0x3FC4] =	sst s2  }
0x8f: {  	_ = 	snop  }
0x90: {  	(tm) =	ssettm $0x1  }
0x91: {  	s18 =	sld [smem:$0x3FFB];
	_ =	sdelay $0x3  }
0x92: {  	_ =	strace s18  }
0x93: {  	s2 =	sld [smem:$0x3FFC];
	_ =	sdelay $0x3  }
0x94: {  	_ =	strace s2  }
0x95: {  	s2 =	sld [smem:$0x3FFD];
	_ =	sdelay $0x3  }
0x96: {  	_ =	strace s2  }
0x97: {  	_ =	strace $0x8FFFFFFF  }
0x98: {  	s19 =	sld [smem:$0x3FDB];
	_ =	sdelay $0x1  }
0x99: {  	s20 =	simm.s32 $_scs_section_size  }
0x9a: {  	s4 =	simm.s32 $_size__tile_overlayer_lowered;
	s5 =	simm.s32 $_tile_overlayer_lowered  }
0x9b: {  	s6 =	simm.s32 $0x1BFF;
	s21 =	sshll.u32 s5, $0x1;
	s3 =	sadd.s32 s20, s19  }
0x9c: {  	s22 =	simm.s32 $0x0;
	s4 =	sshll.u32 s4, $0x1;
	s5 =	sadd.s32 s21, s3  }
0x9d: {  	[timem:s22], [sflag:s6] =	dma.local [hbm:s5], s4  }
0x9e: {  	_ =	swait.ge [sflag:s6], s4  }
0x9f: {  	s4 =	ssub.s32 $0x0, s4;
	[sflag:s6] =	ssyncset.done $0x0  }
0xa0: {  	[sflag:s6] =	ssyncadd.s32 s4;
	_ =	sdelay $0x1  }
0xa1: {  	s23 =	simm.s32 $0x1B8B  }
0xa2: {  	_ =	swait.ge [sflag:s23], $0x1  }
0xa3: {  	[sflag:s23] =	ssyncset.done $0x0  }
0xa4: {  	[sflag:s23] =	ssyncadd.s32 $0xFFFFFFFF  }
0xa5: {  	s4 =	sld [smem:$0x0]  }
0xa6: {  	s5 =	sand.u32 $0xFFFFFFFE, s1  }
0xa7: {  	p0 =	sne.s32 s1, s5  }
0xa8: {  	s5 =	sshll.u32 @p0 s5, $0xE  }
0xa9: {  	s5 =	sadd.s32 @p0 $0x11B8D, s5;
	s6 =	sshll.u32 @p0 s4, $0x11  }
0xaa: {  	s5 =	sor.u32 @p0 s6, s5  }
0xab: {  	[sflag:s5] =	ssyncadd.remote.s32 @p0 $0x1;
	_ =	sdelay $0x1  }
0xac: {  	s5 =	simm.s32 @p0 $0x1B8D  }
0xad: {  	_ =	swait.eq @p0 [sflag:s5], $0x1  }
0xae: {  	[sflag:s5] =	ssyncadd.s32 @p0 $0xFFFFFFFF  }
0xaf: {  	s6 =	sshll.u32 @!p0 s1, $0xE  }
0xb0: {  	s6 =	sor.u32 @!p0 $0x4000, s6;
	s5 =	simm.s32 @!p0 $0x1B8D  }
0xb1: {  	s4 =	sshll.u32 @!p0 s4, $0x11;
	s6 =	sadd.s32 @!p0 $0x11B8D, s6;
	_ =	swait.eq @!p0 [sflag:s5], $0x1  }
0xb2: {  	s4 =	sor.u32 @!p0 s4, s6;
	[sflag:s5] =	ssyncadd.s32 @!p0 $0xFFFFFFFF  }
0xb3: {  	s25 =	simm.s32 $0x1B8E;
	s24 =	sld [smem:$0x3FFE];
	[sflag:s4] =	ssyncadd.remote.s32 @!p0 $0x1  }
0xb4: {  	s26 =	simm.s32 $execute0_lowered;
	[smem:$0x3FD2] =	sst s25  }
0xb5: {  	s5 =	sshll.u32 s26, $0x1;
	_ =	strace $0x80000049;
	[dreg:$0x1] =	wrdreg $0xFFFFFFFF  }
0xb6: {  	s28 =	simm.s32 $_size_execute0_lowered;
	s3 =	sadd.s32 s3, s5;
	[dreg:$0x0] =	wrdreg $0x0  }
0xb7: {  	s5 =	sshll.u32 s28, $0x1;
	[dreg:$0x2] =	wrdreg s3  }
0xb8: {  	[dreg:$0x3] =	wrdreg s5  }
0xb9: {  	[dreg:$0x4] =	wrdreg $0xC0  }
0xba: {  	_ =	task [dreg:s22], $0x5FFFF  }
0xbb: {  	[dreg:$0x1] =	wrdreg $0xFFFFFFFF  }
0xbc: {  	[dreg:$0x0] =	wrdreg $0x60  }
0xbd: {  	[dreg:$0x2] =	wrdreg s24  }
0xbe: {  	[dreg:$0x3] =	wrdreg $0xA  }
0xbf: {  	_ =	task.clear_ibuf [dreg:s22], $0x4FFFF;
	_ =	strace $0x90000049  }
0xc0: {  	s29 =	simm.s32 $0xA;
	_ =	strace $0x8000004B  }
0xc1: {  	_ =	swait.ge [sflag:s29], $0x1  }
0xc2: {  	[sflag:s29] =	ssyncadd.s32 $0xFFFFFFFF  }
0xc3: {  	_ =	strace $0x9000004B  }
0xc4: {  	_ =	sfence  }
0xc5: {  	s30 =	sld [smem:$0x0];
	_ =	sdelay $0x2  }
0xc6: {  	s31 =	sshll.u32 s1, $0xD;
	s1 =	sshrl.u32 s1, $0x2  }
0xc7: {  	s4 =	sand.u32 $0x4000, s31;
	s1 =	sadd.s32 s1, s30  }
0xc8: {  	s0 =	sor.u32 s4, s0;
	s1 =	sshll.u32 s1, $0x11  }
0xc9: {  	s0 =	sor.u32 s1, s0  }
0xca: {  	s0 =	sadd.s32 $0x8F2B, s0  }
0xcb: {  	[sflag:s0] =	ssyncadd.remote.s32 $0x1  }
0xcc: {  	_ =	sfence.sel $0xFFFF  }
0xcd: {  	[dreg:$0x0] =	wrdreg $0xFFFFFFFF;
	(pc) =	sbr.abs _section_cstart, $3  }
0xce: {  	[dreg:$0x1] =	wrdreg $0xFFFFFFFF  }
0xcf: {  	_ =	task.clear_ibuf [dreg:s22], $0x2FFFF;
	_ =	strace $0x9FFFFFFF  }
0xd0: {  	(tm) =	ssettm $0x7FFFFFFF  }
0xd1: {  	_ =	shalt  }
tec
execute0_lowered:
.L_overlay_start_1:
0x0: {  	(tag) =	ssettag $0x1  }
0x1: {  	s0 =	rddreg [dreg:$0x0]  }
0x2: {  	s1 =	srdreg.scid;
	s12 =	stileid.u32  }
0x3: {  	s2 =	simm.s32 $0x0;
	s13 =	simm.s32 $0x80;
	s14 =	simm.s32 $0x400  }
0x4: {  	s15 =	simm.s32 $0x4400;
	s17 =	simm.s32 $0x8400;
	s19 =	simm.s32 $0xC400  }
0x5: {  	s20 =	simm.s32 $0x3;
	s21 =	simm.s32 $0x4;
	s22 =	simm.s32 $0x2  }
0x6: {  	s25 =	simm.s32 $0x380;
	s26 =	simm.s32 $0x0;
	s1 =	sand.u32 $0x1, s1  }
0x7: {  	s3 =	sshll.u32 s12, $0x1;
	[smem:$0x7FF] =	sst s2;
	s7 =	smul.u32 $0x140000, s12  }
0x8: {  	s4 =	sadd.s32 $0x1A600, s0;
	s30 =	smul.u32 $0x500, s12;
	s12 =	simm.s32 $0x200  }
0x9: {  	s5 =	sor.u32 s1, s3;
	_ =	strace $0x8000004A;
	s11 =	smul.u32 $0xA0000, s1  }
0xa: {  	s3 =	sadd.s32 $0x1600, s0;
	s28 =	ssub.s32 $0x2, s1;
	s1 =	smul.u32 $0x280, s1  }
0xb: {  	s0 =	sadd.s32 $0x11DCA00, s0;
	s6 =	smul.u32 $0x280, s5;
	s9 =	sshrl.u32 s28, $0x1  }
0xc: {  	s8 =	smul.u32 $0xA0000, s5;
	s29 =	ssub.s32 s28, s9;
	s11 =	sadd.s32 s11, s7  }
0xd: {  	s1 =	sadd.s32 s1, s30;
	s10 =	sadd.s32 s6, s3;
	s6 =	smax.u32 s29, $0x1  }
0xe: {  	s8 =	sshrl.u32 s8, $0x3;
	s31 =	sor.u32 $0x10000, s11;
	s5 =	sadd.s32 $0x5000, s10  }
0xf: {  	s7 =	sadd.s32 $0x5040, s10;
	s8 =	sadd.s32 s0, s8;
	s10 =	sshrl.u32 s31, $0x3  }
0x10: {  	s11 =	sadd.s32 $0x5080, s1;
	s9 =	sadd.s32 $0x12000, s8;
	s10 =	sadd.s32 s10, s0  }
.LBB2_1:
0x11: {  	[tilespmem:s2], [sflag:$0x1] =	stream.linear.gather [hbm4b:s5+s2], $0x200, $0x38;
	[tilespmem:$0x10400] =	vst v63  }
0x12: {  	s0 =	simm.s32 $0x1  }
0x13: {  	[tilespmem:s12], [sflag:$0x2] =	stream.linear.gather [hbm4b:s7+s2], $0x200, $0x38;
	[tilespmem:$0x10400] =	vst v63  }
0x14: {  	_ =	swait.ge [sflag:s0], $0x200  }
0x15: {  	[sflag:s0] =	ssyncset.done $0x0  }
0x16: {  	[sflag:s0] =	ssyncadd.s32 $0xFFFFFE00  }
0x17: {  	[tilespmem:s14], [sflag:$0x3] =	stream.indirect.gather [hbm4b:s4+s13], $0x80, s2, s13, $0xb8;
	[tilespmem:$0x10400] =	vst v63  }
0x18: {  	_ = 	snop  }
0x19: {  	[tilespmem:s15], [sflag:$0x3] =	stream.indirect.gather [hbm4b:s4+s13], $0x80, s13, s13, $0xb8;
	[tilespmem:$0x10400] =	vst v63  }
0x1a: {  	s1 =	simm.s32 $0x100  }
0x1b: {  	[tilespmem:s17], [sflag:$0x3] =	stream.indirect.gather [hbm4b:s4+s13], $0x80, s1, s13, $0xb8;
	[tilespmem:$0x10400] =	vst v63  }
0x1c: {  	s24 =	simm.s32 $0x180  }
0x1d: {  	[tilespmem:s19], [sflag:$0x3] =	stream.indirect.gather [hbm4b:s4+s13], $0x80, s24, s13, $0xb8;
	[tilespmem:$0x10400] =	vst v63  }
0x1e: {  	_ =	swait.ge [sflag:s20], $0x4000  }
0x1f: {  	[sflag:s20] =	ssyncset.done $0x0  }
0x20: {  	[sflag:s20] =	ssyncadd.s32 $0xFFFFC000  }
0x21: {  	_ =	swait.ge [sflag:s20], $0x4000  }
0x22: {  	[sflag:s20] =	ssyncset.done $0x0  }
0x23: {  	[sflag:s20] =	ssyncadd.s32 $0xFFFFC000  }
0x24: {  	_ =	swait.ge [sflag:s20], $0x4000  }
0x25: {  	[sflag:s20] =	ssyncset.done $0x0  }
0x26: {  	s16 =	simm.s32 $0x80;
	s28 =	sadd.s32 $0x0, s11;
	[sflag:s20] =	ssyncadd.s32 $0xFFFFC000  }
0x27: {  	s28 =	sand.u32 $0xFFFFF80, s28;
	s0 =	sand.u32 $0x1, s0;
	_ =	swait.ge [sflag:s20], $0x4000  }
0x28: {  	s29 =	sxor.u32 $0x1, s0;
	s1 =	sand.u32 $0x40, s16;
	[sflag:s20] =	ssyncset.done $0x0  }
0x29: {  	s30 =	sadd.s32 $0x1, s0;
	s1 =	sadd.s32 s3, s1;
	[sflag:s20] =	ssyncadd.s32 $0xFFFFC000  }
0x2a: {  	[hbm4b:s8+s2] =	stream.linear.scatter [tilespmem:s14], [sflag:$0x4], $0x10000, $0x38;
	[tilespmem:$0x10400] =	vst v63  }
0x2b: {  	s1 =	sadd.s32 s28, s1;
	s28 =	sshll.u32 s29, $0x9;
	s29 =	sadd.s32 $0x1, s29  }
0x2c: {  	[tilespmem:s28], [sflag:s29] =	stream.linear.gather [hbm4b:s1+s2], $0x200, $0x38;
	[tilespmem:$0x10400] =	vst v63  }
0x2d: {  	_ =	swait.ge [sflag:s30], $0x200  }
0x2e: {  	[sflag:s30] =	ssyncset.done $0x0  }
0x2f: {  	[sflag:s30] =	ssyncadd.s32 $0xFFFFFE00  }
0x30: {  	_ =	swait.ge [sflag:s21], $0x10000  }
0x31: {  	[sflag:s21] =	ssyncset.done $0x0  }
0x32: {  	s0 =	sshll.u32 s0, $0x9;
	[sflag:s21] =	ssyncadd.s32 $0xFFFF0000  }
0x33: {  	[tilespmem:s14], [sflag:$0x3] =	stream.indirect.gather [hbm4b:s4+s13], $0x80, s0, s13, $0xb8;
	[tilespmem:$0x10400] =	vst v63  }
0x34: {  	s18 =	sor.u32 $0x80, s0  }
0x35: {  	[tilespmem:s15], [sflag:$0x3] =	stream.indirect.gather [hbm4b:s4+s13], $0x80, s18, s13, $0xb8;
	[tilespmem:$0x10400] =	vst v63  }
0x36: {  	s23 =	sor.u32 $0x100, s0  }
0x37: {  	[tilespmem:s17], [sflag:$0x3] =	stream.indirect.gather [hbm4b:s4+s13], $0x80, s23, s13, $0xb8;
	[tilespmem:$0x10400] =	vst v63  }
0x38: {  	s0 =	sor.u32 $0x180, s0  }
0x39: {  	[tilespmem:s19], [sflag:$0x3] =	stream.indirect.gather [hbm4b:s4+s13], $0x80, s0, s13, $0xb8;
	[tilespmem:$0x10400] =	vst v63  }
0x3a: {  	_ =	swait.ge [sflag:s20], $0x4000  }
0x3b: {  	[sflag:s20] =	ssyncset.done $0x0  }
0x3c: {  	[sflag:s20] =	ssyncadd.s32 $0xFFFFC000  }
0x3d: {  	_ =	swait.ge [sflag:s20], $0x4000  }
0x3e: {  	[sflag:s20] =	ssyncset.done $0x0  }
0x3f: {  	s31 =	smov.u32 s10;
	[sflag:s20] =	ssyncadd.s32 $0xFFFFC000  }
0x40: {  	s24 =	simm.s32 $0xC0;
	s29 =	simm.s32 $0x3;
	_ =	swait.ge [sflag:s20], $0x4000  }
0x41: {  	s1 =	sand.u32 $0x40, s24;
	s28 =	sadd.s32 $0x2000, s10;
	[sflag:s20] =	ssyncset.done $0x0  }
0x42: {  	s30 =	simm.s32 $0x40;
	s0 =	simm.s32 $0x2;
	[sflag:s20] =	ssyncadd.s32 $0xFFFFC000  }
.LBB2_2:
0x43: {  	s16 =	sadd.s32 s30, s11  }
0x44: {  	s1 =	sadd.s32 s3, s1;
	_ =	swait.ge [sflag:s20], $0x4000;
	s18 =	smov.u32 s29  }
0x45: {  	s23 =	sand.u32 $0x1, s0;
	s0 =	sand.u32 $0xFFFFF80, s16;
	[sflag:s20] =	ssyncset.done $0x0  }
0x46: {  	s16 =	sxor.u32 $0x1, s23;
	s0 =	sadd.s32 s0, s1;
	[sflag:s20] =	ssyncadd.s32 $0xFFFFC000  }
0x47: {  	[hbm4b:s31+s2] =	stream.linear.scatter [tilespmem:s14], [sflag:$0x4], $0x10000, $0x38;
	[tilespmem:$0x10400] =	vst v63  }
0x48: {  	s24 =	sadd.s32 $0x1, s23;
	s1 =	sshll.u32 s16, $0x9;
	s16 =	sadd.s32 $0x1, s16  }
0x49: {  	[tilespmem:s1], [sflag:s16] =	stream.linear.gather [hbm4b:s0+s2], $0x200, $0x38;
	[tilespmem:$0x10400] =	vst v63  }
0x4a: {  	p0 =	sne.s32 s29, $0x8;
	s29 =	sadd.s32 $0x1, s29;
	_ =	swait.ge [sflag:s24], $0x200  }
0x4b: {  	s31 =	smov.u32 s28;
	s0 =	smov.u32 s18;
	[sflag:s24] =	ssyncset.done $0x0  }
0x4c: {  	[sflag:s24] =	ssyncadd.s32 $0xFFFFFE00  }
0x4d: {  	_ =	swait.ge [sflag:s21], $0x10000  }
0x4e: {  	[sflag:s21] =	ssyncset.done $0x0  }
0x4f: {  	s1 =	sshll.u32 s23, $0x9;
	[sflag:s21] =	ssyncadd.s32 $0xFFFF0000  }
0x50: {  	[tilespmem:s14], [sflag:$0x3] =	stream.indirect.gather [hbm4b:s4+s13], $0x80, s1, s13, $0xb8;
	[tilespmem:$0x10400] =	vst v63  }
0x51: {  	s16 =	sor.u32 $0x80, s1  }
0x52: {  	[tilespmem:s15], [sflag:$0x3] =	stream.indirect.gather [hbm4b:s4+s13], $0x80, s16, s13, $0xb8;
	[tilespmem:$0x10400] =	vst v63  }
0x53: {  	s16 =	sor.u32 $0x100, s1  }
0x54: {  	[tilespmem:s17], [sflag:$0x3] =	stream.indirect.gather [hbm4b:s4+s13], $0x80, s16, s13, $0xb8;
	[tilespmem:$0x10400] =	vst v63  }
0x55: {  	s1 =	sor.u32 $0x180, s1  }
0x56: {  	[tilespmem:s19], [sflag:$0x3] =	stream.indirect.gather [hbm4b:s4+s13], $0x80, s1, s13, $0xb8;
	[tilespmem:$0x10400] =	vst v63  }
0x57: {  	_ =	swait.ge [sflag:s20], $0x4000  }
0x58: {  	[sflag:s20] =	ssyncset.done $0x0  }
0x59: {  	[sflag:s20] =	ssyncadd.s32 $0xFFFFC000  }
0x5a: {  	_ =	swait.ge [sflag:s20], $0x4000  }
.Ltmp0:
0x5b: {  	[sflag:s20] =	ssyncset.done $0x0;
	(pc) =	sbr.rel @p0 .LBB2_2-.Ltmp0, $4  }
0x5c: {  	[sflag:s20] =	ssyncadd.s32 $0xFFFFC000  }
0x5d: {  	s30 =	sadd.s32 $0x40, s30;
	_ =	swait.ge [sflag:s20], $0x4000  }
0x5e: {  	s1 =	sadd.s32 $0x80, s30;
	[sflag:s20] =	ssyncset.done $0x0  }
0x5f: {  	s28 =	sadd.s32 $0x2000, s28;
	s1 =	sand.u32 $0x40, s1;
	[sflag:s20] =	ssyncadd.s32 $0xFFFFC000  }
0x60: {  	s16 =	sadd.s32 s30, s11;
	s1 =	sadd.s32 s3, s1;
	_ =	swait.ge [sflag:s20], $0x4000  }
0x61: {  	s0 =	sand.u32 $0x1, s0;
	s16 =	sand.u32 $0xFFFFF80, s16;
	[sflag:s20] =	ssyncset.done $0x0  }
0x62: {  	s18 =	sxor.u32 $0x1, s0;
	s23 =	sadd.s32 $0x1, s0;
	[sflag:s20] =	ssyncadd.s32 $0xFFFFC000  }
0x63: {  	[hbm4b:s31+s2] =	stream.linear.scatter [tilespmem:s14], [sflag:$0x4], $0x10000, $0x38;
	[tilespmem:$0x10400] =	vst v63  }
0x64: {  	s1 =	sadd.s32 s16, s1;
	s31 =	sshll.u32 s18, $0x9;
	s18 =	sadd.s32 $0x1, s18  }
0x65: {  	[tilespmem:s31], [sflag:s18] =	stream.linear.gather [hbm4b:s1+s2], $0x200, $0x38;
	[tilespmem:$0x10400] =	vst v63  }
0x66: {  	_ =	swait.ge [sflag:s23], $0x200  }
0x67: {  	[sflag:s23] =	ssyncset.done $0x0  }
0x68: {  	[sflag:s23] =	ssyncadd.s32 $0xFFFFFE00  }
0x69: {  	_ =	swait.ge [sflag:s21], $0x10000  }
0x6a: {  	[sflag:s21] =	ssyncset.done $0x0  }
0x6b: {  	s0 =	sshll.u32 s0, $0x9;
	[sflag:s21] =	ssyncadd.s32 $0xFFFF0000  }
0x6c: {  	[tilespmem:s14], [sflag:$0x3] =	stream.indirect.gather [hbm4b:s4+s13], $0x80, s0, s13, $0xb8;
	[tilespmem:$0x10400] =	vst v63  }
0x6d: {  	s24 =	sor.u32 $0x80, s0  }
0x6e: {  	[tilespmem:s15], [sflag:$0x3] =	stream.indirect.gather [hbm4b:s4+s13], $0x80, s24, s13, $0xb8;
	[tilespmem:$0x10400] =	vst v63  }
0x6f: {  	s29 =	sor.u32 $0x100, s0  }
0x70: {  	[tilespmem:s17], [sflag:$0x3] =	stream.indirect.gather [hbm4b:s4+s13], $0x80, s29, s13, $0xb8;
	[tilespmem:$0x10400] =	vst v63  }
0x71: {  	s0 =	sor.u32 $0x180, s0  }
0x72: {  	[tilespmem:s19], [sflag:$0x3] =	stream.indirect.gather [hbm4b:s4+s13], $0x80, s0, s13, $0xb8;
	[tilespmem:$0x10400] =	vst v63  }
0x73: {  	_ =	swait.ge [sflag:s20], $0x4000  }
0x74: {  	[sflag:s20] =	ssyncset.done $0x0  }
0x75: {  	[sflag:s20] =	ssyncadd.s32 $0xFFFFC000  }
0x76: {  	_ =	swait.ge [sflag:s20], $0x4000  }
0x77: {  	[sflag:s20] =	ssyncset.done $0x0  }
0x78: {  	[sflag:s20] =	ssyncadd.s32 $0xFFFFC000  }
0x79: {  	_ =	swait.ge [sflag:s20], $0x4000  }
0x7a: {  	[sflag:s20] =	ssyncset.done $0x0  }
0x7b: {  	[sflag:s20] =	ssyncadd.s32 $0xFFFFC000  }
0x7c: {  	_ =	swait.ge [sflag:s20], $0x4000  }
0x7d: {  	[sflag:s20] =	ssyncset.done $0x0  }
0x7e: {  	[sflag:s20] =	ssyncadd.s32 $0xFFFFC000  }
0x7f: {  	[hbm4b:s28+s2] =	stream.linear.scatter [tilespmem:s14], [sflag:$0x4], $0x10000, $0x38;
	[tilespmem:$0x10400] =	vst v63  }
0x80: {  	_ =	swait.ge [sflag:s22], $0x200  }
0x81: {  	[sflag:s22] =	ssyncset.done $0x0  }
0x82: {  	[sflag:s22] =	ssyncadd.s32 $0xFFFFFE00  }
0x83: {  	_ =	swait.ge [sflag:s21], $0x10000  }
0x84: {  	[sflag:s21] =	ssyncset.done $0x0  }
0x85: {  	[sflag:s21] =	ssyncadd.s32 $0xFFFF0000  }
0x86: {  	[tilespmem:s14], [sflag:$0x3] =	stream.indirect.gather [hbm4b:s4+s13], $0x80, s12, s13, $0xb8;
	[tilespmem:$0x10400] =	vst v63  }
0x87: {  	s30 =	simm.s32 $0x280  }
0x88: {  	[tilespmem:s15], [sflag:$0x3] =	stream.indirect.gather [hbm4b:s4+s13], $0x80, s30, s13, $0xb8;
	[tilespmem:$0x10400] =	vst v63  }
0x89: {  	s31 =	simm.s32 $0x300  }
0x8a: {  	[tilespmem:s17], [sflag:$0x3] =	stream.indirect.gather [hbm4b:s4+s13], $0x80, s31, s13, $0xb8;
	[tilespmem:$0x10400] =	vst v63  }
0x8b: {  	_ = 	snop  }
0x8c: {  	[tilespmem:s19], [sflag:$0x3] =	stream.indirect.gather [hbm4b:s4+s13], $0x80, s25, s13, $0xb8;
	[tilespmem:$0x10400] =	vst v63  }
0x8d: {  	_ =	swait.ge [sflag:s20], $0x4000  }
0x8e: {  	[sflag:s20] =	ssyncset.done $0x0  }
0x8f: {  	[sflag:s20] =	ssyncadd.s32 $0xFFFFC000  }
0x90: {  	_ =	swait.ge [sflag:s20], $0x4000  }
0x91: {  	[sflag:s20] =	ssyncset.done $0x0  }
0x92: {  	[sflag:s20] =	ssyncadd.s32 $0xFFFFC000  }
0x93: {  	_ =	swait.ge [sflag:s20], $0x4000  }
0x94: {  	[sflag:s20] =	ssyncset.done $0x0  }
0x95: {  	[sflag:s20] =	ssyncadd.s32 $0xFFFFC000  }
0x96: {  	s26 =	sadd.s32 $0x1, s26;
	_ =	swait.ge [sflag:s20], $0x4000  }
0x97: {  	p0 =	sne.s32 s26, s6;
	[sflag:s20] =	ssyncset.done $0x0  }
.Ltmp1:
0x98: {  	[sflag:s20] =	ssyncadd.s32 $0xFFFFC000;
	(pc) =	sbr.rel @p0 .LBB2_1-.Ltmp1, $4  }
0x99: {  	[hbm4b:s9+s2] =	stream.linear.scatter [tilespmem:s14], [sflag:$0x4], $0x10000, $0x38;
	[tilespmem:$0x10400] =	vst v63  }
0x9a: {  	_ =	swait.ge [sflag:s21], $0x10000  }
0x9b: {  	[sflag:s21] =	ssyncset.done $0x0  }
0x9c: {  	[sflag:s21] =	ssyncadd.s32 $0xFFFF0000  }
0x9d: {  	_ =	sfence.sel $0x180000  }
0x9e: {  	[bflag:$0x0] =	sbarrier.arrive $0xFFFF  }
0x9f: {  	_ =	strace $0x9000004A  }
0xa0: {  	s0 =	stileid.u32;
	[bflag:$0x2] =	sbarrier.arrive $0xFFFF  }
0xa1: {  	p0 =	sne.s32 s0, $0x0;
	s0 =	rddreg [dreg:$0x1]  }
0xa2: {  	s0 =	sadd.s32 @!p0 $0x100000, s0  }
0xa3: {  	[sflag:s0] =	ssyncadd.tile.s32 @!p0 $0x1;
	_ =	shalt  }
.Lfunc_end2:
_tile_overlayer_lowered:
.L_overlay_start_2:
0xa4: {  	(tag) =	ssettag $0x2  }
0xa5: {  	s0 =	rddreg [dreg:$0x0];
	s2 =	stileid.u32  }
0xa6: {  	s1 =	rddreg [dreg:$0x1];
	p0 =	sne.s32 s2, $0x0  }
0xa7: {  	s3 =	rddreg [dreg:$0x2];
	[bflag:$0x3] =	sbarrier.arrive $0xFFFF;
	s2 =	simm.s32 @!p0 $0x1C05  }
0xa8: {  	[timem:s3], [sflag:s2] =	dma.local @!p0 [hbm:s0], s1  }
0xa9: {  	s0 =	simm.s32 @!p0 $0x5  }
0xaa: {  	_ =	swait.ge @!p0 [sflag:s0], s1  }
0xab: {  	s1 =	ssub.s32 @!p0 $0x0, s1;
	[sflag:s0] =	ssyncset.done @!p0 $0x0  }
0xac: {  	[sflag:s0] =	ssyncadd.s32 @!p0 s1  }
0xad: {  	[bflag:$0x3] =	sbarrier.arrive $0xFFFF  }
0xae: {  	_ =	shalt  }

// kernel: kernel.19.cloned.1.call-start
scs
__scs_entry_jumppad:
0x0: {  	(pc) =	sbr.rel $0x88, $3  }
0x1: {  	(tag) =	ssettag $0x0;
	lr =	simm.s32 $0x1  }
0x2: {  	[smem:$0x3F9D] =	sst lr;
	_ =	strace $0xD0000000  }
0x3: {  	_ = 	snop  }
0x4: {  	_ = 	snop  }
0x5: {  	_ = 	snop  }
0x6: {  	_ = 	snop  }
0x7: {  	_ = 	snop  }
__scs_overlays_trampoline_lowered:
0x8: {  	[smem:$0x3FAC] =	sst s0  }
0x9: {  	[smem:$0x3FAD] =	sst s1  }
0xa: {  	[smem:$0x3FAE] =	sst s2  }
0xb: {  	[smem:$0x3FAF] =	sst s3  }
0xc: {  	[smem:$0x3FB0] =	sst s4  }
0xd: {  	[smem:$0x3FB1] =	sst s5  }
0xe: {  	[smem:$0x3FB2] =	sst s6  }
0xf: {  	[smem:$0x3FB3] =	sst s7  }
0x10: {  	[smem:$0x3FB4] =	sst s8  }
0x11: {  	[smem:$0x3FB5] =	sst s9;
	s0 =	simm.s32 @!p0 $0x0  }
0x12: {  	s1 =	sld [smem:$0x3F9B];
	s0 =	simm.s32 @p0 $0x1  }
0x13: {  	[smem:$0x3FB6] =	sst s0;
	s0 =	simm.s32 @!p1 $0x0  }
0x14: {  	s2 =	sld [smem:$0x3F9A];
	s0 =	simm.s32 @p1 $0x1  }
0x15: {  	[smem:$0x3FB7] =	sst s0;
	s0 =	simm.s32 @!p2 $0x0  }
0x16: {  	s3 =	sld [smem:$0x3FDB];
	s0 =	simm.s32 @p2 $0x1  }
0x17: {  	s4 =	simm.s32 $0x1BF5;
	[smem:$0x3FB9] =	sst s0  }
0x18: {  	s0 =	sld [smem:$0x3F9C];
	_ =	swait.ge [sflag:s4], $0x0  }
0x19: {  	s7 =	sld [smem:$0x3F9D]  }
0x1a: {  	s8 =	sadd.s32 $0xFFFFE003, lr  }
0x1b: {  	s9 =	sadd.s32 $0xFFFFFEF7, lr;
	s5 =	simm.s32 $0xFFFFFFFF;
	p2 =	slt.u32 s8, $0xFFFFF086  }
0x1c: {  	p1 =	slt.u32 s9, $0xF7A;
	s5 =	simm.s32 @!p2 $0x0  }
0x1d: {  	s5 =	simm.s32 @p1 $0x1;
	p0 =	seq.s32 s7, s2  }
0x1e: {  	s7 =	smul.u32 @!p0 $0xF7A, s2;
	p2 =	seq.s32 @!p0 s5, $0x0  }
0x1f: {  	s9 =	smul.u32 $0xF7A, s1;
	s8 =	simm.s32 @!p0 $0x1BF5;
	p2 =	por !p2, p0  }
0x20: {  	[sflag:s8] =	ssyncset.s32 @!p0 $0xFFFFF086;
	s6 =	sadd.s32 @!p0 s3, s7;
	s7 =	simm.s32 @!p0 $0x108  }
0x21: {  	s3 =	sadd.s32 s3, s9;
	s6 =	sadd.s32 @!p0 $0x88, s6;
	s7 =	simm.s32 @p2 $0x1082  }
0x22: {  	[simem:s7], [sflag:s8] =	dma.local @!p0 [hbm:s6], $0xF7A  }
0x23: {  	s9 =	sor.u32 $0xD0000000, s2;
	s6 =	simm.s32 $0x108;
	_ =	swait.ge @!p0 [sflag:s8], $0x0  }
0x24: {  	s3 =	sadd.s32 $0x88, s3;
	s6 =	simm.s32 @!p1 $0x1082;
	[sflag:s4] =	ssyncset.s32 $0xFFFFF086  }
0x25: {  	[simem:s6], [sflag:s4] =	dma.local [hbm:s3], $0xF7A  }
0x26: {  	[smem:$0x3F9D] =	sst s1;
	(tag) =	ssettag s2;
	_ =	strace s9  }
0x27: {  	s1 =	sld [smem:$0x3FAD]  }
0x28: {  	s2 =	sld [smem:$0x3FAE]  }
0x29: {  	s4 =	sld [smem:$0x3FB0]  }
0x2a: {  	p0 =	seq.s32 s5, $0x0;
	s5 =	sld [smem:$0x3FB1]  }
0x2b: {  	s6 =	sld [smem:$0x3FB2]  }
0x2c: {  	s7 =	sld [smem:$0x3FB3]  }
0x2d: {  	s3 =	simm.s32 $0x108;
	s8 =	sld [smem:$0x3FB4]  }
0x2e: {  	s3 =	simm.s32 @!p0 $0x1082;
	s9 =	sld [smem:$0x3FB5]  }
0x2f: {  	lr =	sadd.s32 s0, s3;
	s0 =	sld [smem:$0x3FAC]  }
0x30: {  	s3 =	sld [smem:$0x3FAF]  }
0x31: {  	[smem:$0x3FB8] =	sst s10  }
0x32: {  	s10 =	sld [smem:$0x3FB6];
	_ =	sdelay $0x3  }
0x33: {  	p0 =	seq.s32 s10, $0x1;
	s10 =	sld [smem:$0x3FB8];
	_ =	sdelay $0x3  }
0x34: {  	[smem:$0x3FB8] =	sst s10  }
0x35: {  	s10 =	sld [smem:$0x3FB7];
	_ =	sdelay $0x3  }
0x36: {  	p1 =	seq.s32 s10, $0x1;
	s10 =	sld [smem:$0x3FB8];
	_ =	sdelay $0x3  }
0x37: {  	[smem:$0x3FB8] =	sst s10  }
0x38: {  	s10 =	sld [smem:$0x3FB9]  }
0x39: {  	_ = 	snop;
	(pc) =	sbr.ind lr, $3  }
0x3a: {  	_ = 	snop  }
0x3b: {  	_ = 	snop  }
0x3c: {  	p2 =	seq.s32 s10, $0x1;
	s10 =	sld [smem:$0x3FB8]  }
0x3d: {  	_ =	shalt  }
0x3e: {  	_ =	shalt  }
0x3f: {  	_ =	shalt  }
0x40: {  	_ =	shalt  }
0x41: {  	_ =	shalt  }
0x42: {  	_ =	shalt  }
0x43: {  	_ =	shalt  }
0x44: {  	_ =	shalt  }
0x45: {  	_ =	shalt  }
0x46: {  	_ =	shalt  }
0x47: {  	_ =	shalt  }
0x48: {  	_ =	shalt  }
0x49: {  	_ =	shalt  }
0x4a: {  	_ =	shalt  }
0x4b: {  	_ =	shalt  }
0x4c: {  	_ =	shalt  }
0x4d: {  	_ =	shalt  }
0x4e: {  	_ =	shalt  }
0x4f: {  	_ =	shalt  }
0x50: {  	_ =	shalt  }
0x51: {  	_ =	shalt  }
0x52: {  	_ =	shalt  }
0x53: {  	_ =	shalt  }
0x54: {  	_ =	shalt  }
0x55: {  	_ =	shalt  }
0x56: {  	_ =	shalt  }
0x57: {  	_ =	shalt  }
0x58: {  	_ =	shalt  }
0x59: {  	_ =	shalt  }
0x5a: {  	_ =	shalt  }
0x5b: {  	_ =	shalt  }
0x5c: {  	_ =	shalt  }
0x5d: {  	_ =	shalt  }
0x5e: {  	_ =	shalt  }
0x5f: {  	_ =	shalt  }
0x60: {  	_ =	shalt  }
0x61: {  	_ =	shalt  }
0x62: {  	_ =	shalt  }
0x63: {  	_ =	shalt  }
0x64: {  	_ =	shalt  }
0x65: {  	_ =	shalt  }
0x66: {  	_ =	shalt  }
0x67: {  	_ =	shalt  }
0x68: {  	_ =	shalt  }
0x69: {  	_ =	shalt  }
0x6a: {  	_ =	shalt  }
0x6b: {  	_ =	shalt  }
0x6c: {  	_ =	shalt  }
0x6d: {  	_ =	shalt  }
0x6e: {  	_ =	shalt  }
0x6f: {  	_ =	shalt  }
0x70: {  	_ =	shalt  }
0x71: {  	_ =	shalt  }
0x72: {  	_ =	shalt  }
0x73: {  	_ =	shalt  }
0x74: {  	_ =	shalt  }
0x75: {  	_ =	shalt  }
0x76: {  	_ =	shalt  }
0x77: {  	_ =	shalt  }
0x78: {  	_ =	shalt  }
0x79: {  	_ =	shalt  }
0x7a: {  	_ =	shalt  }
0x7b: {  	_ =	shalt  }
0x7c: {  	_ =	shalt  }
0x7d: {  	_ =	shalt  }
0x7e: {  	_ =	shalt  }
0x7f: {  	_ =	shalt  }
0x80: {  	_ =	shalt  }
0x81: {  	_ =	shalt  }
0x82: {  	_ =	shalt  }
0x83: {  	_ =	shalt  }
0x84: {  	_ =	shalt  }
0x85: {  	_ =	shalt  }
0x86: {  	_ =	shalt  }
0x87: {  	_ =	shalt  }
.Lfunc_end0:
.L_simem_size_0:
called_computation.2_lowered:
.L_overlay_start_0:
0x88: {  	s2 =	sld [smem:$0x3FD9]  }
0x89: {  	s3 =	sld [smem:$0x3FFE];
	_ =	sdelay $0x1  }
0x8a: {  	s1 =	srdreg.scid  }
0x8b: {  	s0 =	sand.u32 $0x1, s1  }
0x8c: {  	s17 =	sshll.u32 s0, $0xA;
	s2 =	sadd.s32 s3, s2  }
0x8d: {  	s2 =	sadd.s32 s2, s17  }
0x8e: {  	[smem:$0x3FC4] =	sst s2  }
0x8f: {  	_ = 	snop  }
0x90: {  	(tm) =	ssettm $0x1  }
0x91: {  	s18 =	sld [smem:$0x3FFB];
	_ =	sdelay $0x3  }
0x92: {  	_ =	strace s18  }
0x93: {  	s2 =	sld [smem:$0x3FFC];
	_ =	sdelay $0x3  }
0x94: {  	_ =	strace s2  }
0x95: {  	s2 =	sld [smem:$0x3FFD];
	_ =	sdelay $0x3  }
0x96: {  	_ =	strace s2  }
0x97: {  	_ =	strace $0x8FFFFFFF  }
0x98: {  	s19 =	sld [smem:$0x3FDB];
	_ =	sdelay $0x1  }
0x99: {  	s20 =	simm.s32 $_scs_section_size  }
0x9a: {  	s4 =	simm.s32 $_size__tile_overlayer_lowered;
	s5 =	simm.s32 $_tile_overlayer_lowered  }
0x9b: {  	s6 =	simm.s32 $0x1BFF;
	s21 =	sshll.u32 s5, $0x1;
	s3 =	sadd.s32 s20, s19  }
0x9c: {  	s22 =	simm.s32 $0x0;
	s4 =	sshll.u32 s4, $0x1;
	s5 =	sadd.s32 s21, s3  }
0x9d: {  	[timem:s22], [sflag:s6] =	dma.local [hbm:s5], s4  }
0x9e: {  	_ =	swait.ge [sflag:s6], s4  }
0x9f: {  	s4 =	ssub.s32 $0x0, s4;
	[sflag:s6] =	ssyncset.done $0x0  }
0xa0: {  	[sflag:s6] =	ssyncadd.s32 s4;
	_ =	sdelay $0x1  }
0xa1: {  	s23 =	simm.s32 $0x1B8B  }
0xa2: {  	_ =	swait.ge [sflag:s23], $0x1  }
0xa3: {  	[sflag:s23] =	ssyncset.done $0x0  }
0xa4: {  	[sflag:s23] =	ssyncadd.s32 $0xFFFFFFFF  }
0xa5: {  	s4 =	sld [smem:$0x0]  }
0xa6: {  	s5 =	sand.u32 $0xFFFFFFFE, s1  }
0xa7: {  	p0 =	sne.s32 s1, s5  }
0xa8: {  	s5 =	sshll.u32 @p0 s5, $0xE  }
0xa9: {  	s5 =	sadd.s32 @p0 $0x11B8D, s5;
	s6 =	sshll.u32 @p0 s4, $0x11  }
0xaa: {  	s5 =	sor.u32 @p0 s6, s5  }
0xab: {  	[sflag:s5] =	ssyncadd.remote.s32 @p0 $0x1;
	_ =	sdelay $0x1  }
0xac: {  	s5 =	simm.s32 @p0 $0x1B8D  }
0xad: {  	_ =	swait.eq @p0 [sflag:s5], $0x1  }
0xae: {  	[sflag:s5] =	ssyncadd.s32 @p0 $0xFFFFFFFF  }
0xaf: {  	s6 =	sshll.u32 @!p0 s1, $0xE  }
0xb0: {  	s6 =	sor.u32 @!p0 $0x4000, s6;
	s5 =	simm.s32 @!p0 $0x1B8D  }
0xb1: {  	s4 =	sshll.u32 @!p0 s4, $0x11;
	s6 =	sadd.s32 @!p0 $0x11B8D, s6;
	_ =	swait.eq @!p0 [sflag:s5], $0x1  }
0xb2: {  	s4 =	sor.u32 @!p0 s4, s6;
	[sflag:s5] =	ssyncadd.s32 @!p0 $0xFFFFFFFF  }
0xb3: {  	s25 =	simm.s32 $0x1B8E;
	s24 =	sld [smem:$0x3FFE];
	[sflag:s4] =	ssyncadd.remote.s32 @!p0 $0x1  }
0xb4: {  	s26 =	simm.s32 $execute0_lowered;
	[smem:$0x3FD2] =	sst s25  }
0xb5: {  	s5 =	sshll.u32 s26, $0x1;
	_ =	strace $0x8000004C;
	[dreg:$0x1] =	wrdreg $0xFFFFFFFF  }
0xb6: {  	s28 =	simm.s32 $_size_execute0_lowered;
	s3 =	sadd.s32 s3, s5;
	[dreg:$0x0] =	wrdreg $0x0  }
0xb7: {  	s5 =	sshll.u32 s28, $0x1;
	[dreg:$0x2] =	wrdreg s3  }
0xb8: {  	[dreg:$0x3] =	wrdreg s5  }
0xb9: {  	[dreg:$0x4] =	wrdreg $0xC0  }
0xba: {  	_ =	task [dreg:s22], $0x5FFFF  }
0xbb: {  	[dreg:$0x1] =	wrdreg $0xFFFFFFFF  }
0xbc: {  	[dreg:$0x0] =	wrdreg $0x60  }
0xbd: {  	[dreg:$0x2] =	wrdreg s24  }
0xbe: {  	[dreg:$0x3] =	wrdreg $0xB  }
0xbf: {  	_ =	task.clear_ibuf [dreg:s22], $0x4FFFF;
	_ =	strace $0x9000004C  }
0xc0: {  	s29 =	simm.s32 $0xB;
	_ =	strace $0x8000004E  }
0xc1: {  	_ =	swait.ge [sflag:s29], $0x1  }
0xc2: {  	[sflag:s29] =	ssyncadd.s32 $0xFFFFFFFF  }
0xc3: {  	_ =	strace $0x9000004E  }
0xc4: {  	_ =	sfence  }
0xc5: {  	s30 =	sld [smem:$0x0];
	_ =	sdelay $0x2  }
0xc6: {  	s31 =	sshll.u32 s1, $0xD;
	s1 =	sshrl.u32 s1, $0x2  }
0xc7: {  	s4 =	sand.u32 $0x4000, s31;
	s1 =	sadd.s32 s1, s30  }
0xc8: {  	s0 =	sor.u32 s4, s0;
	s1 =	sshll.u32 s1, $0x11  }
0xc9: {  	s0 =	sor.u32 s1, s0  }
0xca: {  	s0 =	sadd.s32 $0x8F2B, s0  }
0xcb: {  	[sflag:s0] =	ssyncadd.remote.s32 $0x1  }
0xcc: {  	_ =	sfence.sel $0xFFFF  }
0xcd: {  	[dreg:$0x0] =	wrdreg $0xFFFFFFFF;
	(pc) =	sbr.abs _section_cstart, $3  }
0xce: {  	[dreg:$0x1] =	wrdreg $0xFFFFFFFF  }
0xcf: {  	_ =	task.clear_ibuf [dreg:s22], $0x2FFFF;
	_ =	strace $0x9FFFFFFF  }
0xd0: {  	(tm) =	ssettm $0x7FFFFFFF  }
0xd1: {  	_ =	shalt  }
tec
execute0_lowered:
.L_overlay_start_1:
0x0: {  	(tag) =	ssettag $0x1  }
0x1: {  	s0 =	rddreg [dreg:$0x0]  }
0x2: {  	s1 =	srdreg.scid;
	s12 =	stileid.u32  }
0x3: {  	s2 =	simm.s32 $0x0;
	s13 =	simm.s32 $0x80;
	s14 =	simm.s32 $0x400  }
0x4: {  	s15 =	simm.s32 $0x4400;
	s17 =	simm.s32 $0x8400;
	s19 =	simm.s32 $0xC400  }
0x5: {  	s20 =	simm.s32 $0x3;
	s21 =	simm.s32 $0x4;
	s22 =	simm.s32 $0x2  }
0x6: {  	s25 =	simm.s32 $0x380;
	s26 =	simm.s32 $0x0;
	s1 =	sand.u32 $0x1, s1  }
0x7: {  	s3 =	sshll.u32 s12, $0x1;
	[smem:$0x7FF] =	sst s2;
	s7 =	smul.u32 $0x140000, s12  }
0x8: {  	s4 =	sadd.s32 $0x1A600, s0;
	s30 =	smul.u32 $0x500, s12;
	s12 =	simm.s32 $0x200  }
0x9: {  	s5 =	sor.u32 s1, s3;
	_ =	strace $0x8000004D;
	s11 =	smul.u32 $0xA0000, s1  }
0xa: {  	s3 =	sadd.s32 $0x1600, s0;
	s28 =	ssub.s32 $0x2, s1;
	s1 =	smul.u32 $0x280, s1  }
0xb: {  	s0 =	sadd.s32 $0x145CA00, s0;
	s6 =	smul.u32 $0x280, s5;
	s9 =	sshrl.u32 s28, $0x1  }
0xc: {  	s8 =	smul.u32 $0xA0000, s5;
	s29 =	ssub.s32 s28, s9;
	s11 =	sadd.s32 s11, s7  }
0xd: {  	s1 =	sadd.s32 s1, s30;
	s10 =	sadd.s32 s6, s3;
	s6 =	smax.u32 s29, $0x1  }
0xe: {  	s8 =	sshrl.u32 s8, $0x3;
	s31 =	sor.u32 $0x10000, s11;
	s5 =	sadd.s32 $0xA000, s10  }
0xf: {  	s7 =	sadd.s32 $0xA040, s10;
	s8 =	sadd.s32 s0, s8;
	s10 =	sshrl.u32 s31, $0x3  }
0x10: {  	s11 =	sadd.s32 $0xA080, s1;
	s9 =	sadd.s32 $0x12000, s8;
	s10 =	sadd.s32 s10, s0  }
.LBB2_1:
0x11: {  	[tilespmem:s2], [sflag:$0x1] =	stream.linear.gather [hbm4b:s5+s2], $0x200, $0x38;
	[tilespmem:$0x10400] =	vst v63  }
0x12: {  	s0 =	simm.s32 $0x1  }
0x13: {  	[tilespmem:s12], [sflag:$0x2] =	stream.linear.gather [hbm4b:s7+s2], $0x200, $0x38;
	[tilespmem:$0x10400] =	vst v63  }
0x14: {  	_ =	swait.ge [sflag:s0], $0x200  }
0x15: {  	[sflag:s0] =	ssyncset.done $0x0  }
0x16: {  	[sflag:s0] =	ssyncadd.s32 $0xFFFFFE00  }
0x17: {  	[tilespmem:s14], [sflag:$0x3] =	stream.indirect.gather [hbm4b:s4+s13], $0x80, s2, s13, $0xb8;
	[tilespmem:$0x10400] =	vst v63  }
0x18: {  	_ = 	snop  }
0x19: {  	[tilespmem:s15], [sflag:$0x3] =	stream.indirect.gather [hbm4b:s4+s13], $0x80, s13, s13, $0xb8;
	[tilespmem:$0x10400] =	vst v63  }
0x1a: {  	s1 =	simm.s32 $0x100  }
0x1b: {  	[tilespmem:s17], [sflag:$0x3] =	stream.indirect.gather [hbm4b:s4+s13], $0x80, s1, s13, $0xb8;
	[tilespmem:$0x10400] =	vst v63  }
0x1c: {  	s24 =	simm.s32 $0x180  }
0x1d: {  	[tilespmem:s19], [sflag:$0x3] =	stream.indirect.gather [hbm4b:s4+s13], $0x80, s24, s13, $0xb8;
	[tilespmem:$0x10400] =	vst v63  }
0x1e: {  	_ =	swait.ge [sflag:s20], $0x4000  }
0x1f: {  	[sflag:s20] =	ssyncset.done $0x0  }
0x20: {  	[sflag:s20] =	ssyncadd.s32 $0xFFFFC000  }
0x21: {  	_ =	swait.ge [sflag:s20], $0x4000  }
0x22: {  	[sflag:s20] =	ssyncset.done $0x0  }
0x23: {  	[sflag:s20] =	ssyncadd.s32 $0xFFFFC000  }
0x24: {  	_ =	swait.ge [sflag:s20], $0x4000  }
0x25: {  	[sflag:s20] =	ssyncset.done $0x0  }
0x26: {  	s16 =	simm.s32 $0x80;
	s28 =	sadd.s32 $0x0, s11;
	[sflag:s20] =	ssyncadd.s32 $0xFFFFC000  }
0x27: {  	s28 =	sand.u32 $0xFFFFF80, s28;
	s0 =	sand.u32 $0x1, s0;
	_ =	swait.ge [sflag:s20], $0x4000  }
0x28: {  	s29 =	sxor.u32 $0x1, s0;
	s1 =	sand.u32 $0x40, s16;
	[sflag:s20] =	ssyncset.done $0x0  }
0x29: {  	s30 =	sadd.s32 $0x1, s0;
	s1 =	sadd.s32 s3, s1;
	[sflag:s20] =	ssyncadd.s32 $0xFFFFC000  }
0x2a: {  	[hbm4b:s8+s2] =	stream.linear.scatter [tilespmem:s14], [sflag:$0x4], $0x10000, $0x38;
	[tilespmem:$0x10400] =	vst v63  }
0x2b: {  	s1 =	sadd.s32 s28, s1;
	s28 =	sshll.u32 s29, $0x9;
	s29 =	sadd.s32 $0x1, s29  }
0x2c: {  	[tilespmem:s28], [sflag:s29] =	stream.linear.gather [hbm4b:s1+s2], $0x200, $0x38;
	[tilespmem:$0x10400] =	vst v63  }
0x2d: {  	_ =	swait.ge [sflag:s30], $0x200  }
0x2e: {  	[sflag:s30] =	ssyncset.done $0x0  }
0x2f: {  	[sflag:s30] =	ssyncadd.s32 $0xFFFFFE00  }
0x30: {  	_ =	swait.ge [sflag:s21], $0x10000  }
0x31: {  	[sflag:s21] =	ssyncset.done $0x0  }
0x32: {  	s0 =	sshll.u32 s0, $0x9;
	[sflag:s21] =	ssyncadd.s32 $0xFFFF0000  }
0x33: {  	[tilespmem:s14], [sflag:$0x3] =	stream.indirect.gather [hbm4b:s4+s13], $0x80, s0, s13, $0xb8;
	[tilespmem:$0x10400] =	vst v63  }
0x34: {  	s18 =	sor.u32 $0x80, s0  }
0x35: {  	[tilespmem:s15], [sflag:$0x3] =	stream.indirect.gather [hbm4b:s4+s13], $0x80, s18, s13, $0xb8;
	[tilespmem:$0x10400] =	vst v63  }
0x36: {  	s23 =	sor.u32 $0x100, s0  }
0x37: {  	[tilespmem:s17], [sflag:$0x3] =	stream.indirect.gather [hbm4b:s4+s13], $0x80, s23, s13, $0xb8;
	[tilespmem:$0x10400] =	vst v63  }
0x38: {  	s0 =	sor.u32 $0x180, s0  }
0x39: {  	[tilespmem:s19], [sflag:$0x3] =	stream.indirect.gather [hbm4b:s4+s13], $0x80, s0, s13, $0xb8;
	[tilespmem:$0x10400] =	vst v63  }
0x3a: {  	_ =	swait.ge [sflag:s20], $0x4000  }
0x3b: {  	[sflag:s20] =	ssyncset.done $0x0  }
0x3c: {  	[sflag:s20] =	ssyncadd.s32 $0xFFFFC000  }
0x3d: {  	_ =	swait.ge [sflag:s20], $0x4000  }
0x3e: {  	[sflag:s20] =	ssyncset.done $0x0  }
0x3f: {  	s31 =	smov.u32 s10;
	[sflag:s20] =	ssyncadd.s32 $0xFFFFC000  }
0x40: {  	s24 =	simm.s32 $0xC0;
	s29 =	simm.s32 $0x3;
	_ =	swait.ge [sflag:s20], $0x4000  }
0x41: {  	s1 =	sand.u32 $0x40, s24;
	s28 =	sadd.s32 $0x2000, s10;
	[sflag:s20] =	ssyncset.done $0x0  }
0x42: {  	s30 =	simm.s32 $0x40;
	s0 =	simm.s32 $0x2;
	[sflag:s20] =	ssyncadd.s32 $0xFFFFC000  }
.LBB2_2:
0x43: {  	s16 =	sadd.s32 s30, s11  }
0x44: {  	s1 =	sadd.s32 s3, s1;
	_ =	swait.ge [sflag:s20], $0x4000;
	s18 =	smov.u32 s29  }
0x45: {  	s23 =	sand.u32 $0x1, s0;
	s0 =	sand.u32 $0xFFFFF80, s16;
	[sflag:s20] =	ssyncset.done $0x0  }
0x46: {  	s16 =	sxor.u32 $0x1, s23;
	s0 =	sadd.s32 s0, s1;
	[sflag:s20] =	ssyncadd.s32 $0xFFFFC000  }
0x47: {  	[hbm4b:s31+s2] =	stream.linear.scatter [tilespmem:s14], [sflag:$0x4], $0x10000, $0x38;
	[tilespmem:$0x10400] =	vst v63  }
0x48: {  	s24 =	sadd.s32 $0x1, s23;
	s1 =	sshll.u32 s16, $0x9;
	s16 =	sadd.s32 $0x1, s16  }
0x49: {  	[tilespmem:s1], [sflag:s16] =	stream.linear.gather [hbm4b:s0+s2], $0x200, $0x38;
	[tilespmem:$0x10400] =	vst v63  }
0x4a: {  	p0 =	sne.s32 s29, $0x8;
	s29 =	sadd.s32 $0x1, s29;
	_ =	swait.ge [sflag:s24], $0x200  }
0x4b: {  	s31 =	smov.u32 s28;
	s0 =	smov.u32 s18;
	[sflag:s24] =	ssyncset.done $0x0  }
0x4c: {  	[sflag:s24] =	ssyncadd.s32 $0xFFFFFE00  }
0x4d: {  	_ =	swait.ge [sflag:s21], $0x10000  }
0x4e: {  	[sflag:s21] =	ssyncset.done $0x0  }
0x4f: {  	s1 =	sshll.u32 s23, $0x9;
	[sflag:s21] =	ssyncadd.s32 $0xFFFF0000  }
0x50: {  	[tilespmem:s14], [sflag:$0x3] =	stream.indirect.gather [hbm4b:s4+s13], $0x80, s1, s13, $0xb8;
	[tilespmem:$0x10400] =	vst v63  }
0x51: {  	s16 =	sor.u32 $0x80, s1  }
0x52: {  	[tilespmem:s15], [sflag:$0x3] =	stream.indirect.gather [hbm4b:s4+s13], $0x80, s16, s13, $0xb8;
	[tilespmem:$0x10400] =	vst v63  }
0x53: {  	s16 =	sor.u32 $0x100, s1  }
0x54: {  	[tilespmem:s17], [sflag:$0x3] =	stream.indirect.gather [hbm4b:s4+s13], $0x80, s16, s13, $0xb8;
	[tilespmem:$0x10400] =	vst v63  }
0x55: {  	s1 =	sor.u32 $0x180, s1  }
0x56: {  	[tilespmem:s19], [sflag:$0x3] =	stream.indirect.gather [hbm4b:s4+s13], $0x80, s1, s13, $0xb8;
	[tilespmem:$0x10400] =	vst v63  }
0x57: {  	_ =	swait.ge [sflag:s20], $0x4000  }
0x58: {  	[sflag:s20] =	ssyncset.done $0x0  }
0x59: {  	[sflag:s20] =	ssyncadd.s32 $0xFFFFC000  }
0x5a: {  	_ =	swait.ge [sflag:s20], $0x4000  }
.Ltmp0:
0x5b: {  	[sflag:s20] =	ssyncset.done $0x0;
	(pc) =	sbr.rel @p0 .LBB2_2-.Ltmp0, $4  }
0x5c: {  	[sflag:s20] =	ssyncadd.s32 $0xFFFFC000  }
0x5d: {  	s30 =	sadd.s32 $0x40, s30;
	_ =	swait.ge [sflag:s20], $0x4000  }
0x5e: {  	s1 =	sadd.s32 $0x80, s30;
	[sflag:s20] =	ssyncset.done $0x0  }
0x5f: {  	s28 =	sadd.s32 $0x2000, s28;
	s1 =	sand.u32 $0x40, s1;
	[sflag:s20] =	ssyncadd.s32 $0xFFFFC000  }
0x60: {  	s16 =	sadd.s32 s30, s11;
	s1 =	sadd.s32 s3, s1;
	_ =	swait.ge [sflag:s20], $0x4000  }
0x61: {  	s0 =	sand.u32 $0x1, s0;
	s16 =	sand.u32 $0xFFFFF80, s16;
	[sflag:s20] =	ssyncset.done $0x0  }
0x62: {  	s18 =	sxor.u32 $0x1, s0;
	s23 =	sadd.s32 $0x1, s0;
	[sflag:s20] =	ssyncadd.s32 $0xFFFFC000  }
0x63: {  	[hbm4b:s31+s2] =	stream.linear.scatter [tilespmem:s14], [sflag:$0x4], $0x10000, $0x38;
	[tilespmem:$0x10400] =	vst v63  }
0x64: {  	s1 =	sadd.s32 s16, s1;
	s31 =	sshll.u32 s18, $0x9;
	s18 =	sadd.s32 $0x1, s18  }
0x65: {  	[tilespmem:s31], [sflag:s18] =	stream.linear.gather [hbm4b:s1+s2], $0x200, $0x38;
	[tilespmem:$0x10400] =	vst v63  }
0x66: {  	_ =	swait.ge [sflag:s23], $0x200  }
0x67: {  	[sflag:s23] =	ssyncset.done $0x0  }
0x68: {  	[sflag:s23] =	ssyncadd.s32 $0xFFFFFE00  }
0x69: {  	_ =	swait.ge [sflag:s21], $0x10000  }
0x6a: {  	[sflag:s21] =	ssyncset.done $0x0  }
0x6b: {  	s0 =	sshll.u32 s0, $0x9;
	[sflag:s21] =	ssyncadd.s32 $0xFFFF0000  }
0x6c: {  	[tilespmem:s14], [sflag:$0x3] =	stream.indirect.gather [hbm4b:s4+s13], $0x80, s0, s13, $0xb8;
	[tilespmem:$0x10400] =	vst v63  }
0x6d: {  	s24 =	sor.u32 $0x80, s0  }
0x6e: {  	[tilespmem:s15], [sflag:$0x3] =	stream.indirect.gather [hbm4b:s4+s13], $0x80, s24, s13, $0xb8;
	[tilespmem:$0x10400] =	vst v63  }
0x6f: {  	s29 =	sor.u32 $0x100, s0  }
0x70: {  	[tilespmem:s17], [sflag:$0x3] =	stream.indirect.gather [hbm4b:s4+s13], $0x80, s29, s13, $0xb8;
	[tilespmem:$0x10400] =	vst v63  }
0x71: {  	s0 =	sor.u32 $0x180, s0  }
0x72: {  	[tilespmem:s19], [sflag:$0x3] =	stream.indirect.gather [hbm4b:s4+s13], $0x80, s0, s13, $0xb8;
	[tilespmem:$0x10400] =	vst v63  }
0x73: {  	_ =	swait.ge [sflag:s20], $0x4000  }
0x74: {  	[sflag:s20] =	ssyncset.done $0x0  }
0x75: {  	[sflag:s20] =	ssyncadd.s32 $0xFFFFC000  }
0x76: {  	_ =	swait.ge [sflag:s20], $0x4000  }
0x77: {  	[sflag:s20] =	ssyncset.done $0x0  }
0x78: {  	[sflag:s20] =	ssyncadd.s32 $0xFFFFC000  }
0x79: {  	_ =	swait.ge [sflag:s20], $0x4000  }
0x7a: {  	[sflag:s20] =	ssyncset.done $0x0  }
0x7b: {  	[sflag:s20] =	ssyncadd.s32 $0xFFFFC000  }
0x7c: {  	_ =	swait.ge [sflag:s20], $0x4000  }
0x7d: {  	[sflag:s20] =	ssyncset.done $0x0  }
0x7e: {  	[sflag:s20] =	ssyncadd.s32 $0xFFFFC000  }
0x7f: {  	[hbm4b:s28+s2] =	stream.linear.scatter [tilespmem:s14], [sflag:$0x4], $0x10000, $0x38;
	[tilespmem:$0x10400] =	vst v63  }
0x80: {  	_ =	swait.ge [sflag:s22], $0x200  }
0x81: {  	[sflag:s22] =	ssyncset.done $0x0  }
0x82: {  	[sflag:s22] =	ssyncadd.s32 $0xFFFFFE00  }
0x83: {  	_ =	swait.ge [sflag:s21], $0x10000  }
0x84: {  	[sflag:s21] =	ssyncset.done $0x0  }
0x85: {  	[sflag:s21] =	ssyncadd.s32 $0xFFFF0000  }
0x86: {  	[tilespmem:s14], [sflag:$0x3] =	stream.indirect.gather [hbm4b:s4+s13], $0x80, s12, s13, $0xb8;
	[tilespmem:$0x10400] =	vst v63  }
0x87: {  	s30 =	simm.s32 $0x280  }
0x88: {  	[tilespmem:s15], [sflag:$0x3] =	stream.indirect.gather [hbm4b:s4+s13], $0x80, s30, s13, $0xb8;
	[tilespmem:$0x10400] =	vst v63  }
0x89: {  	s31 =	simm.s32 $0x300  }
0x8a: {  	[tilespmem:s17], [sflag:$0x3] =	stream.indirect.gather [hbm4b:s4+s13], $0x80, s31, s13, $0xb8;
	[tilespmem:$0x10400] =	vst v63  }
0x8b: {  	_ = 	snop  }
0x8c: {  	[tilespmem:s19], [sflag:$0x3] =	stream.indirect.gather [hbm4b:s4+s13], $0x80, s25, s13, $0xb8;
	[tilespmem:$0x10400] =	vst v63  }
0x8d: {  	_ =	swait.ge [sflag:s20], $0x4000  }
0x8e: {  	[sflag:s20] =	ssyncset.done $0x0  }
0x8f: {  	[sflag:s20] =	ssyncadd.s32 $0xFFFFC000  }
0x90: {  	_ =	swait.ge [sflag:s20], $0x4000  }
0x91: {  	[sflag:s20] =	ssyncset.done $0x0  }
0x92: {  	[sflag:s20] =	ssyncadd.s32 $0xFFFFC000  }
0x93: {  	_ =	swait.ge [sflag:s20], $0x4000  }
0x94: {  	[sflag:s20] =	ssyncset.done $0x0  }
0x95: {  	[sflag:s20] =	ssyncadd.s32 $0xFFFFC000  }
0x96: {  	s26 =	sadd.s32 $0x1, s26;
	_ =	swait.ge [sflag:s20], $0x4000  }
0x97: {  	p0 =	sne.s32 s26, s6;
	[sflag:s20] =	ssyncset.done $0x0  }
.Ltmp1:
0x98: {  	[sflag:s20] =	ssyncadd.s32 $0xFFFFC000;
	(pc) =	sbr.rel @p0 .LBB2_1-.Ltmp1, $4  }
0x99: {  	[hbm4b:s9+s2] =	stream.linear.scatter [tilespmem:s14], [sflag:$0x4], $0x10000, $0x38;
	[tilespmem:$0x10400] =	vst v63  }
0x9a: {  	_ =	swait.ge [sflag:s21], $0x10000  }
0x9b: {  	[sflag:s21] =	ssyncset.done $0x0  }
0x9c: {  	[sflag:s21] =	ssyncadd.s32 $0xFFFF0000  }
0x9d: {  	_ =	sfence.sel $0x180000  }
0x9e: {  	[bflag:$0x0] =	sbarrier.arrive $0xFFFF  }
0x9f: {  	_ =	strace $0x9000004D  }
0xa0: {  	s0 =	stileid.u32;
	[bflag:$0x2] =	sbarrier.arrive $0xFFFF  }
0xa1: {  	p0 =	sne.s32 s0, $0x0;
	s0 =	rddreg [dreg:$0x1]  }
0xa2: {  	s0 =	sadd.s32 @!p0 $0x100000, s0  }
0xa3: {  	[sflag:s0] =	ssyncadd.tile.s32 @!p0 $0x1;
	_ =	shalt  }
.Lfunc_end2:
_tile_overlayer_lowered:
.L_overlay_start_2:
0xa4: {  	(tag) =	ssettag $0x2  }
0xa5: {  	s0 =	rddreg [dreg:$0x0];
	s2 =	stileid.u32  }
0xa6: {  	s1 =	rddreg [dreg:$0x1];
	p0 =	sne.s32 s2, $0x0  }
0xa7: {  	s3 =	rddreg [dreg:$0x2];
	[bflag:$0x3] =	sbarrier.arrive $0xFFFF;
	s2 =	simm.s32 @!p0 $0x1C05  }
0xa8: {  	[timem:s3], [sflag:s2] =	dma.local @!p0 [hbm:s0], s1  }
0xa9: {  	s0 =	simm.s32 @!p0 $0x5  }
0xaa: {  	_ =	swait.ge @!p0 [sflag:s0], s1  }
0xab: {  	s1 =	ssub.s32 @!p0 $0x0, s1;
	[sflag:s0] =	ssyncset.done @!p0 $0x0  }
0xac: {  	[sflag:s0] =	ssyncadd.s32 @!p0 s1  }
0xad: {  	[bflag:$0x3] =	sbarrier.arrive $0xFFFF  }
0xae: {  	_ =	shalt  }

// kernel: kernel.22.cloned.1.call-start
scs
__scs_entry_jumppad:
0x0: {  	(pc) =	sbr.rel $0x88, $3  }
0x1: {  	(tag) =	ssettag $0x0;
	lr =	simm.s32 $0x1  }
0x2: {  	[smem:$0x3F9D] =	sst lr;
	_ =	strace $0xD0000000  }
0x3: {  	_ = 	snop  }
0x4: {  	_ = 	snop  }
0x5: {  	_ = 	snop  }
0x6: {  	_ = 	snop  }
0x7: {  	_ = 	snop  }
__scs_overlays_trampoline_lowered:
0x8: {  	[smem:$0x3FAC] =	sst s0  }
0x9: {  	[smem:$0x3FAD] =	sst s1  }
0xa: {  	[smem:$0x3FAE] =	sst s2  }
0xb: {  	[smem:$0x3FAF] =	sst s3  }
0xc: {  	[smem:$0x3FB0] =	sst s4  }
0xd: {  	[smem:$0x3FB1] =	sst s5  }
0xe: {  	[smem:$0x3FB2] =	sst s6  }
0xf: {  	[smem:$0x3FB3] =	sst s7  }
0x10: {  	[smem:$0x3FB4] =	sst s8  }
0x11: {  	[smem:$0x3FB5] =	sst s9;
	s0 =	simm.s32 @!p0 $0x0  }
0x12: {  	s1 =	sld [smem:$0x3F9B];
	s0 =	simm.s32 @p0 $0x1  }
0x13: {  	[smem:$0x3FB6] =	sst s0;
	s0 =	simm.s32 @!p1 $0x0  }
0x14: {  	s2 =	sld [smem:$0x3F9A];
	s0 =	simm.s32 @p1 $0x1  }
0x15: {  	[smem:$0x3FB7] =	sst s0;
	s0 =	simm.s32 @!p2 $0x0  }
0x16: {  	s3 =	sld [smem:$0x3FDB];
	s0 =	simm.s32 @p2 $0x1  }
0x17: {  	s4 =	simm.s32 $0x1BF5;
	[smem:$0x3FB9] =	sst s0  }
0x18: {  	s0 =	sld [smem:$0x3F9C];
	_ =	swait.ge [sflag:s4], $0x0  }
0x19: {  	s7 =	sld [smem:$0x3F9D]  }
0x1a: {  	s8 =	sadd.s32 $0xFFFFE003, lr  }
0x1b: {  	s9 =	sadd.s32 $0xFFFFFEF7, lr;
	s5 =	simm.s32 $0xFFFFFFFF;
	p2 =	slt.u32 s8, $0xFFFFF086  }
0x1c: {  	p1 =	slt.u32 s9, $0xF7A;
	s5 =	simm.s32 @!p2 $0x0  }
0x1d: {  	s5 =	simm.s32 @p1 $0x1;
	p0 =	seq.s32 s7, s2  }
0x1e: {  	s7 =	smul.u32 @!p0 $0xF7A, s2;
	p2 =	seq.s32 @!p0 s5, $0x0  }
0x1f: {  	s9 =	smul.u32 $0xF7A, s1;
	s8 =	simm.s32 @!p0 $0x1BF5;
	p2 =	por !p2, p0  }
0x20: {  	[sflag:s8] =	ssyncset.s32 @!p0 $0xFFFFF086;
	s6 =	sadd.s32 @!p0 s3, s7;
	s7 =	simm.s32 @!p0 $0x108  }
0x21: {  	s3 =	sadd.s32 s3, s9;
	s6 =	sadd.s32 @!p0 $0x88, s6;
	s7 =	simm.s32 @p2 $0x1082  }
0x22: {  	[simem:s7], [sflag:s8] =	dma.local @!p0 [hbm:s6], $0xF7A  }
0x23: {  	s9 =	sor.u32 $0xD0000000, s2;
	s6 =	simm.s32 $0x108;
	_ =	swait.ge @!p0 [sflag:s8], $0x0  }
0x24: {  	s3 =	sadd.s32 $0x88, s3;
	s6 =	simm.s32 @!p1 $0x1082;
	[sflag:s4] =	ssyncset.s32 $0xFFFFF086  }
0x25: {  	[simem:s6], [sflag:s4] =	dma.local [hbm:s3], $0xF7A  }
0x26: {  	[smem:$0x3F9D] =	sst s1;
	(tag) =	ssettag s2;
	_ =	strace s9  }
0x27: {  	s1 =	sld [smem:$0x3FAD]  }
0x28: {  	s2 =	sld [smem:$0x3FAE]  }
0x29: {  	s4 =	sld [smem:$0x3FB0]  }
0x2a: {  	p0 =	seq.s32 s5, $0x0;
	s5 =	sld [smem:$0x3FB1]  }
0x2b: {  	s6 =	sld [smem:$0x3FB2]  }
0x2c: {  	s7 =	sld [smem:$0x3FB3]  }
0x2d: {  	s3 =	simm.s32 $0x108;
	s8 =	sld [smem:$0x3FB4]  }
0x2e: {  	s3 =	simm.s32 @!p0 $0x1082;
	s9 =	sld [smem:$0x3FB5]  }
0x2f: {  	lr =	sadd.s32 s0, s3;
	s0 =	sld [smem:$0x3FAC]  }
0x30: {  	s3 =	sld [smem:$0x3FAF]  }
0x31: {  	[smem:$0x3FB8] =	sst s10  }
0x32: {  	s10 =	sld [smem:$0x3FB6];
	_ =	sdelay $0x3  }
0x33: {  	p0 =	seq.s32 s10, $0x1;
	s10 =	sld [smem:$0x3FB8];
	_ =	sdelay $0x3  }
0x34: {  	[smem:$0x3FB8] =	sst s10  }
0x35: {  	s10 =	sld [smem:$0x3FB7];
	_ =	sdelay $0x3  }
0x36: {  	p1 =	seq.s32 s10, $0x1;
	s10 =	sld [smem:$0x3FB8];
	_ =	sdelay $0x3  }
0x37: {  	[smem:$0x3FB8] =	sst s10  }
0x38: {  	s10 =	sld [smem:$0x3FB9]  }
0x39: {  	_ = 	snop;
	(pc) =	sbr.ind lr, $3  }
0x3a: {  	_ = 	snop  }
0x3b: {  	_ = 	snop  }
0x3c: {  	p2 =	seq.s32 s10, $0x1;
	s10 =	sld [smem:$0x3FB8]  }
0x3d: {  	_ =	shalt  }
0x3e: {  	_ =	shalt  }
0x3f: {  	_ =	shalt  }
0x40: {  	_ =	shalt  }
0x41: {  	_ =	shalt  }
0x42: {  	_ =	shalt  }
0x43: {  	_ =	shalt  }
0x44: {  	_ =	shalt  }
0x45: {  	_ =	shalt  }
0x46: {  	_ =	shalt  }
0x47: {  	_ =	shalt  }
0x48: {  	_ =	shalt  }
0x49: {  	_ =	shalt  }
0x4a: {  	_ =	shalt  }
0x4b: {  	_ =	shalt  }
0x4c: {  	_ =	shalt  }
0x4d: {  	_ =	shalt  }
0x4e: {  	_ =	shalt  }
0x4f: {  	_ =	shalt  }
0x50: {  	_ =	shalt  }
0x51: {  	_ =	shalt  }
0x52: {  	_ =	shalt  }
0x53: {  	_ =	shalt  }
0x54: {  	_ =	shalt  }
0x55: {  	_ =	shalt  }
0x56: {  	_ =	shalt  }
0x57: {  	_ =	shalt  }
0x58: {  	_ =	shalt  }
0x59: {  	_ =	shalt  }
0x5a: {  	_ =	shalt  }
0x5b: {  	_ =	shalt  }
0x5c: {  	_ =	shalt  }
0x5d: {  	_ =	shalt  }
0x5e: {  	_ =	shalt  }
0x5f: {  	_ =	shalt  }
0x60: {  	_ =	shalt  }
0x61: {  	_ =	shalt  }
0x62: {  	_ =	shalt  }
0x63: {  	_ =	shalt  }
0x64: {  	_ =	shalt  }
0x65: {  	_ =	shalt  }
0x66: {  	_ =	shalt  }
0x67: {  	_ =	shalt  }
0x68: {  	_ =	shalt  }
0x69: {  	_ =	shalt  }
0x6a: {  	_ =	shalt  }
0x6b: {  	_ =	shalt  }
0x6c: {  	_ =	shalt  }
0x6d: {  	_ =	shalt  }
0x6e: {  	_ =	shalt  }
0x6f: {  	_ =	shalt  }
0x70: {  	_ =	shalt  }
0x71: {  	_ =	shalt  }
0x72: {  	_ =	shalt  }
0x73: {  	_ =	shalt  }
0x74: {  	_ =	shalt  }
0x75: {  	_ =	shalt  }
0x76: {  	_ =	shalt  }
0x77: {  	_ =	shalt  }
0x78: {  	_ =	shalt  }
0x79: {  	_ =	shalt  }
0x7a: {  	_ =	shalt  }
0x7b: {  	_ =	shalt  }
0x7c: {  	_ =	shalt  }
0x7d: {  	_ =	shalt  }
0x7e: {  	_ =	shalt  }
0x7f: {  	_ =	shalt  }
0x80: {  	_ =	shalt  }
0x81: {  	_ =	shalt  }
0x82: {  	_ =	shalt  }
0x83: {  	_ =	shalt  }
0x84: {  	_ =	shalt  }
0x85: {  	_ =	shalt  }
0x86: {  	_ =	shalt  }
0x87: {  	_ =	shalt  }
.Lfunc_end0:
.L_simem_size_0:
called_computation.3_lowered:
.L_overlay_start_0:
0x88: {  	s2 =	sld [smem:$0x3FD9]  }
0x89: {  	s3 =	sld [smem:$0x3FFE];
	_ =	sdelay $0x1  }
0x8a: {  	s1 =	srdreg.scid  }
0x8b: {  	s0 =	sand.u32 $0x1, s1  }
0x8c: {  	s17 =	sshll.u32 s0, $0xA;
	s2 =	sadd.s32 s3, s2  }
0x8d: {  	s2 =	sadd.s32 s2, s17  }
0x8e: {  	[smem:$0x3FC4] =	sst s2  }
0x8f: {  	_ = 	snop  }
0x90: {  	(tm) =	ssettm $0x1  }
0x91: {  	s18 =	sld [smem:$0x3FFB];
	_ =	sdelay $0x3  }
0x92: {  	_ =	strace s18  }
0x93: {  	s2 =	sld [smem:$0x3FFC];
	_ =	sdelay $0x3  }
0x94: {  	_ =	strace s2  }
0x95: {  	s2 =	sld [smem:$0x3FFD];
	_ =	sdelay $0x3  }
0x96: {  	_ =	strace s2  }
0x97: {  	_ =	strace $0x8FFFFFFF  }
0x98: {  	s19 =	sld [smem:$0x3FDB];
	_ =	sdelay $0x1  }
0x99: {  	s20 =	simm.s32 $_scs_section_size  }
0x9a: {  	s4 =	simm.s32 $_size__tile_overlayer_lowered;
	s5 =	simm.s32 $_tile_overlayer_lowered  }
0x9b: {  	s6 =	simm.s32 $0x1BFF;
	s21 =	sshll.u32 s5, $0x1;
	s3 =	sadd.s32 s20, s19  }
0x9c: {  	s22 =	simm.s32 $0x0;
	s4 =	sshll.u32 s4, $0x1;
	s5 =	sadd.s32 s21, s3  }
0x9d: {  	[timem:s22], [sflag:s6] =	dma.local [hbm:s5], s4  }
0x9e: {  	_ =	swait.ge [sflag:s6], s4  }
0x9f: {  	s4 =	ssub.s32 $0x0, s4;
	[sflag:s6] =	ssyncset.done $0x0  }
0xa0: {  	[sflag:s6] =	ssyncadd.s32 s4;
	_ =	sdelay $0x1  }
0xa1: {  	s23 =	simm.s32 $0x1B8B  }
0xa2: {  	_ =	swait.ge [sflag:s23], $0x1  }
0xa3: {  	[sflag:s23] =	ssyncset.done $0x0  }
0xa4: {  	[sflag:s23] =	ssyncadd.s32 $0xFFFFFFFF  }
0xa5: {  	s4 =	sld [smem:$0x0]  }
0xa6: {  	s5 =	sand.u32 $0xFFFFFFFE, s1  }
0xa7: {  	p0 =	sne.s32 s1, s5  }
0xa8: {  	s5 =	sshll.u32 @p0 s5, $0xE  }
0xa9: {  	s5 =	sadd.s32 @p0 $0x11B8D, s5;
	s6 =	sshll.u32 @p0 s4, $0x11  }
0xaa: {  	s5 =	sor.u32 @p0 s6, s5  }
0xab: {  	[sflag:s5] =	ssyncadd.remote.s32 @p0 $0x1;
	_ =	sdelay $0x1  }
0xac: {  	s5 =	simm.s32 @p0 $0x1B8D  }
0xad: {  	_ =	swait.eq @p0 [sflag:s5], $0x1  }
0xae: {  	[sflag:s5] =	ssyncadd.s32 @p0 $0xFFFFFFFF  }
0xaf: {  	s6 =	sshll.u32 @!p0 s1, $0xE  }
0xb0: {  	s6 =	sor.u32 @!p0 $0x4000, s6;
	s5 =	simm.s32 @!p0 $0x1B8D  }
0xb1: {  	s4 =	sshll.u32 @!p0 s4, $0x11;
	s6 =	sadd.s32 @!p0 $0x11B8D, s6;
	_ =	swait.eq @!p0 [sflag:s5], $0x1  }
0xb2: {  	s4 =	sor.u32 @!p0 s4, s6;
	[sflag:s5] =	ssyncadd.s32 @!p0 $0xFFFFFFFF  }
0xb3: {  	s25 =	simm.s32 $0x1B8E;
	s24 =	sld [smem:$0x3FFE];
	[sflag:s4] =	ssyncadd.remote.s32 @!p0 $0x1  }
0xb4: {  	s26 =	simm.s32 $execute0_lowered;
	[smem:$0x3FD2] =	sst s25  }
0xb5: {  	s5 =	sshll.u32 s26, $0x1;
	_ =	strace $0x8000004F;
	[dreg:$0x1] =	wrdreg $0xFFFFFFFF  }
0xb6: {  	s28 =	simm.s32 $_size_execute0_lowered;
	s3 =	sadd.s32 s3, s5;
	[dreg:$0x0] =	wrdreg $0x0  }
0xb7: {  	s5 =	sshll.u32 s28, $0x1;
	[dreg:$0x2] =	wrdreg s3  }
0xb8: {  	[dreg:$0x3] =	wrdreg s5  }
0xb9: {  	[dreg:$0x4] =	wrdreg $0xC0  }
0xba: {  	_ =	task [dreg:s22], $0x5FFFF  }
0xbb: {  	[dreg:$0x1] =	wrdreg $0xFFFFFFFF  }
0xbc: {  	[dreg:$0x0] =	wrdreg $0x60  }
0xbd: {  	[dreg:$0x2] =	wrdreg s24  }
0xbe: {  	[dreg:$0x3] =	wrdreg $0xC  }
0xbf: {  	_ =	task.clear_ibuf [dreg:s22], $0x4FFFF;
	_ =	strace $0x9000004F  }
0xc0: {  	s29 =	simm.s32 $0xC;
	_ =	strace $0x80000051  }
0xc1: {  	_ =	swait.ge [sflag:s29], $0x1  }
0xc2: {  	[sflag:s29] =	ssyncadd.s32 $0xFFFFFFFF  }
0xc3: {  	_ =	strace $0x90000051  }
0xc4: {  	_ =	sfence  }
0xc5: {  	s30 =	sld [smem:$0x0];
	_ =	sdelay $0x2  }
0xc6: {  	s31 =	sshll.u32 s1, $0xD;
	s1 =	sshrl.u32 s1, $0x2  }
0xc7: {  	s4 =	sand.u32 $0x4000, s31;
	s1 =	sadd.s32 s1, s30  }
0xc8: {  	s0 =	sor.u32 s4, s0;
	s1 =	sshll.u32 s1, $0x11  }
0xc9: {  	s0 =	sor.u32 s1, s0  }
0xca: {  	s0 =	sadd.s32 $0x8F2B, s0  }
0xcb: {  	[sflag:s0] =	ssyncadd.remote.s32 $0x1  }
0xcc: {  	_ =	sfence.sel $0xFFFF  }
0xcd: {  	[dreg:$0x0] =	wrdreg $0xFFFFFFFF;
	(pc) =	sbr.abs _section_cstart, $3  }
0xce: {  	[dreg:$0x1] =	wrdreg $0xFFFFFFFF  }
0xcf: {  	_ =	task.clear_ibuf [dreg:s22], $0x2FFFF;
	_ =	strace $0x9FFFFFFF  }
0xd0: {  	(tm) =	ssettm $0x7FFFFFFF  }
0xd1: {  	_ =	shalt  }
tec
execute0_lowered:
.L_overlay_start_1:
0x0: {  	(tag) =	ssettag $0x1  }
0x1: {  	s0 =	rddreg [dreg:$0x0]  }
0x2: {  	s1 =	srdreg.scid;
	s12 =	stileid.u32  }
0x3: {  	s2 =	simm.s32 $0x0;
	s13 =	simm.s32 $0x80;
	s14 =	simm.s32 $0x400  }
0x4: {  	s15 =	simm.s32 $0x4400;
	s17 =	simm.s32 $0x8400;
	s19 =	simm.s32 $0xC400  }
0x5: {  	s20 =	simm.s32 $0x3;
	s21 =	simm.s32 $0x4;
	s22 =	simm.s32 $0x2  }
0x6: {  	s25 =	simm.s32 $0x380;
	s26 =	simm.s32 $0x0;
	s1 =	sand.u32 $0x1, s1  }
0x7: {  	s3 =	sshll.u32 s12, $0x1;
	[smem:$0x7FF] =	sst s2;
	s7 =	smul.u32 $0x140000, s12  }
0x8: {  	s4 =	sadd.s32 $0x1A600, s0;
	s30 =	smul.u32 $0x500, s12;
	s12 =	simm.s32 $0x200  }
0x9: {  	s5 =	sor.u32 s1, s3;
	_ =	strace $0x80000050;
	s11 =	smul.u32 $0xA0000, s1  }
0xa: {  	s3 =	sadd.s32 $0x1600, s0;
	s28 =	ssub.s32 $0x2, s1;
	s1 =	smul.u32 $0x280, s1  }
0xb: {  	s0 =	sadd.s32 $0x16DCA00, s0;
	s6 =	smul.u32 $0x280, s5;
	s9 =	sshrl.u32 s28, $0x1  }
0xc: {  	s8 =	smul.u32 $0xA0000, s5;
	s29 =	ssub.s32 s28, s9;
	s11 =	sadd.s32 s11, s7  }
0xd: {  	s1 =	sadd.s32 s1, s30;
	s10 =	sadd.s32 s6, s3;
	s6 =	smax.u32 s29, $0x1  }
0xe: {  	s8 =	sshrl.u32 s8, $0x3;
	s31 =	sor.u32 $0x10000, s11;
	s5 =	sadd.s32 $0xF000, s10  }
0xf: {  	s7 =	sadd.s32 $0xF040, s10;
	s8 =	sadd.s32 s0, s8;
	s10 =	sshrl.u32 s31, $0x3  }
0x10: {  	s11 =	sadd.s32 $0xF080, s1;
	s9 =	sadd.s32 $0x12000, s8;
	s10 =	sadd.s32 s10, s0  }
.LBB2_1:
0x11: {  	[tilespmem:s2], [sflag:$0x1] =	stream.linear.gather [hbm4b:s5+s2], $0x200, $0x38;
	[tilespmem:$0x10400] =	vst v63  }
0x12: {  	s0 =	simm.s32 $0x1  }
0x13: {  	[tilespmem:s12], [sflag:$0x2] =	stream.linear.gather [hbm4b:s7+s2], $0x200, $0x38;
	[tilespmem:$0x10400] =	vst v63  }
0x14: {  	_ =	swait.ge [sflag:s0], $0x200  }
0x15: {  	[sflag:s0] =	ssyncset.done $0x0  }
0x16: {  	[sflag:s0] =	ssyncadd.s32 $0xFFFFFE00  }
0x17: {  	[tilespmem:s14], [sflag:$0x3] =	stream.indirect.gather [hbm4b:s4+s13], $0x80, s2, s13, $0xb8;
	[tilespmem:$0x10400] =	vst v63  }
0x18: {  	_ = 	snop  }
0x19: {  	[tilespmem:s15], [sflag:$0x3] =	stream.indirect.gather [hbm4b:s4+s13], $0x80, s13, s13, $0xb8;
	[tilespmem:$0x10400] =	vst v63  }
0x1a: {  	s1 =	simm.s32 $0x100  }
0x1b: {  	[tilespmem:s17], [sflag:$0x3] =	stream.indirect.gather [hbm4b:s4+s13], $0x80, s1, s13, $0xb8;
	[tilespmem:$0x10400] =	vst v63  }
0x1c: {  	s24 =	simm.s32 $0x180  }
0x1d: {  	[tilespmem:s19], [sflag:$0x3] =	stream.indirect.gather [hbm4b:s4+s13], $0x80, s24, s13, $0xb8;
	[tilespmem:$0x10400] =	vst v63  }
0x1e: {  	_ =	swait.ge [sflag:s20], $0x4000  }
0x1f: {  	[sflag:s20] =	ssyncset.done $0x0  }
0x20: {  	[sflag:s20] =	ssyncadd.s32 $0xFFFFC000  }
0x21: {  	_ =	swait.ge [sflag:s20], $0x4000  }
0x22: {  	[sflag:s20] =	ssyncset.done $0x0  }
0x23: {  	[sflag:s20] =	ssyncadd.s32 $0xFFFFC000  }
0x24: {  	_ =	swait.ge [sflag:s20], $0x4000  }
0x25: {  	[sflag:s20] =	ssyncset.done $0x0  }
0x26: {  	s16 =	simm.s32 $0x80;
	s28 =	sadd.s32 $0x0, s11;
	[sflag:s20] =	ssyncadd.s32 $0xFFFFC000  }
0x27: {  	s28 =	sand.u32 $0xFFFFF80, s28;
	s0 =	sand.u32 $0x1, s0;
	_ =	swait.ge [sflag:s20], $0x4000  }
0x28: {  	s29 =	sxor.u32 $0x1, s0;
	s1 =	sand.u32 $0x40, s16;
	[sflag:s20] =	ssyncset.done $0x0  }
0x29: {  	s30 =	sadd.s32 $0x1, s0;
	s1 =	sadd.s32 s3, s1;
	[sflag:s20] =	ssyncadd.s32 $0xFFFFC000  }
0x2a: {  	[hbm4b:s8+s2] =	stream.linear.scatter [tilespmem:s14], [sflag:$0x4], $0x10000, $0x38;
	[tilespmem:$0x10400] =	vst v63  }
0x2b: {  	s1 =	sadd.s32 s28, s1;
	s28 =	sshll.u32 s29, $0x9;
	s29 =	sadd.s32 $0x1, s29  }
0x2c: {  	[tilespmem:s28], [sflag:s29] =	stream.linear.gather [hbm4b:s1+s2], $0x200, $0x38;
	[tilespmem:$0x10400] =	vst v63  }
0x2d: {  	_ =	swait.ge [sflag:s30], $0x200  }
0x2e: {  	[sflag:s30] =	ssyncset.done $0x0  }
0x2f: {  	[sflag:s30] =	ssyncadd.s32 $0xFFFFFE00  }
0x30: {  	_ =	swait.ge [sflag:s21], $0x10000  }
0x31: {  	[sflag:s21] =	ssyncset.done $0x0  }
0x32: {  	s0 =	sshll.u32 s0, $0x9;
	[sflag:s21] =	ssyncadd.s32 $0xFFFF0000  }
0x33: {  	[tilespmem:s14], [sflag:$0x3] =	stream.indirect.gather [hbm4b:s4+s13], $0x80, s0, s13, $0xb8;
	[tilespmem:$0x10400] =	vst v63  }
0x34: {  	s18 =	sor.u32 $0x80, s0  }
0x35: {  	[tilespmem:s15], [sflag:$0x3] =	stream.indirect.gather [hbm4b:s4+s13], $0x80, s18, s13, $0xb8;
	[tilespmem:$0x10400] =	vst v63  }
0x36: {  	s23 =	sor.u32 $0x100, s0  }
0x37: {  	[tilespmem:s17], [sflag:$0x3] =	stream.indirect.gather [hbm4b:s4+s13], $0x80, s23, s13, $0xb8;
	[tilespmem:$0x10400] =	vst v63  }
0x38: {  	s0 =	sor.u32 $0x180, s0  }
0x39: {  	[tilespmem:s19], [sflag:$0x3] =	stream.indirect.gather [hbm4b:s4+s13], $0x80, s0, s13, $0xb8;
	[tilespmem:$0x10400] =	vst v63  }
0x3a: {  	_ =	swait.ge [sflag:s20], $0x4000  }
0x3b: {  	[sflag:s20] =	ssyncset.done $0x0  }
0x3c: {  	[sflag:s20] =	ssyncadd.s32 $0xFFFFC000  }
0x3d: {  	_ =	swait.ge [sflag:s20], $0x4000  }
0x3e: {  	[sflag:s20] =	ssyncset.done $0x0  }
0x3f: {  	s31 =	smov.u32 s10;
	[sflag:s20] =	ssyncadd.s32 $0xFFFFC000  }
0x40: {  	s24 =	simm.s32 $0xC0;
	s29 =	simm.s32 $0x3;
	_ =	swait.ge [sflag:s20], $0x4000  }
0x41: {  	s1 =	sand.u32 $0x40, s24;
	s28 =	sadd.s32 $0x2000, s10;
	[sflag:s20] =	ssyncset.done $0x0  }
0x42: {  	s30 =	simm.s32 $0x40;
	s0 =	simm.s32 $0x2;
	[sflag:s20] =	ssyncadd.s32 $0xFFFFC000  }
.LBB2_2:
0x43: {  	s16 =	sadd.s32 s30, s11  }
0x44: {  	s1 =	sadd.s32 s3, s1;
	_ =	swait.ge [sflag:s20], $0x4000;
	s18 =	smov.u32 s29  }
0x45: {  	s23 =	sand.u32 $0x1, s0;
	s0 =	sand.u32 $0xFFFFF80, s16;
	[sflag:s20] =	ssyncset.done $0x0  }
0x46: {  	s16 =	sxor.u32 $0x1, s23;
	s0 =	sadd.s32 s0, s1;
	[sflag:s20] =	ssyncadd.s32 $0xFFFFC000  }
0x47: {  	[hbm4b:s31+s2] =	stream.linear.scatter [tilespmem:s14], [sflag:$0x4], $0x10000, $0x38;
	[tilespmem:$0x10400] =	vst v63  }
0x48: {  	s24 =	sadd.s32 $0x1, s23;
	s1 =	sshll.u32 s16, $0x9;
	s16 =	sadd.s32 $0x1, s16  }
0x49: {  	[tilespmem:s1], [sflag:s16] =	stream.linear.gather [hbm4b:s0+s2], $0x200, $0x38;
	[tilespmem:$0x10400] =	vst v63  }
0x4a: {  	p0 =	sne.s32 s29, $0x8;
	s29 =	sadd.s32 $0x1, s29;
	_ =	swait.ge [sflag:s24], $0x200  }
0x4b: {  	s31 =	smov.u32 s28;
	s0 =	smov.u32 s18;
	[sflag:s24] =	ssyncset.done $0x0  }
0x4c: {  	[sflag:s24] =	ssyncadd.s32 $0xFFFFFE00  }
0x4d: {  	_ =	swait.ge [sflag:s21], $0x10000  }
0x4e: {  	[sflag:s21] =	ssyncset.done $0x0  }
0x4f: {  	s1 =	sshll.u32 s23, $0x9;
	[sflag:s21] =	ssyncadd.s32 $0xFFFF0000  }
0x50: {  	[tilespmem:s14], [sflag:$0x3] =	stream.indirect.gather [hbm4b:s4+s13], $0x80, s1, s13, $0xb8;
	[tilespmem:$0x10400] =	vst v63  }
0x51: {  	s16 =	sor.u32 $0x80, s1  }
0x52: {  	[tilespmem:s15], [sflag:$0x3] =	stream.indirect.gather [hbm4b:s4+s13], $0x80, s16, s13, $0xb8;
	[tilespmem:$0x10400] =	vst v63  }
0x53: {  	s16 =	sor.u32 $0x100, s1  }
0x54: {  	[tilespmem:s17], [sflag:$0x3] =	stream.indirect.gather [hbm4b:s4+s13], $0x80, s16, s13, $0xb8;
	[tilespmem:$0x10400] =	vst v63  }
0x55: {  	s1 =	sor.u32 $0x180, s1  }
0x56: {  	[tilespmem:s19], [sflag:$0x3] =	stream.indirect.gather [hbm4b:s4+s13], $0x80, s1, s13, $0xb8;
	[tilespmem:$0x10400] =	vst v63  }
0x57: {  	_ =	swait.ge [sflag:s20], $0x4000  }
0x58: {  	[sflag:s20] =	ssyncset.done $0x0  }
0x59: {  	[sflag:s20] =	ssyncadd.s32 $0xFFFFC000  }
0x5a: {  	_ =	swait.ge [sflag:s20], $0x4000  }
.Ltmp0:
0x5b: {  	[sflag:s20] =	ssyncset.done $0x0;
	(pc) =	sbr.rel @p0 .LBB2_2-.Ltmp0, $4  }
0x5c: {  	[sflag:s20] =	ssyncadd.s32 $0xFFFFC000  }
0x5d: {  	s30 =	sadd.s32 $0x40, s30;
	_ =	swait.ge [sflag:s20], $0x4000  }
0x5e: {  	s1 =	sadd.s32 $0x80, s30;
	[sflag:s20] =	ssyncset.done $0x0  }
0x5f: {  	s28 =	sadd.s32 $0x2000, s28;
	s1 =	sand.u32 $0x40, s1;
	[sflag:s20] =	ssyncadd.s32 $0xFFFFC000  }
0x60: {  	s16 =	sadd.s32 s30, s11;
	s1 =	sadd.s32 s3, s1;
	_ =	swait.ge [sflag:s20], $0x4000  }
0x61: {  	s0 =	sand.u32 $0x1, s0;
	s16 =	sand.u32 $0xFFFFF80, s16;
	[sflag:s20] =	ssyncset.done $0x0  }
0x62: {  	s18 =	sxor.u32 $0x1, s0;
	s23 =	sadd.s32 $0x1, s0;
	[sflag:s20] =	ssyncadd.s32 $0xFFFFC000  }
0x63: {  	[hbm4b:s31+s2] =	stream.linear.scatter [tilespmem:s14], [sflag:$0x4], $0x10000, $0x38;
	[tilespmem:$0x10400] =	vst v63  }
0x64: {  	s1 =	sadd.s32 s16, s1;
	s31 =	sshll.u32 s18, $0x9;
	s18 =	sadd.s32 $0x1, s18  }
0x65: {  	[tilespmem:s31], [sflag:s18] =	stream.linear.gather [hbm4b:s1+s2], $0x200, $0x38;
	[tilespmem:$0x10400] =	vst v63  }
0x66: {  	_ =	swait.ge [sflag:s23], $0x200  }
0x67: {  	[sflag:s23] =	ssyncset.done $0x0  }
0x68: {  	[sflag:s23] =	ssyncadd.s32 $0xFFFFFE00  }
0x69: {  	_ =	swait.ge [sflag:s21], $0x10000  }
0x6a: {  	[sflag:s21] =	ssyncset.done $0x0  }
0x6b: {  	s0 =	sshll.u32 s0, $0x9;
	[sflag:s21] =	ssyncadd.s32 $0xFFFF0000  }
0x6c: {  	[tilespmem:s14], [sflag:$0x3] =	stream.indirect.gather [hbm4b:s4+s13], $0x80, s0, s13, $0xb8;
	[tilespmem:$0x10400] =	vst v63  }
0x6d: {  	s24 =	sor.u32 $0x80, s0  }
0x6e: {  	[tilespmem:s15], [sflag:$0x3] =	stream.indirect.gather [hbm4b:s4+s13], $0x80, s24, s13, $0xb8;
	[tilespmem:$0x10400] =	vst v63  }
0x6f: {  	s29 =	sor.u32 $0x100, s0  }
0x70: {  	[tilespmem:s17], [sflag:$0x3] =	stream.indirect.gather [hbm4b:s4+s13], $0x80, s29, s13, $0xb8;
	[tilespmem:$0x10400] =	vst v63  }
0x71: {  	s0 =	sor.u32 $0x180, s0  }
0x72: {  	[tilespmem:s19], [sflag:$0x3] =	stream.indirect.gather [hbm4b:s4+s13], $0x80, s0, s13, $0xb8;
	[tilespmem:$0x10400] =	vst v63  }
0x73: {  	_ =	swait.ge [sflag:s20], $0x4000  }
0x74: {  	[sflag:s20] =	ssyncset.done $0x0  }
0x75: {  	[sflag:s20] =	ssyncadd.s32 $0xFFFFC000  }
0x76: {  	_ =	swait.ge [sflag:s20], $0x4000  }
0x77: {  	[sflag:s20] =	ssyncset.done $0x0  }
0x78: {  	[sflag:s20] =	ssyncadd.s32 $0xFFFFC000  }
0x79: {  	_ =	swait.ge [sflag:s20], $0x4000  }
0x7a: {  	[sflag:s20] =	ssyncset.done $0x0  }
0x7b: {  	[sflag:s20] =	ssyncadd.s32 $0xFFFFC000  }
0x7c: {  	_ =	swait.ge [sflag:s20], $0x4000  }
0x7d: {  	[sflag:s20] =	ssyncset.done $0x0  }
0x7e: {  	[sflag:s20] =	ssyncadd.s32 $0xFFFFC000  }
0x7f: {  	[hbm4b:s28+s2] =	stream.linear.scatter [tilespmem:s14], [sflag:$0x4], $0x10000, $0x38;
	[tilespmem:$0x10400] =	vst v63  }
0x80: {  	_ =	swait.ge [sflag:s22], $0x200  }
0x81: {  	[sflag:s22] =	ssyncset.done $0x0  }
0x82: {  	[sflag:s22] =	ssyncadd.s32 $0xFFFFFE00  }
0x83: {  	_ =	swait.ge [sflag:s21], $0x10000  }
0x84: {  	[sflag:s21] =	ssyncset.done $0x0  }
0x85: {  	[sflag:s21] =	ssyncadd.s32 $0xFFFF0000  }
0x86: {  	[tilespmem:s14], [sflag:$0x3] =	stream.indirect.gather [hbm4b:s4+s13], $0x80, s12, s13, $0xb8;
	[tilespmem:$0x10400] =	vst v63  }
0x87: {  	s30 =	simm.s32 $0x280  }
0x88: {  	[tilespmem:s15], [sflag:$0x3] =	stream.indirect.gather [hbm4b:s4+s13], $0x80, s30, s13, $0xb8;
	[tilespmem:$0x10400] =	vst v63  }
0x89: {  	s31 =	simm.s32 $0x300  }
0x8a: {  	[tilespmem:s17], [sflag:$0x3] =	stream.indirect.gather [hbm4b:s4+s13], $0x80, s31, s13, $0xb8;
	[tilespmem:$0x10400] =	vst v63  }
0x8b: {  	_ = 	snop  }
0x8c: {  	[tilespmem:s19], [sflag:$0x3] =	stream.indirect.gather [hbm4b:s4+s13], $0x80, s25, s13, $0xb8;
	[tilespmem:$0x10400] =	vst v63  }
0x8d: {  	_ =	swait.ge [sflag:s20], $0x4000  }
0x8e: {  	[sflag:s20] =	ssyncset.done $0x0  }
0x8f: {  	[sflag:s20] =	ssyncadd.s32 $0xFFFFC000  }
0x90: {  	_ =	swait.ge [sflag:s20], $0x4000  }
0x91: {  	[sflag:s20] =	ssyncset.done $0x0  }
0x92: {  	[sflag:s20] =	ssyncadd.s32 $0xFFFFC000  }
0x93: {  	_ =	swait.ge [sflag:s20], $0x4000  }
0x94: {  	[sflag:s20] =	ssyncset.done $0x0  }
0x95: {  	[sflag:s20] =	ssyncadd.s32 $0xFFFFC000  }
0x96: {  	s26 =	sadd.s32 $0x1, s26;
	_ =	swait.ge [sflag:s20], $0x4000  }
0x97: {  	p0 =	sne.s32 s26, s6;
	[sflag:s20] =	ssyncset.done $0x0  }
.Ltmp1:
0x98: {  	[sflag:s20] =	ssyncadd.s32 $0xFFFFC000;
	(pc) =	sbr.rel @p0 .LBB2_1-.Ltmp1, $4  }
0x99: {  	[hbm4b:s9+s2] =	stream.linear.scatter [tilespmem:s14], [sflag:$0x4], $0x10000, $0x38;
	[tilespmem:$0x10400] =	vst v63  }
0x9a: {  	_ =	swait.ge [sflag:s21], $0x10000  }
0x9b: {  	[sflag:s21] =	ssyncset.done $0x0  }
0x9c: {  	[sflag:s21] =	ssyncadd.s32 $0xFFFF0000  }
0x9d: {  	_ =	sfence.sel $0x180000  }
0x9e: {  	[bflag:$0x0] =	sbarrier.arrive $0xFFFF  }
0x9f: {  	_ =	strace $0x90000050  }
0xa0: {  	s0 =	stileid.u32;
	[bflag:$0x2] =	sbarrier.arrive $0xFFFF  }
0xa1: {  	p0 =	sne.s32 s0, $0x0;
	s0 =	rddreg [dreg:$0x1]  }
0xa2: {  	s0 =	sadd.s32 @!p0 $0x100000, s0  }
0xa3: {  	[sflag:s0] =	ssyncadd.tile.s32 @!p0 $0x1;
	_ =	shalt  }
.Lfunc_end2:
_tile_overlayer_lowered:
.L_overlay_start_2:
0xa4: {  	(tag) =	ssettag $0x2  }
0xa5: {  	s0 =	rddreg [dreg:$0x0];
	s2 =	stileid.u32  }
0xa6: {  	s1 =	rddreg [dreg:$0x1];
	p0 =	sne.s32 s2, $0x0  }
0xa7: {  	s3 =	rddreg [dreg:$0x2];
	[bflag:$0x3] =	sbarrier.arrive $0xFFFF;
	s2 =	simm.s32 @!p0 $0x1C05  }
0xa8: {  	[timem:s3], [sflag:s2] =	dma.local @!p0 [hbm:s0], s1  }
0xa9: {  	s0 =	simm.s32 @!p0 $0x5  }
0xaa: {  	_ =	swait.ge @!p0 [sflag:s0], s1  }
0xab: {  	s1 =	ssub.s32 @!p0 $0x0, s1;
	[sflag:s0] =	ssyncset.done @!p0 $0x0  }
0xac: {  	[sflag:s0] =	ssyncadd.s32 @!p0 s1  }
0xad: {  	[bflag:$0x3] =	sbarrier.arrive $0xFFFF  }
0xae: {  	_ =	shalt  }

// kernel: kernel.25.cloned.1.call-start
scs
__scs_entry_jumppad:
0x0: {  	(pc) =	sbr.rel $0x88, $3  }
0x1: {  	(tag) =	ssettag $0x0;
	lr =	simm.s32 $0x1  }
0x2: {  	[smem:$0x3F9D] =	sst lr;
	_ =	strace $0xD0000000  }
0x3: {  	_ = 	snop  }
0x4: {  	_ = 	snop  }
0x5: {  	_ = 	snop  }
0x6: {  	_ = 	snop  }
0x7: {  	_ = 	snop  }
__scs_overlays_trampoline_lowered:
0x8: {  	[smem:$0x3FAC] =	sst s0  }
0x9: {  	[smem:$0x3FAD] =	sst s1  }
0xa: {  	[smem:$0x3FAE] =	sst s2  }
0xb: {  	[smem:$0x3FAF] =	sst s3  }
0xc: {  	[smem:$0x3FB0] =	sst s4  }
0xd: {  	[smem:$0x3FB1] =	sst s5  }
0xe: {  	[smem:$0x3FB2] =	sst s6  }
0xf: {  	[smem:$0x3FB3] =	sst s7  }
0x10: {  	[smem:$0x3FB4] =	sst s8  }
0x11: {  	[smem:$0x3FB5] =	sst s9;
	s0 =	simm.s32 @!p0 $0x0  }
0x12: {  	s1 =	sld [smem:$0x3F9B];
	s0 =	simm.s32 @p0 $0x1  }
0x13: {  	[smem:$0x3FB6] =	sst s0;
	s0 =	simm.s32 @!p1 $0x0  }
0x14: {  	s2 =	sld [smem:$0x3F9A];
	s0 =	simm.s32 @p1 $0x1  }
0x15: {  	[smem:$0x3FB7] =	sst s0;
	s0 =	simm.s32 @!p2 $0x0  }
0x16: {  	s3 =	sld [smem:$0x3FDB];
	s0 =	simm.s32 @p2 $0x1  }
0x17: {  	s4 =	simm.s32 $0x1BF5;
	[smem:$0x3FB9] =	sst s0  }
0x18: {  	s0 =	sld [smem:$0x3F9C];
	_ =	swait.ge [sflag:s4], $0x0  }
0x19: {  	s7 =	sld [smem:$0x3F9D]  }
0x1a: {  	s8 =	sadd.s32 $0xFFFFE003, lr  }
0x1b: {  	s9 =	sadd.s32 $0xFFFFFEF7, lr;
	s5 =	simm.s32 $0xFFFFFFFF;
	p2 =	slt.u32 s8, $0xFFFFF086  }
0x1c: {  	p1 =	slt.u32 s9, $0xF7A;
	s5 =	simm.s32 @!p2 $0x0  }
0x1d: {  	s5 =	simm.s32 @p1 $0x1;
	p0 =	seq.s32 s7, s2  }
0x1e: {  	s7 =	smul.u32 @!p0 $0xF7A, s2;
	p2 =	seq.s32 @!p0 s5, $0x0  }
0x1f: {  	s9 =	smul.u32 $0xF7A, s1;
	s8 =	simm.s32 @!p0 $0x1BF5;
	p2 =	por !p2, p0  }
0x20: {  	[sflag:s8] =	ssyncset.s32 @!p0 $0xFFFFF086;
	s6 =	sadd.s32 @!p0 s3, s7;
	s7 =	simm.s32 @!p0 $0x108  }
0x21: {  	s3 =	sadd.s32 s3, s9;
	s6 =	sadd.s32 @!p0 $0x88, s6;
	s7 =	simm.s32 @p2 $0x1082  }
0x22: {  	[simem:s7], [sflag:s8] =	dma.local @!p0 [hbm:s6], $0xF7A  }
0x23: {  	s9 =	sor.u32 $0xD0000000, s2;
	s6 =	simm.s32 $0x108;
	_ =	swait.ge @!p0 [sflag:s8], $0x0  }
0x24: {  	s3 =	sadd.s32 $0x88, s3;
	s6 =	simm.s32 @!p1 $0x1082;
	[sflag:s4] =	ssyncset.s32 $0xFFFFF086  }
0x25: {  	[simem:s6], [sflag:s4] =	dma.local [hbm:s3], $0xF7A  }
0x26: {  	[smem:$0x3F9D] =	sst s1;
	(tag) =	ssettag s2;
	_ =	strace s9  }
0x27: {  	s1 =	sld [smem:$0x3FAD]  }
0x28: {  	s2 =	sld [smem:$0x3FAE]  }
0x29: {  	s4 =	sld [smem:$0x3FB0]  }
0x2a: {  	p0 =	seq.s32 s5, $0x0;
	s5 =	sld [smem:$0x3FB1]  }
0x2b: {  	s6 =	sld [smem:$0x3FB2]  }
0x2c: {  	s7 =	sld [smem:$0x3FB3]  }
0x2d: {  	s3 =	simm.s32 $0x108;
	s8 =	sld [smem:$0x3FB4]  }
0x2e: {  	s3 =	simm.s32 @!p0 $0x1082;
	s9 =	sld [smem:$0x3FB5]  }
0x2f: {  	lr =	sadd.s32 s0, s3;
	s0 =	sld [smem:$0x3FAC]  }
0x30: {  	s3 =	sld [smem:$0x3FAF]  }
0x31: {  	[smem:$0x3FB8] =	sst s10  }
0x32: {  	s10 =	sld [smem:$0x3FB6];
	_ =	sdelay $0x3  }
0x33: {  	p0 =	seq.s32 s10, $0x1;
	s10 =	sld [smem:$0x3FB8];
	_ =	sdelay $0x3  }
0x34: {  	[smem:$0x3FB8] =	sst s10  }
0x35: {  	s10 =	sld [smem:$0x3FB7];
	_ =	sdelay $0x3  }
0x36: {  	p1 =	seq.s32 s10, $0x1;
	s10 =	sld [smem:$0x3FB8];
	_ =	sdelay $0x3  }
0x37: {  	[smem:$0x3FB8] =	sst s10  }
0x38: {  	s10 =	sld [smem:$0x3FB9]  }
0x39: {  	_ = 	snop;
	(pc) =	sbr.ind lr, $3  }
0x3a: {  	_ = 	snop  }
0x3b: {  	_ = 	snop  }
0x3c: {  	p2 =	seq.s32 s10, $0x1;
	s10 =	sld [smem:$0x3FB8]  }
0x3d: {  	_ =	shalt  }
0x3e: {  	_ =	shalt  }
0x3f: {  	_ =	shalt  }
0x40: {  	_ =	shalt  }
0x41: {  	_ =	shalt  }
0x42: {  	_ =	shalt  }
0x43: {  	_ =	shalt  }
0x44: {  	_ =	shalt  }
0x45: {  	_ =	shalt  }
0x46: {  	_ =	shalt  }
0x47: {  	_ =	shalt  }
0x48: {  	_ =	shalt  }
0x49: {  	_ =	shalt  }
0x4a: {  	_ =	shalt  }
0x4b: {  	_ =	shalt  }
0x4c: {  	_ =	shalt  }
0x4d: {  	_ =	shalt  }
0x4e: {  	_ =	shalt  }
0x4f: {  	_ =	shalt  }
0x50: {  	_ =	shalt  }
0x51: {  	_ =	shalt  }
0x52: {  	_ =	shalt  }
0x53: {  	_ =	shalt  }
0x54: {  	_ =	shalt  }
0x55: {  	_ =	shalt  }
0x56: {  	_ =	shalt  }
0x57: {  	_ =	shalt  }
0x58: {  	_ =	shalt  }
0x59: {  	_ =	shalt  }
0x5a: {  	_ =	shalt  }
0x5b: {  	_ =	shalt  }
0x5c: {  	_ =	shalt  }
0x5d: {  	_ =	shalt  }
0x5e: {  	_ =	shalt  }
0x5f: {  	_ =	shalt  }
0x60: {  	_ =	shalt  }
0x61: {  	_ =	shalt  }
0x62: {  	_ =	shalt  }
0x63: {  	_ =	shalt  }
0x64: {  	_ =	shalt  }
0x65: {  	_ =	shalt  }
0x66: {  	_ =	shalt  }
0x67: {  	_ =	shalt  }
0x68: {  	_ =	shalt  }
0x69: {  	_ =	shalt  }
0x6a: {  	_ =	shalt  }
0x6b: {  	_ =	shalt  }
0x6c: {  	_ =	shalt  }
0x6d: {  	_ =	shalt  }
0x6e: {  	_ =	shalt  }
0x6f: {  	_ =	shalt  }
0x70: {  	_ =	shalt  }
0x71: {  	_ =	shalt  }
0x72: {  	_ =	shalt  }
0x73: {  	_ =	shalt  }
0x74: {  	_ =	shalt  }
0x75: {  	_ =	shalt  }
0x76: {  	_ =	shalt  }
0x77: {  	_ =	shalt  }
0x78: {  	_ =	shalt  }
0x79: {  	_ =	shalt  }
0x7a: {  	_ =	shalt  }
0x7b: {  	_ =	shalt  }
0x7c: {  	_ =	shalt  }
0x7d: {  	_ =	shalt  }
0x7e: {  	_ =	shalt  }
0x7f: {  	_ =	shalt  }
0x80: {  	_ =	shalt  }
0x81: {  	_ =	shalt  }
0x82: {  	_ =	shalt  }
0x83: {  	_ =	shalt  }
0x84: {  	_ =	shalt  }
0x85: {  	_ =	shalt  }
0x86: {  	_ =	shalt  }
0x87: {  	_ =	shalt  }
.Lfunc_end0:
.L_simem_size_0:
called_computation.4_lowered:
.L_overlay_start_0:
0x88: {  	s2 =	sld [smem:$0x3FD9]  }
0x89: {  	s3 =	sld [smem:$0x3FFE];
	_ =	sdelay $0x1  }
0x8a: {  	s1 =	srdreg.scid  }
0x8b: {  	s0 =	sand.u32 $0x1, s1  }
0x8c: {  	s17 =	sshll.u32 s0, $0xA;
	s2 =	sadd.s32 s3, s2  }
0x8d: {  	s2 =	sadd.s32 s2, s17  }
0x8e: {  	[smem:$0x3FC4] =	sst s2  }
0x8f: {  	_ = 	snop  }
0x90: {  	(tm) =	ssettm $0x1  }
0x91: {  	s18 =	sld [smem:$0x3FFB];
	_ =	sdelay $0x3  }
0x92: {  	_ =	strace s18  }
0x93: {  	s2 =	sld [smem:$0x3FFC];
	_ =	sdelay $0x3  }
0x94: {  	_ =	strace s2  }
0x95: {  	s2 =	sld [smem:$0x3FFD];
	_ =	sdelay $0x3  }
0x96: {  	_ =	strace s2  }
0x97: {  	_ =	strace $0x8FFFFFFF  }
0x98: {  	s19 =	sld [smem:$0x3FDB];
	_ =	sdelay $0x1  }
0x99: {  	s20 =	simm.s32 $_scs_section_size  }
0x9a: {  	s4 =	simm.s32 $_size__tile_overlayer_lowered;
	s5 =	simm.s32 $_tile_overlayer_lowered  }
0x9b: {  	s6 =	simm.s32 $0x1BFF;
	s21 =	sshll.u32 s5, $0x1;
	s3 =	sadd.s32 s20, s19  }
0x9c: {  	s22 =	simm.s32 $0x0;
	s4 =	sshll.u32 s4, $0x1;
	s5 =	sadd.s32 s21, s3  }
0x9d: {  	[timem:s22], [sflag:s6] =	dma.local [hbm:s5], s4  }
0x9e: {  	_ =	swait.ge [sflag:s6], s4  }
0x9f: {  	s4 =	ssub.s32 $0x0, s4;
	[sflag:s6] =	ssyncset.done $0x0  }
0xa0: {  	[sflag:s6] =	ssyncadd.s32 s4;
	_ =	sdelay $0x1  }
0xa1: {  	s23 =	simm.s32 $0x1B8B  }
0xa2: {  	_ =	swait.ge [sflag:s23], $0x1  }
0xa3: {  	[sflag:s23] =	ssyncset.done $0x0  }
0xa4: {  	[sflag:s23] =	ssyncadd.s32 $0xFFFFFFFF  }
0xa5: {  	s4 =	sld [smem:$0x0]  }
0xa6: {  	s5 =	sand.u32 $0xFFFFFFFE, s1  }
0xa7: {  	p0 =	sne.s32 s1, s5  }
0xa8: {  	s5 =	sshll.u32 @p0 s5, $0xE  }
0xa9: {  	s5 =	sadd.s32 @p0 $0x11B8D, s5;
	s6 =	sshll.u32 @p0 s4, $0x11  }
0xaa: {  	s5 =	sor.u32 @p0 s6, s5  }
0xab: {  	[sflag:s5] =	ssyncadd.remote.s32 @p0 $0x1;
	_ =	sdelay $0x1  }
0xac: {  	s5 =	simm.s32 @p0 $0x1B8D  }
0xad: {  	_ =	swait.eq @p0 [sflag:s5], $0x1  }
0xae: {  	[sflag:s5] =	ssyncadd.s32 @p0 $0xFFFFFFFF  }
0xaf: {  	s6 =	sshll.u32 @!p0 s1, $0xE  }
0xb0: {  	s6 =	sor.u32 @!p0 $0x4000, s6;
	s5 =	simm.s32 @!p0 $0x1B8D  }
0xb1: {  	s4 =	sshll.u32 @!p0 s4, $0x11;
	s6 =	sadd.s32 @!p0 $0x11B8D, s6;
	_ =	swait.eq @!p0 [sflag:s5], $0x1  }
0xb2: {  	s4 =	sor.u32 @!p0 s4, s6;
	[sflag:s5] =	ssyncadd.s32 @!p0 $0xFFFFFFFF  }
0xb3: {  	s25 =	simm.s32 $0x1B8E;
	s24 =	sld [smem:$0x3FFE];
	[sflag:s4] =	ssyncadd.remote.s32 @!p0 $0x1  }
0xb4: {  	s26 =	simm.s32 $execute0_lowered;
	[smem:$0x3FD2] =	sst s25  }
0xb5: {  	s5 =	sshll.u32 s26, $0x1;
	_ =	strace $0x80000052;
	[dreg:$0x1] =	wrdreg $0xFFFFFFFF  }
0xb6: {  	s28 =	simm.s32 $_size_execute0_lowered;
	s3 =	sadd.s32 s3, s5;
	[dreg:$0x0] =	wrdreg $0x0  }
0xb7: {  	s5 =	sshll.u32 s28, $0x1;
	[dreg:$0x2] =	wrdreg s3  }
0xb8: {  	[dreg:$0x3] =	wrdreg s5  }
0xb9: {  	[dreg:$0x4] =	wrdreg $0xC0  }
0xba: {  	_ =	task [dreg:s22], $0x5FFFF  }
0xbb: {  	[dreg:$0x1] =	wrdreg $0xFFFFFFFF  }
0xbc: {  	[dreg:$0x0] =	wrdreg $0x60  }
0xbd: {  	[dreg:$0x2] =	wrdreg s24  }
0xbe: {  	[dreg:$0x3] =	wrdreg $0xD  }
0xbf: {  	_ =	task.clear_ibuf [dreg:s22], $0x4FFFF;
	_ =	strace $0x90000052  }
0xc0: {  	s29 =	simm.s32 $0xD;
	_ =	strace $0x80000054  }
0xc1: {  	_ =	swait.ge [sflag:s29], $0x1  }
0xc2: {  	[sflag:s29] =	ssyncadd.s32 $0xFFFFFFFF  }
0xc3: {  	_ =	strace $0x90000054  }
0xc4: {  	_ =	sfence  }
0xc5: {  	s30 =	sld [smem:$0x0];
	_ =	sdelay $0x2  }
0xc6: {  	s31 =	sshll.u32 s1, $0xD;
	s1 =	sshrl.u32 s1, $0x2  }
0xc7: {  	s4 =	sand.u32 $0x4000, s31;
	s1 =	sadd.s32 s1, s30  }
0xc8: {  	s0 =	sor.u32 s4, s0;
	s1 =	sshll.u32 s1, $0x11  }
0xc9: {  	s0 =	sor.u32 s1, s0  }
0xca: {  	s0 =	sadd.s32 $0x8F2B, s0  }
0xcb: {  	[sflag:s0] =	ssyncadd.remote.s32 $0x1  }
0xcc: {  	_ =	sfence.sel $0xFFFF  }
0xcd: {  	[dreg:$0x0] =	wrdreg $0xFFFFFFFF;
	(pc) =	sbr.abs _section_cstart, $3  }
0xce: {  	[dreg:$0x1] =	wrdreg $0xFFFFFFFF  }
0xcf: {  	_ =	task.clear_ibuf [dreg:s22], $0x2FFFF;
	_ =	strace $0x9FFFFFFF  }
0xd0: {  	(tm) =	ssettm $0x7FFFFFFF  }
0xd1: {  	_ =	shalt  }
tec
execute0_lowered:
.L_overlay_start_1:
0x0: {  	(tag) =	ssettag $0x1  }
0x1: {  	s0 =	rddreg [dreg:$0x0]  }
0x2: {  	s1 =	srdreg.scid;
	s12 =	stileid.u32  }
0x3: {  	s2 =	simm.s32 $0x0;
	s13 =	simm.s32 $0x80;
	s14 =	simm.s32 $0x400  }
0x4: {  	s15 =	simm.s32 $0x4400;
	s17 =	simm.s32 $0x8400;
	s19 =	simm.s32 $0xC400  }
0x5: {  	s20 =	simm.s32 $0x3;
	s21 =	simm.s32 $0x4;
	s22 =	simm.s32 $0x2  }
0x6: {  	s25 =	simm.s32 $0x380;
	s26 =	simm.s32 $0x0;
	s1 =	sand.u32 $0x1, s1  }
0x7: {  	s3 =	sshll.u32 s12, $0x1;
	[smem:$0x7FF] =	sst s2;
	s7 =	smul.u32 $0x140000, s12  }
0x8: {  	s4 =	sadd.s32 $0x1A600, s0;
	s30 =	smul.u32 $0x500, s12;
	s12 =	simm.s32 $0x200  }
0x9: {  	s5 =	sor.u32 s1, s3;
	_ =	strace $0x80000053;
	s11 =	smul.u32 $0xA0000, s1  }
0xa: {  	s3 =	sadd.s32 $0x1600, s0;
	s28 =	ssub.s32 $0x2, s1;
	s1 =	smul.u32 $0x280, s1  }
0xb: {  	s0 =	sadd.s32 $0x195CA00, s0;
	s6 =	smul.u32 $0x280, s5;
	s9 =	sshrl.u32 s28, $0x1  }
0xc: {  	s8 =	smul.u32 $0xA0000, s5;
	s29 =	ssub.s32 s28, s9;
	s11 =	sadd.s32 s11, s7  }
0xd: {  	s1 =	sadd.s32 s1, s30;
	s10 =	sadd.s32 s6, s3;
	s6 =	smax.u32 s29, $0x1  }
0xe: {  	s8 =	sshrl.u32 s8, $0x3;
	s31 =	sor.u32 $0x10000, s11;
	s5 =	sadd.s32 $0x14000, s10  }
0xf: {  	s7 =	sadd.s32 $0x14040, s10;
	s8 =	sadd.s32 s0, s8;
	s10 =	sshrl.u32 s31, $0x3  }
0x10: {  	s11 =	sadd.s32 $0x14080, s1;
	s9 =	sadd.s32 $0x12000, s8;
	s10 =	sadd.s32 s10, s0  }
.LBB2_1:
0x11: {  	[tilespmem:s2], [sflag:$0x1] =	stream.linear.gather [hbm4b:s5+s2], $0x200, $0x38;
	[tilespmem:$0x10400] =	vst v63  }
0x12: {  	s0 =	simm.s32 $0x1  }
0x13: {  	[tilespmem:s12], [sflag:$0x2] =	stream.linear.gather [hbm4b:s7+s2], $0x200, $0x38;
	[tilespmem:$0x10400] =	vst v63  }
0x14: {  	_ =	swait.ge [sflag:s0], $0x200  }
0x15: {  	[sflag:s0] =	ssyncset.done $0x0  }
0x16: {  	[sflag:s0] =	ssyncadd.s32 $0xFFFFFE00  }
0x17: {  	[tilespmem:s14], [sflag:$0x3] =	stream.indirect.gather [hbm4b:s4+s13], $0x80, s2, s13, $0xb8;
	[tilespmem:$0x10400] =	vst v63  }
0x18: {  	_ = 	snop  }
0x19: {  	[tilespmem:s15], [sflag:$0x3] =	stream.indirect.gather [hbm4b:s4+s13], $0x80, s13, s13, $0xb8;
	[tilespmem:$0x10400] =	vst v63  }
0x1a: {  	s1 =	simm.s32 $0x100  }
0x1b: {  	[tilespmem:s17], [sflag:$0x3] =	stream.indirect.gather [hbm4b:s4+s13], $0x80, s1, s13, $0xb8;
	[tilespmem:$0x10400] =	vst v63  }
0x1c: {  	s24 =	simm.s32 $0x180  }
0x1d: {  	[tilespmem:s19], [sflag:$0x3] =	stream.indirect.gather [hbm4b:s4+s13], $0x80, s24, s13, $0xb8;
	[tilespmem:$0x10400] =	vst v63  }
0x1e: {  	_ =	swait.ge [sflag:s20], $0x4000  }
0x1f: {  	[sflag:s20] =	ssyncset.done $0x0  }
0x20: {  	[sflag:s20] =	ssyncadd.s32 $0xFFFFC000  }
0x21: {  	_ =	swait.ge [sflag:s20], $0x4000  }
0x22: {  	[sflag:s20] =	ssyncset.done $0x0  }
0x23: {  	[sflag:s20] =	ssyncadd.s32 $0xFFFFC000  }
0x24: {  	_ =	swait.ge [sflag:s20], $0x4000  }
0x25: {  	[sflag:s20] =	ssyncset.done $0x0  }
0x26: {  	s16 =	simm.s32 $0x80;
	s28 =	sadd.s32 $0x0, s11;
	[sflag:s20] =	ssyncadd.s32 $0xFFFFC000  }
0x27: {  	s28 =	sand.u32 $0xFFFFF80, s28;
	s0 =	sand.u32 $0x1, s0;
	_ =	swait.ge [sflag:s20], $0x4000  }
0x28: {  	s29 =	sxor.u32 $0x1, s0;
	s1 =	sand.u32 $0x40, s16;
	[sflag:s20] =	ssyncset.done $0x0  }
0x29: {  	s30 =	sadd.s32 $0x1, s0;
	s1 =	sadd.s32 s3, s1;
	[sflag:s20] =	ssyncadd.s32 $0xFFFFC000  }
0x2a: {  	[hbm4b:s8+s2] =	stream.linear.scatter [tilespmem:s14], [sflag:$0x4], $0x10000, $0x38;
	[tilespmem:$0x10400] =	vst v63  }
0x2b: {  	s1 =	sadd.s32 s28, s1;
	s28 =	sshll.u32 s29, $0x9;
	s29 =	sadd.s32 $0x1, s29  }
0x2c: {  	[tilespmem:s28], [sflag:s29] =	stream.linear.gather [hbm4b:s1+s2], $0x200, $0x38;
	[tilespmem:$0x10400] =	vst v63  }
0x2d: {  	_ =	swait.ge [sflag:s30], $0x200  }
0x2e: {  	[sflag:s30] =	ssyncset.done $0x0  }
0x2f: {  	[sflag:s30] =	ssyncadd.s32 $0xFFFFFE00  }
0x30: {  	_ =	swait.ge [sflag:s21], $0x10000  }
0x31: {  	[sflag:s21] =	ssyncset.done $0x0  }
0x32: {  	s0 =	sshll.u32 s0, $0x9;
	[sflag:s21] =	ssyncadd.s32 $0xFFFF0000  }
0x33: {  	[tilespmem:s14], [sflag:$0x3] =	stream.indirect.gather [hbm4b:s4+s13], $0x80, s0, s13, $0xb8;
	[tilespmem:$0x10400] =	vst v63  }
0x34: {  	s18 =	sor.u32 $0x80, s0  }
0x35: {  	[tilespmem:s15], [sflag:$0x3] =	stream.indirect.gather [hbm4b:s4+s13], $0x80, s18, s13, $0xb8;
	[tilespmem:$0x10400] =	vst v63  }
0x36: {  	s23 =	sor.u32 $0x100, s0  }
0x37: {  	[tilespmem:s17], [sflag:$0x3] =	stream.indirect.gather [hbm4b:s4+s13], $0x80, s23, s13, $0xb8;
	[tilespmem:$0x10400] =	vst v63  }
0x38: {  	s0 =	sor.u32 $0x180, s0  }
0x39: {  	[tilespmem:s19], [sflag:$0x3] =	stream.indirect.gather [hbm4b:s4+s13], $0x80, s0, s13, $0xb8;
	[tilespmem:$0x10400] =	vst v63  }
0x3a: {  	_ =	swait.ge [sflag:s20], $0x4000  }
0x3b: {  	[sflag:s20] =	ssyncset.done $0x0  }
0x3c: {  	[sflag:s20] =	ssyncadd.s32 $0xFFFFC000  }
0x3d: {  	_ =	swait.ge [sflag:s20], $0x4000  }
0x3e: {  	[sflag:s20] =	ssyncset.done $0x0  }
0x3f: {  	s31 =	smov.u32 s10;
	[sflag:s20] =	ssyncadd.s32 $0xFFFFC000  }
0x40: {  	s24 =	simm.s32 $0xC0;
	s29 =	simm.s32 $0x3;
	_ =	swait.ge [sflag:s20], $0x4000  }
0x41: {  	s1 =	sand.u32 $0x40, s24;
	s28 =	sadd.s32 $0x2000, s10;
	[sflag:s20] =	ssyncset.done $0x0  }
0x42: {  	s30 =	simm.s32 $0x40;
	s0 =	simm.s32 $0x2;
	[sflag:s20] =	ssyncadd.s32 $0xFFFFC000  }
.LBB2_2:
0x43: {  	s16 =	sadd.s32 s30, s11  }
0x44: {  	s1 =	sadd.s32 s3, s1;
	_ =	swait.ge [sflag:s20], $0x4000;
	s18 =	smov.u32 s29  }
0x45: {  	s23 =	sand.u32 $0x1, s0;
	s0 =	sand.u32 $0xFFFFF80, s16;
	[sflag:s20] =	ssyncset.done $0x0  }
0x46: {  	s16 =	sxor.u32 $0x1, s23;
	s0 =	sadd.s32 s0, s1;
	[sflag:s20] =	ssyncadd.s32 $0xFFFFC000  }
0x47: {  	[hbm4b:s31+s2] =	stream.linear.scatter [tilespmem:s14], [sflag:$0x4], $0x10000, $0x38;
	[tilespmem:$0x10400] =	vst v63  }
0x48: {  	s24 =	sadd.s32 $0x1, s23;
	s1 =	sshll.u32 s16, $0x9;
	s16 =	sadd.s32 $0x1, s16  }
0x49: {  	[tilespmem:s1], [sflag:s16] =	stream.linear.gather [hbm4b:s0+s2], $0x200, $0x38;
	[tilespmem:$0x10400] =	vst v63  }
0x4a: {  	p0 =	sne.s32 s29, $0x8;
	s29 =	sadd.s32 $0x1, s29;
	_ =	swait.ge [sflag:s24], $0x200  }
0x4b: {  	s31 =	smov.u32 s28;
	s0 =	smov.u32 s18;
	[sflag:s24] =	ssyncset.done $0x0  }
0x4c: {  	[sflag:s24] =	ssyncadd.s32 $0xFFFFFE00  }
0x4d: {  	_ =	swait.ge [sflag:s21], $0x10000  }
0x4e: {  	[sflag:s21] =	ssyncset.done $0x0  }
0x4f: {  	s1 =	sshll.u32 s23, $0x9;
	[sflag:s21] =	ssyncadd.s32 $0xFFFF0000  }
0x50: {  	[tilespmem:s14], [sflag:$0x3] =	stream.indirect.gather [hbm4b:s4+s13], $0x80, s1, s13, $0xb8;
	[tilespmem:$0x10400] =	vst v63  }
0x51: {  	s16 =	sor.u32 $0x80, s1  }
0x52: {  	[tilespmem:s15], [sflag:$0x3] =	stream.indirect.gather [hbm4b:s4+s13], $0x80, s16, s13, $0xb8;
	[tilespmem:$0x10400] =	vst v63  }
0x53: {  	s16 =	sor.u32 $0x100, s1  }
0x54: {  	[tilespmem:s17], [sflag:$0x3] =	stream.indirect.gather [hbm4b:s4+s13], $0x80, s16, s13, $0xb8;
	[tilespmem:$0x10400] =	vst v63  }
0x55: {  	s1 =	sor.u32 $0x180, s1  }
0x56: {  	[tilespmem:s19], [sflag:$0x3] =	stream.indirect.gather [hbm4b:s4+s13], $0x80, s1, s13, $0xb8;
	[tilespmem:$0x10400] =	vst v63  }
0x57: {  	_ =	swait.ge [sflag:s20], $0x4000  }
0x58: {  	[sflag:s20] =	ssyncset.done $0x0  }
0x59: {  	[sflag:s20] =	ssyncadd.s32 $0xFFFFC000  }
0x5a: {  	_ =	swait.ge [sflag:s20], $0x4000  }
.Ltmp0:
0x5b: {  	[sflag:s20] =	ssyncset.done $0x0;
	(pc) =	sbr.rel @p0 .LBB2_2-.Ltmp0, $4  }
0x5c: {  	[sflag:s20] =	ssyncadd.s32 $0xFFFFC000  }
0x5d: {  	s30 =	sadd.s32 $0x40, s30;
	_ =	swait.ge [sflag:s20], $0x4000  }
0x5e: {  	s1 =	sadd.s32 $0x80, s30;
	[sflag:s20] =	ssyncset.done $0x0  }
0x5f: {  	s28 =	sadd.s32 $0x2000, s28;
	s1 =	sand.u32 $0x40, s1;
	[sflag:s20] =	ssyncadd.s32 $0xFFFFC000  }
0x60: {  	s16 =	sadd.s32 s30, s11;
	s1 =	sadd.s32 s3, s1;
	_ =	swait.ge [sflag:s20], $0x4000  }
0x61: {  	s0 =	sand.u32 $0x1, s0;
	s16 =	sand.u32 $0xFFFFF80, s16;
	[sflag:s20] =	ssyncset.done $0x0  }
0x62: {  	s18 =	sxor.u32 $0x1, s0;
	s23 =	sadd.s32 $0x1, s0;
	[sflag:s20] =	ssyncadd.s32 $0xFFFFC000  }
0x63: {  	[hbm4b:s31+s2] =	stream.linear.scatter [tilespmem:s14], [sflag:$0x4], $0x10000, $0x38;
	[tilespmem:$0x10400] =	vst v63  }
0x64: {  	s1 =	sadd.s32 s16, s1;
	s31 =	sshll.u32 s18, $0x9;
	s18 =	sadd.s32 $0x1, s18  }
0x65: {  	[tilespmem:s31], [sflag:s18] =	stream.linear.gather [hbm4b:s1+s2], $0x200, $0x38;
	[tilespmem:$0x10400] =	vst v63  }
0x66: {  	_ =	swait.ge [sflag:s23], $0x200  }
0x67: {  	[sflag:s23] =	ssyncset.done $0x0  }
0x68: {  	[sflag:s23] =	ssyncadd.s32 $0xFFFFFE00  }
0x69: {  	_ =	swait.ge [sflag:s21], $0x10000  }
0x6a: {  	[sflag:s21] =	ssyncset.done $0x0  }
0x6b: {  	s0 =	sshll.u32 s0, $0x9;
	[sflag:s21] =	ssyncadd.s32 $0xFFFF0000  }
0x6c: {  	[tilespmem:s14], [sflag:$0x3] =	stream.indirect.gather [hbm4b:s4+s13], $0x80, s0, s13, $0xb8;
	[tilespmem:$0x10400] =	vst v63  }
0x6d: {  	s24 =	sor.u32 $0x80, s0  }
0x6e: {  	[tilespmem:s15], [sflag:$0x3] =	stream.indirect.gather [hbm4b:s4+s13], $0x80, s24, s13, $0xb8;
	[tilespmem:$0x10400] =	vst v63  }
0x6f: {  	s29 =	sor.u32 $0x100, s0  }
0x70: {  	[tilespmem:s17], [sflag:$0x3] =	stream.indirect.gather [hbm4b:s4+s13], $0x80, s29, s13, $0xb8;
	[tilespmem:$0x10400] =	vst v63  }
0x71: {  	s0 =	sor.u32 $0x180, s0  }
0x72: {  	[tilespmem:s19], [sflag:$0x3] =	stream.indirect.gather [hbm4b:s4+s13], $0x80, s0, s13, $0xb8;
	[tilespmem:$0x10400] =	vst v63  }
0x73: {  	_ =	swait.ge [sflag:s20], $0x4000  }
0x74: {  	[sflag:s20] =	ssyncset.done $0x0  }
0x75: {  	[sflag:s20] =	ssyncadd.s32 $0xFFFFC000  }
0x76: {  	_ =	swait.ge [sflag:s20], $0x4000  }
0x77: {  	[sflag:s20] =	ssyncset.done $0x0  }
0x78: {  	[sflag:s20] =	ssyncadd.s32 $0xFFFFC000  }
0x79: {  	_ =	swait.ge [sflag:s20], $0x4000  }
0x7a: {  	[sflag:s20] =	ssyncset.done $0x0  }
0x7b: {  	[sflag:s20] =	ssyncadd.s32 $0xFFFFC000  }
0x7c: {  	_ =	swait.ge [sflag:s20], $0x4000  }
0x7d: {  	[sflag:s20] =	ssyncset.done $0x0  }
0x7e: {  	[sflag:s20] =	ssyncadd.s32 $0xFFFFC000  }
0x7f: {  	[hbm4b:s28+s2] =	stream.linear.scatter [tilespmem:s14], [sflag:$0x4], $0x10000, $0x38;
	[tilespmem:$0x10400] =	vst v63  }
0x80: {  	_ =	swait.ge [sflag:s22], $0x200  }
0x81: {  	[sflag:s22] =	ssyncset.done $0x0  }
0x82: {  	[sflag:s22] =	ssyncadd.s32 $0xFFFFFE00  }
0x83: {  	_ =	swait.ge [sflag:s21], $0x10000  }
0x84: {  	[sflag:s21] =	ssyncset.done $0x0  }
0x85: {  	[sflag:s21] =	ssyncadd.s32 $0xFFFF0000  }
0x86: {  	[tilespmem:s14], [sflag:$0x3] =	stream.indirect.gather [hbm4b:s4+s13], $0x80, s12, s13, $0xb8;
	[tilespmem:$0x10400] =	vst v63  }
0x87: {  	s30 =	simm.s32 $0x280  }
0x88: {  	[tilespmem:s15], [sflag:$0x3] =	stream.indirect.gather [hbm4b:s4+s13], $0x80, s30, s13, $0xb8;
	[tilespmem:$0x10400] =	vst v63  }
0x89: {  	s31 =	simm.s32 $0x300  }
0x8a: {  	[tilespmem:s17], [sflag:$0x3] =	stream.indirect.gather [hbm4b:s4+s13], $0x80, s31, s13, $0xb8;
	[tilespmem:$0x10400] =	vst v63  }
0x8b: {  	_ = 	snop  }
0x8c: {  	[tilespmem:s19], [sflag:$0x3] =	stream.indirect.gather [hbm4b:s4+s13], $0x80, s25, s13, $0xb8;
	[tilespmem:$0x10400] =	vst v63  }
0x8d: {  	_ =	swait.ge [sflag:s20], $0x4000  }
0x8e: {  	[sflag:s20] =	ssyncset.done $0x0  }
0x8f: {  	[sflag:s20] =	ssyncadd.s32 $0xFFFFC000  }
0x90: {  	_ =	swait.ge [sflag:s20], $0x4000  }
0x91: {  	[sflag:s20] =	ssyncset.done $0x0  }
0x92: {  	[sflag:s20] =	ssyncadd.s32 $0xFFFFC000  }
0x93: {  	_ =	swait.ge [sflag:s20], $0x4000  }
0x94: {  	[sflag:s20] =	ssyncset.done $0x0  }
0x95: {  	[sflag:s20] =	ssyncadd.s32 $0xFFFFC000  }
0x96: {  	s26 =	sadd.s32 $0x1, s26;
	_ =	swait.ge [sflag:s20], $0x4000  }
0x97: {  	p0 =	sne.s32 s26, s6;
	[sflag:s20] =	ssyncset.done $0x0  }
.Ltmp1:
0x98: {  	[sflag:s20] =	ssyncadd.s32 $0xFFFFC000;
	(pc) =	sbr.rel @p0 .LBB2_1-.Ltmp1, $4  }
0x99: {  	[hbm4b:s9+s2] =	stream.linear.scatter [tilespmem:s14], [sflag:$0x4], $0x10000, $0x38;
	[tilespmem:$0x10400] =	vst v63  }
0x9a: {  	_ =	swait.ge [sflag:s21], $0x10000  }
0x9b: {  	[sflag:s21] =	ssyncset.done $0x0  }
0x9c: {  	[sflag:s21] =	ssyncadd.s32 $0xFFFF0000  }
0x9d: {  	_ =	sfence.sel $0x180000  }
0x9e: {  	[bflag:$0x0] =	sbarrier.arrive $0xFFFF  }
0x9f: {  	_ =	strace $0x90000053  }
0xa0: {  	s0 =	stileid.u32;
	[bflag:$0x2] =	sbarrier.arrive $0xFFFF  }
0xa1: {  	p0 =	sne.s32 s0, $0x0;
	s0 =	rddreg [dreg:$0x1]  }
0xa2: {  	s0 =	sadd.s32 @!p0 $0x100000, s0  }
0xa3: {  	[sflag:s0] =	ssyncadd.tile.s32 @!p0 $0x1;
	_ =	shalt  }
.Lfunc_end2:
_tile_overlayer_lowered:
.L_overlay_start_2:
0xa4: {  	(tag) =	ssettag $0x2  }
0xa5: {  	s0 =	rddreg [dreg:$0x0];
	s2 =	stileid.u32  }
0xa6: {  	s1 =	rddreg [dreg:$0x1];
	p0 =	sne.s32 s2, $0x0  }
0xa7: {  	s3 =	rddreg [dreg:$0x2];
	[bflag:$0x3] =	sbarrier.arrive $0xFFFF;
	s2 =	simm.s32 @!p0 $0x1C05  }
0xa8: {  	[timem:s3], [sflag:s2] =	dma.local @!p0 [hbm:s0], s1  }
0xa9: {  	s0 =	simm.s32 @!p0 $0x5  }
0xaa: {  	_ =	swait.ge @!p0 [sflag:s0], s1  }
0xab: {  	s1 =	ssub.s32 @!p0 $0x0, s1;
	[sflag:s0] =	ssyncset.done @!p0 $0x0  }
0xac: {  	[sflag:s0] =	ssyncadd.s32 @!p0 s1  }
0xad: {  	[bflag:$0x3] =	sbarrier.arrive $0xFFFF  }
0xae: {  	_ =	shalt  }

</sc_bundles>
